<compile_context>
chip_gen: v7x
topology: tpu7x:2x2x1
jax: 0.10.2.dev20260603
libtpu: 0.0.44.dev20260713+nightly
codegen_flags: <defaults>
</compile_context>

<pallas_src>
import functools

import jax
import jax.numpy as jnp
from jax import lax
from jax.experimental import pallas as pl
from jax.experimental.pallas import tpu as pltpu
from jax.experimental.pallas import tpu_sc as plsc

N = 10000
E = 320000
H = 128
A = 128
NUM_HEADS = 8
HEAD_SIZE = 16
PW = 256

NC = 2
NS = 16
NW = NC * NS
NH = 1
E2 = E // NH
EPW = E2 // NW
CHUNK = 40
NBUF = 5
GROUPS = EPW // (CHUNK * NBUF)



def _proj_body(x_ref, w_ref, b_ref, *out_refs):
    y = jnp.dot(x_ref[...], w_ref[...], preferred_element_type=jnp.float32)
    y = y + b_ref[...]
    col = 0
    for o in out_refs:
        w = o.shape[-1]
        o[...] = y[:, col:col + w]
        col += w


def _proj_node(ns2, W3, b3):
    blk = 1000
    grid = N // blk
    return pl.pallas_call(
        _proj_body,
        grid=(grid,),
        in_specs=[
            pl.BlockSpec((blk, H), lambda i: (i, 0)),
            pl.BlockSpec((H, 3 * A), lambda i: (0, 0)),
            pl.BlockSpec((1, 3 * A), lambda i: (0, 0)),
        ],
        out_specs=[
            pl.BlockSpec((blk, A), lambda i: (i, 0)),
            pl.BlockSpec((blk, 2 * A), lambda i: (i, 0)),
        ],
        out_shape=[
            jax.ShapeDtypeStruct((N, A), jnp.float32),
            jax.ShapeDtypeStruct((N, 2 * A), jnp.float32),
        ],
    )(ns2, W3, b3)



def _gather_sc(Q, KVn, src, dst):
    mesh = plsc.VectorSubcoreMesh(core_axis_name="c", subcore_axis_name="s")

    @functools.partial(
        pl.kernel, mesh=mesh,
        out_type=[
            jax.ShapeDtypeStruct((E2, A), jnp.float32),
            jax.ShapeDtypeStruct((E2, 2 * A), jnp.float32),
        ],
        scratch_types=[
            pltpu.VMEM((EPW,), jnp.int32),
            pltpu.VMEM((EPW,), jnp.int32),
            pltpu.VMEM((NBUF, CHUNK, A), jnp.float32),
            pltpu.VMEM((NBUF, CHUNK, 2 * A), jnp.float32),
            pltpu.SemaphoreType.DMA,
            pltpu.SemaphoreType.DMA,
        ],
    )
    def k(q_hbm, kv_hbm, src_hbm, dst_hbm, qg_hbm, kvg_hbm,
          sidx, didx, qbufs, kvbufs, gsem, wsem):
        wid = lax.axis_index("s") * NC + lax.axis_index("c")
        wbase = wid * EPW
        pltpu.sync_copy(src_hbm.at[pl.ds(wbase, EPW)], sidx)
        pltpu.sync_copy(dst_hbm.at[pl.ds(wbase, EPW)], didx)

        def body(g, _):
            cps = []
            for b in range(NBUF):
                i = g * NBUF + b
                base = wbase + i * CHUNK

                @pl.when(g > 0)
                def _drain():
                    pltpu.make_async_copy(
                        qbufs.at[b], qg_hbm.at[pl.ds(base, CHUNK)], wsem
                    ).wait()
                    pltpu.make_async_copy(
                        kvbufs.at[b], kvg_hbm.at[pl.ds(base, CHUNK)], wsem
                    ).wait()

                cq = pltpu.async_copy(
                    q_hbm.at[sidx.at[pl.ds(i * CHUNK, CHUNK)]],
                    qbufs.at[b], gsem)
                ckv = pltpu.async_copy(
                    kv_hbm.at[didx.at[pl.ds(i * CHUNK, CHUNK)]],
                    kvbufs.at[b], gsem)
                cps.append((cq, ckv))
            for b in range(NBUF):
                i = g * NBUF + b
                base = wbase + i * CHUNK
                cq, ckv = cps[b]
                cq.wait()
                ckv.wait()
                pltpu.async_copy(qbufs.at[b],
                                 qg_hbm.at[pl.ds(base, CHUNK)], wsem)
                pltpu.async_copy(kvbufs.at[b],
                                 kvg_hbm.at[pl.ds(base, CHUNK)], wsem)
            return 0

        lax.fori_loop(0, GROUPS, body, 0)
        for b in range(NBUF):
            base = wbase + ((GROUPS - 1) * NBUF + b) * CHUNK
            pltpu.make_async_copy(
                qbufs.at[b], qg_hbm.at[pl.ds(base, CHUNK)], wsem).wait()
            pltpu.make_async_copy(
                kvbufs.at[b], kvg_hbm.at[pl.ds(base, CHUNK)], wsem).wait()

    return k(Q, KVn, src, dst)



def _edge_body(qg_ref, kvg_ref, ev_ref, w2_ref, b2_ref, out_ref):
    qg = qg_ref[...]
    kvg = kvg_ref[...]
    kve = jnp.dot(ev_ref[...], w2_ref[...],
                  preferred_element_type=jnp.float32) + b2_ref[...]
    kn = kvg[:, :A] + kve[:, :A]
    vn = kvg[:, A:] + kve[:, A:]
    t = qg * kn
    d_i = lax.broadcasted_iota(jnp.int32, (A, NUM_HEADS), 0)
    h_i = lax.broadcasted_iota(jnp.int32, (A, NUM_HEADS), 1)
    G = (d_i // HEAD_SIZE == h_i).astype(jnp.float32)
    logits = jnp.dot(t, G, preferred_element_type=jnp.float32) * 0.25
    ex = jnp.exp(logits)
    exb = jnp.dot(ex, G.T, preferred_element_type=jnp.float32)
    prod = exb * vn
    out_ref[...] = jnp.concatenate([prod, exb], axis=1)


def _edgewise(Qg, KVg, ev_h, W2, b2):
    blk = 2000
    grid = E2 // blk
    return pl.pallas_call(
        _edge_body,
        grid=(grid,),
        in_specs=[
            pl.BlockSpec((blk, A), lambda i: (i, 0)),
            pl.BlockSpec((blk, 2 * A), lambda i: (i, 0)),
            pl.BlockSpec((blk, H), lambda i: (i, 0)),
            pl.BlockSpec((H, 2 * A), lambda i: (0, 0)),
            pl.BlockSpec((1, 2 * A), lambda i: (0, 0)),
        ],
        out_specs=[pl.BlockSpec((blk, PW), lambda i: (i, 0))],
        out_shape=[jax.ShapeDtypeStruct((E2, PW), jnp.float32)],
    )(Qg, KVg, ev_h, W2, b2)[0]



def _scatter_sc(P0, src, zeros_acc):
    mesh = plsc.VectorSubcoreMesh(core_axis_name="c", subcore_axis_name="s")
    rpt = 624

    @functools.partial(
        pl.kernel, mesh=mesh,
        out_type=jax.ShapeDtypeStruct((NC * 2 * N, A), jnp.float32),
        scratch_types=(
            [pltpu.VMEM((CHUNK,), jnp.int32) for _ in range(NBUF)] + [
                pltpu.VMEM((NBUF, CHUNK, A), jnp.float32),
                pltpu.VMEM_SHARED((N, A), jnp.float32),
                pltpu.SemaphoreType.DMA,
                pltpu.SemaphoreType.DMA,
            ]
        ),
    )
    def k(p0_hbm, src_hbm, zeros_hbm, out_hbm,
          ib0, ib1, ib2, ib3, ib4, pbufs, acc, lsem, ssem):
        ibufs = [ib0, ib1, ib2, ib3, ib4]
        c = lax.axis_index("c")
        s = lax.axis_index("s")
        wid = s * NC + c

        for phase in range(2):
            @pl.when(s == 0)
            def _init():
                pltpu.sync_copy(zeros_hbm, acc)

            plsc.subcore_barrier()

            for hi, p_hbm in enumerate([p0_hbm]):
                pbase = wid * EPW
                sbase = pbase

                def body(g, _):
                    cps = []
                    for b in range(NBUF):
                        off = (g * NBUF + b) * CHUNK

                        def _drain():
                            pltpu.make_async_copy(
                                pbufs.at[b], acc.at[pl.ds(0, CHUNK)],
                                ssem).wait()
                        if hi == 0:
                            pl.when(g > 0)(_drain)
                        else:
                            _drain()

                        ci = pltpu.async_copy(
                            src_hbm.at[pl.ds(sbase + off, CHUNK)],
                            ibufs[b], lsem)
                        cp = pltpu.async_copy(
                            p_hbm.at[pl.ds(pbase + off, CHUNK),
                                     pl.ds(phase * A, A)],
                            pbufs.at[b], lsem)
                        cps.append((ci, cp))
                    for b in range(NBUF):
                        ci, cp = cps[b]
                        ci.wait()
                        cp.wait()
                        pltpu.async_copy(pbufs.at[b], acc.at[ibufs[b]], ssem,
                                         add=True)
                    return 0

                lax.fori_loop(0, GROUPS, body, 0)
            for b in range(NBUF):
                pltpu.make_async_copy(
                    pbufs.at[b], acc.at[pl.ds(0, CHUNK)], ssem).wait()
            plsc.subcore_barrier()
            obase = (c * 2 + phase) * N
            rbase = s * rpt
            pltpu.sync_copy(acc.at[pl.ds(rbase, rpt)],
                            out_hbm.at[pl.ds(obase + rbase, rpt)])

            @pl.when(s == NS - 1)
            def _tail():
                tb = NS * rpt
                pltpu.sync_copy(acc.at[pl.ds(tb, N - tb)],
                                out_hbm.at[pl.ds(obase + tb, N - tb)])

            plsc.subcore_barrier()

    return k(P0, src, zeros_acc)



def _final_body(acc_ref, out_ref):
    num = acc_ref[0, 0] + acc_ref[1, 0]
    den = acc_ref[0, 1] + acc_ref[1, 1]
    out_ref[...] = jnp.where(den > 0.0, num / den, 0.0)


def _finalize(acc):
    blk = 1000
    grid = N // blk
    return pl.pallas_call(
        _final_body,
        grid=(grid,),
        in_specs=[pl.BlockSpec((NC, 2, blk, A), lambda i: (0, 0, i, 0))],
        out_specs=[pl.BlockSpec((blk, A), lambda i: (i, 0))],
        out_shape=[jax.ShapeDtypeStruct((N, A), jnp.float32)],
    )(acc)[0]



def kernel(node_states, edge_values, edge_batch, edge_src, edge_dst,
           Wq, bq, Wk, bk, Wv, bv, Wve, bve):
    ns2 = node_states.reshape(N, H)
    W3 = jnp.concatenate([Wq, Wk, Wv], axis=1)
    b3 = jnp.concatenate([bq, bk, bv]).reshape(1, 3 * A)
    W2 = jnp.concatenate([Wk, Wve], axis=1)
    b2 = jnp.concatenate([bk, bve]).reshape(1, 2 * A)

    Q, KVn = _proj_node(ns2, W3, b3)
    Qg, KVg = _gather_sc(Q, KVn, edge_src, edge_dst)
    P = _edgewise(Qg, KVg, edge_values, W2, b2)
    acc = _scatter_sc(P, edge_src, jnp.zeros((N, A), jnp.float32))
    out = _finalize(acc.reshape(NC, 2, N, A))
    return out.reshape(1, N, A)

# --- scband reference (transcript-rebuilt; emitter-appended) ---
"""Pipeline reference for scband-gatbert-self-attention-15358803050998 (READ-ONLY COPY).

The authoritative reference and input builder live on the scoring server;
editing this copy changes nothing except your own understanding.
"""

import jax, jax.numpy as jnp
import numpy as np

B, N, H = 1, 10000, 128
E = 320000
NUM_HEADS, HEAD_SIZE = 8, 16
A = NUM_HEADS * HEAD_SIZE


def setup_inputs(seed: int = 0) -> dict:
    key = jax.random.key(seed)
    ks = jax.random.split(key, 14)
    node_states = jax.random.normal(ks[0], (B, N, H), dtype=jnp.float32)
    edge_values = jax.random.normal(ks[1], (E, H), dtype=jnp.float32)
    edge_batch = jnp.zeros((E,), dtype=jnp.int32)
    edge_src = jnp.sort(jax.random.randint(ks[2], (E,), 0, N, dtype=jnp.int32))
    edge_dst = jax.random.randint(ks[3], (E,), 0, N, dtype=jnp.int32)
    s = 1.0 / np.sqrt(H)
    Wq = jax.random.normal(ks[4], (H, A), jnp.float32) * s
    bq = jnp.zeros((A,), jnp.float32)
    Wk = jax.random.normal(ks[5], (H, A), jnp.float32) * s
    bk = jnp.zeros((A,), jnp.float32)
    Wv = jax.random.normal(ks[6], (H, A), jnp.float32) * s
    bv = jnp.zeros((A,), jnp.float32)
    Wve = jax.random.normal(ks[7], (H, A), jnp.float32) * s
    bve = jnp.zeros((A,), jnp.float32)
    return {"node_states": node_states, "edge_values": edge_values,
            "edge_batch": edge_batch, "edge_src": edge_src, "edge_dst": edge_dst,
            "Wq": Wq, "bq": bq, "Wk": Wk, "bk": bk, "Wv": Wv, "bv": bv,
            "Wve": Wve, "bve": bve}


def reference(node_states, edge_values, edge_batch, edge_src, edge_dst,
              Wq, bq, Wk, bk, Wv, bv, Wve, bve):
    Bq, Nn, _ = node_states.shape
    Q = node_states @ Wq + bq
    K_node = node_states @ Wk + bk
    V_node = node_states @ Wv + bv
    K_edge = edge_values @ Wk + bk
    V_edge = edge_values @ Wve + bve
    # gather per-edge Q (src) and K/V (dst)
    Qm = Q[edge_batch, edge_src].reshape(-1, NUM_HEADS, HEAD_SIZE)
    Kn = K_node[edge_batch, edge_dst].reshape(-1, NUM_HEADS, HEAD_SIZE)
    inv_sqrt = 1.0 / jnp.sqrt(jnp.float32(HEAD_SIZE))
    node2node = jnp.sum(Qm * Kn, axis=-1) * inv_sqrt
    Ke = K_edge.reshape(-1, NUM_HEADS, HEAD_SIZE)
    node2edge = jnp.sum(Qm * Ke, axis=-1) * inv_sqrt
    logits = node2node + node2edge  # [E, heads]
    # sparse softmax over dst per (batch, src) segment
    seg = edge_batch * Nn + edge_src
    num_seg = Bq * Nn
    m = jax.ops.segment_max(logits, seg, num_segments=num_seg)
    m = jax.lax.stop_gradient(m)
    ex = jnp.exp(logits - m[seg])
    denom = jax.ops.segment_sum(ex, seg, num_segments=num_seg)
    attn = ex / denom[seg]  # [E, heads]
    Vm = (V_node[edge_batch, edge_dst] + V_edge).reshape(-1, NUM_HEADS, HEAD_SIZE)
    prod = attn[..., None] * Vm
    prod = prod.reshape(prod.shape[0], -1)  # [E, A]
    # scatter-add aggregation back to (batch*nodes)
    out = jax.ops.segment_sum(prod, seg, num_segments=num_seg)
    return out.reshape(Bq, Nn, -1)

if __name__ == "__main__":
    import jax
    _d = setup_inputs()
    print(jax.jit(kernel)(*tuple(_d.values())))

</pallas_src>

<mosaic_0001>
#map = affine_map<(d0, d1) -> (0, 0)>
#map1 = affine_map<(d0, d1) -> (0)>
module attributes {stable_mosaic.version = 14 : i64} {
  func.func @k(%arg0: i32, %arg1: i32, %arg2: memref<10000x128xf32, #tpu.memory_space<hbm>>, %arg3: memref<10000x256xf32, #tpu.memory_space<hbm>>, %arg4: memref<320000xi32, #tpu.memory_space<hbm>>, %arg5: memref<320000xi32, #tpu.memory_space<hbm>>, %arg6: memref<320000x128xf32, #tpu.memory_space<hbm>>, %arg7: memref<320000x256xf32, #tpu.memory_space<hbm>>, %arg8: memref<10000xi32, #tpu.memory_space<vmem>>, %arg9: memref<10000xi32, #tpu.memory_space<vmem>>, %arg10: memref<5x40x128xf32, #tpu.memory_space<vmem>>, %arg11: memref<5x40x256xf32, #tpu.memory_space<vmem>>, %arg12: memref<!tpu.dma_semaphore, #tpu.memory_space<semaphore_mem>>, %arg13: memref<!tpu.dma_semaphore, #tpu.memory_space<semaphore_mem>>) attributes {dimension_semantics = [#tpu.dimension_semantics<core_parallel>, #tpu.dimension_semantics<subcore_parallel>], iteration_bounds = array<i64: 2, 16>, scalar_prefetch = 0 : i64, scratch_operands = 6 : i64, tpu.core_type = #tpu.core_type<sc_vector_subcore>, window_params = [{transform_indices = #map}, {transform_indices = #map}, {transform_indices = #map1}, {transform_indices = #map1}, {transform_indices = #map}, {transform_indices = #map}]} {
    %mul3A = arith.constant 2 : i32
    %mul3A_0 = arith.muli %arg1, %mul3A : i32
    %add3A = arith.addi %mul3A_0, %arg0 : i32
    %mul3A_1 = arith.constant 10000 : i32
    %mul3A_2 = arith.muli %add3A, %mul3A_1 : i32
    "tpu.region"() ({
      %run_scoped3A = tpu.sem_alloc : memref<!tpu.dma_semaphore, #tpu.memory_space<semaphore_mem>>
      %dma_start3A = tpu.memref_slice %arg4[%mul3A_2] : memref<320000xi32, #tpu.memory_space<hbm>> -> memref<10000xi32, #tpu.memory_space<hbm>>
      %dma_start3A_148 = tpu.memref_slice %arg4[%mul3A_2] : memref<320000xi32, #tpu.memory_space<hbm>> -> memref<10000xi32, #tpu.memory_space<hbm>>
      tpu.enqueue_dma source(%dma_start3A_148 : memref<10000xi32, #tpu.memory_space<hbm>>) target(%arg8 : memref<10000xi32, #tpu.memory_space<vmem>>) target_semaphore(%run_scoped3A : memref<!tpu.dma_semaphore, #tpu.memory_space<semaphore_mem>>)
      %dma_wait3A_149 = tpu.memref_slice %arg4[%mul3A_2] : memref<320000xi32, #tpu.memory_space<hbm>> -> memref<10000xi32, #tpu.memory_space<hbm>>
      %dma_wait3A_150 = tpu.memref_slice %arg4[%mul3A_2] : memref<320000xi32, #tpu.memory_space<hbm>> -> memref<10000xi32, #tpu.memory_space<hbm>>
      tpu.wait_dma2 semaphore(%run_scoped3A : memref<!tpu.dma_semaphore, #tpu.memory_space<semaphore_mem>>) src(%dma_wait3A_150 : memref<10000xi32, #tpu.memory_space<hbm>>) dst(%arg8 : memref<10000xi32, #tpu.memory_space<vmem>>)
      tpu.yield
    }) : () -> ()
    "tpu.region"() ({
      %run_scoped3A = tpu.sem_alloc : memref<!tpu.dma_semaphore, #tpu.memory_space<semaphore_mem>>
      %dma_start3A = tpu.memref_slice %arg5[%mul3A_2] : memref<320000xi32, #tpu.memory_space<hbm>> -> memref<10000xi32, #tpu.memory_space<hbm>>
      %dma_start3A_148 = tpu.memref_slice %arg5[%mul3A_2] : memref<320000xi32, #tpu.memory_space<hbm>> -> memref<10000xi32, #tpu.memory_space<hbm>>
      tpu.enqueue_dma source(%dma_start3A_148 : memref<10000xi32, #tpu.memory_space<hbm>>) target(%arg9 : memref<10000xi32, #tpu.memory_space<vmem>>) target_semaphore(%run_scoped3A : memref<!tpu.dma_semaphore, #tpu.memory_space<semaphore_mem>>)
      %dma_wait3A_149 = tpu.memref_slice %arg5[%mul3A_2] : memref<320000xi32, #tpu.memory_space<hbm>> -> memref<10000xi32, #tpu.memory_space<hbm>>
      %dma_wait3A_150 = tpu.memref_slice %arg5[%mul3A_2] : memref<320000xi32, #tpu.memory_space<hbm>> -> memref<10000xi32, #tpu.memory_space<hbm>>
      tpu.wait_dma2 semaphore(%run_scoped3A : memref<!tpu.dma_semaphore, #tpu.memory_space<semaphore_mem>>) src(%dma_wait3A_150 : memref<10000xi32, #tpu.memory_space<hbm>>) dst(%arg9 : memref<10000xi32, #tpu.memory_space<vmem>>)
      tpu.yield
    }) : () -> ()
    %scan3A = arith.constant 0 : i32
    %scan3A_3 = arith.constant 0 : i32
    %scan3A_4 = arith.constant 50 : i32
    %scan3A_5 = arith.addi %scan3A_3, %scan3A_4 : i32
    %scan3A_6 = arith.constant 1 : i32
    %scan3A_7 = scf.for %scan3A_148 = %scan3A_3 to %scan3A_5 step %scan3A_6 iter_args(%scan3A_149 = %scan3A) -> (i32)  : i32 {
      %mul3A_150 = arith.constant 5 : i32
      %mul3A_151 = arith.muli %scan3A_148, %mul3A_150 : i32
      %add3A_152 = arith.constant 0 : i32
      %add3A_153 = arith.addi %mul3A_151, %add3A_152 : i32
      %mul3A_154 = arith.constant 40 : i32
      %mul3A_155 = arith.muli %add3A_153, %mul3A_154 : i32
      %add3A_156 = arith.addi %mul3A_2, %mul3A_155 : i32
      %gt3A = arith.constant 0 : i32
      %gt3A_157 = arith.cmpi sgt, %scan3A_148, %gt3A : i32
      %convert_element_type3A = arith.extui %gt3A_157 : i1 to i32
      %cond3A = arith.constant 0 : i32
      %cond3A_158 = arith.cmpi ne, %convert_element_type3A, %cond3A : i32
      scf.if %cond3A_158 {
        %dma_wait3A_572 = arith.constant 0 : i32
        %dma_wait3A_573 = arith.constant 0 : i32
        %dma_wait3A_574 = arith.constant 0 : i32
        %dma_wait3A_575 = tpu.memref_slice %arg10[%dma_wait3A_572, %dma_wait3A_573, %dma_wait3A_574] : memref<5x40x128xf32, #tpu.memory_space<vmem>> -> memref<1x40x128xf32, #tpu.memory_space<vmem>>
        %dma_wait3A_576 = tpu.memref_squeeze %dma_wait3A_575 : memref<1x40x128xf32, #tpu.memory_space<vmem>> -> memref<40x128xf32, #tpu.memory_space<vmem>>
        %dma_wait3A_577 = arith.constant 0 : i32
        %dma_wait3A_578 = tpu.memref_slice %arg6[%add3A_156, %dma_wait3A_577] : memref<320000x128xf32, #tpu.memory_space<hbm>> -> memref<40x128xf32, #tpu.memory_space<hbm>>
        %dma_wait3A_579 = arith.constant 0 : i32
        %dma_wait3A_580 = tpu.memref_slice %arg6[%add3A_156, %dma_wait3A_579] : memref<320000x128xf32, #tpu.memory_space<hbm>> -> memref<40x128xf32, #tpu.memory_space<hbm>>
        %dma_wait3A_581 = arith.constant 0 : i32
        %dma_wait3A_582 = arith.constant 0 : i32
        %dma_wait3A_583 = tpu.memref_slice %arg10[%dma_wait3A_572, %dma_wait3A_581, %dma_wait3A_582] : memref<5x40x128xf32, #tpu.memory_space<vmem>> -> memref<1x40x128xf32, #tpu.memory_space<vmem>>
        %dma_wait3A_584 = tpu.memref_squeeze %dma_wait3A_583 : memref<1x40x128xf32, #tpu.memory_space<vmem>> -> memref<40x128xf32, #tpu.memory_space<vmem>>
        tpu.wait_dma2 semaphore(%arg13 : memref<!tpu.dma_semaphore, #tpu.memory_space<semaphore_mem>>) src(%dma_wait3A_584 : memref<40x128xf32, #tpu.memory_space<vmem>>) dst(%dma_wait3A_580 : memref<40x128xf32, #tpu.memory_space<hbm>>)
        %dma_wait3A_585 = arith.constant 0 : i32
        %dma_wait3A_586 = arith.constant 0 : i32
        %dma_wait3A_587 = arith.constant 0 : i32
        %dma_wait3A_588 = tpu.memref_slice %arg11[%dma_wait3A_585, %dma_wait3A_586, %dma_wait3A_587] : memref<5x40x256xf32, #tpu.memory_space<vmem>> -> memref<1x40x256xf32, #tpu.memory_space<vmem>>
        %dma_wait3A_589 = tpu.memref_squeeze %dma_wait3A_588 : memref<1x40x256xf32, #tpu.memory_space<vmem>> -> memref<40x256xf32, #tpu.memory_space<vmem>>
        %dma_wait3A_590 = arith.constant 0 : i32
        %dma_wait3A_591 = tpu.memref_slice %arg7[%add3A_156, %dma_wait3A_590] : memref<320000x256xf32, #tpu.memory_space<hbm>> -> memref<40x256xf32, #tpu.memory_space<hbm>>
        %dma_wait3A_592 = arith.constant 0 : i32
        %dma_wait3A_593 = tpu.memref_slice %arg7[%add3A_156, %dma_wait3A_592] : memref<320000x256xf32, #tpu.memory_space<hbm>> -> memref<40x256xf32, #tpu.memory_space<hbm>>
        %dma_wait3A_594 = arith.constant 0 : i32
        %dma_wait3A_595 = arith.constant 0 : i32
        %dma_wait3A_596 = tpu.memref_slice %arg11[%dma_wait3A_585, %dma_wait3A_594, %dma_wait3A_595] : memref<5x40x256xf32, #tpu.memory_space<vmem>> -> memref<1x40x256xf32, #tpu.memory_space<vmem>>
        %dma_wait3A_597 = tpu.memref_squeeze %dma_wait3A_596 : memref<1x40x256xf32, #tpu.memory_space<vmem>> -> memref<40x256xf32, #tpu.memory_space<vmem>>
        tpu.wait_dma2 semaphore(%arg13 : memref<!tpu.dma_semaphore, #tpu.memory_space<semaphore_mem>>) src(%dma_wait3A_597 : memref<40x256xf32, #tpu.memory_space<vmem>>) dst(%dma_wait3A_593 : memref<40x256xf32, #tpu.memory_space<hbm>>)
      } else {
      }
      %mul3A_159 = arith.constant 40 : i32
      %mul3A_160 = arith.muli %add3A_153, %mul3A_159 : i32
      %dma_start3A = arith.constant 0 : i32
      %dma_start3A_161 = arith.constant 0 : i32
      %dma_start3A_162 = arith.constant 0 : i32
      %dma_start3A_163 = tpu.memref_slice %arg10[%dma_start3A, %dma_start3A_161, %dma_start3A_162] : memref<5x40x128xf32, #tpu.memory_space<vmem>> -> memref<1x40x128xf32, #tpu.memory_space<vmem>>
      %dma_start3A_164 = tpu.memref_squeeze %dma_start3A_163 : memref<1x40x128xf32, #tpu.memory_space<vmem>> -> memref<40x128xf32, #tpu.memory_space<vmem>>
      %dma_start3A_165 = tpu.memref_slice %arg8[%mul3A_160] : memref<10000xi32, #tpu.memory_space<vmem>> -> memref<40xi32, #tpu.memory_space<vmem>>
      %dma_start3A_166 = arith.constant 0 : i32
      %dma_start3A_167 = arith.constant 0 : i32
      %dma_start3A_168 = tpu.memref_slice %arg2[%dma_start3A_166, %dma_start3A_167] : memref<10000x128xf32, #tpu.memory_space<hbm>> -> memref<10000x128xf32, #tpu.memory_space<hbm>>
      tpu.enqueue_indirect_dma source(%dma_start3A_168 : memref<10000x128xf32, #tpu.memory_space<hbm>>) target(%dma_start3A_164 : memref<40x128xf32, #tpu.memory_space<vmem>>) offsets(%dma_start3A_165 : memref<40xi32, #tpu.memory_space<vmem>>) semaphore(%arg12 : memref<!tpu.dma_semaphore, #tpu.memory_space<semaphore_mem>>)
      %mul3A_169 = arith.constant 40 : i32
      %mul3A_170 = arith.muli %add3A_153, %mul3A_169 : i32
      %dma_start3A_171 = arith.constant 0 : i32
      %dma_start3A_172 = arith.constant 0 : i32
      %dma_start3A_173 = arith.constant 0 : i32
      %dma_start3A_174 = tpu.memref_slice %arg11[%dma_start3A_171, %dma_start3A_172, %dma_start3A_173] : memref<5x40x256xf32, #tpu.memory_space<vmem>> -> memref<1x40x256xf32, #tpu.memory_space<vmem>>
      %dma_start3A_175 = tpu.memref_squeeze %dma_start3A_174 : memref<1x40x256xf32, #tpu.memory_space<vmem>> -> memref<40x256xf32, #tpu.memory_space<vmem>>
      %dma_start3A_176 = tpu.memref_slice %arg9[%mul3A_170] : memref<10000xi32, #tpu.memory_space<vmem>> -> memref<40xi32, #tpu.memory_space<vmem>>
      %dma_start3A_177 = arith.constant 0 : i32
      %dma_start3A_178 = arith.constant 0 : i32
      %dma_start3A_179 = tpu.memref_slice %arg3[%dma_start3A_177, %dma_start3A_178] : memref<10000x256xf32, #tpu.memory_space<hbm>> -> memref<10000x256xf32, #tpu.memory_space<hbm>>
      tpu.enqueue_indirect_dma source(%dma_start3A_179 : memref<10000x256xf32, #tpu.memory_space<hbm>>) target(%dma_start3A_175 : memref<40x256xf32, #tpu.memory_space<vmem>>) offsets(%dma_start3A_176 : memref<40xi32, #tpu.memory_space<vmem>>) semaphore(%arg12 : memref<!tpu.dma_semaphore, #tpu.memory_space<semaphore_mem>>)
      %mul3A_180 = arith.constant 5 : i32
      %mul3A_181 = arith.muli %scan3A_148, %mul3A_180 : i32
      %add3A_182 = arith.constant 1 : i32
      %add3A_183 = arith.addi %mul3A_181, %add3A_182 : i32
      %mul3A_184 = arith.constant 40 : i32
      %mul3A_185 = arith.muli %add3A_183, %mul3A_184 : i32
      %add3A_186 = arith.addi %mul3A_2, %mul3A_185 : i32
      %gt3A_187 = arith.constant 0 : i32
      %gt3A_188 = arith.cmpi sgt, %scan3A_148, %gt3A_187 : i32
      %convert_element_type3A_189 = arith.extui %gt3A_188 : i1 to i32
      %cond3A_190 = arith.constant 0 : i32
      %cond3A_191 = arith.cmpi ne, %convert_element_type3A_189, %cond3A_190 : i32
      scf.if %cond3A_191 {
        %dma_wait3A_572 = arith.constant 1 : i32
        %dma_wait3A_573 = arith.constant 0 : i32
        %dma_wait3A_574 = arith.constant 0 : i32
        %dma_wait3A_575 = tpu.memref_slice %arg10[%dma_wait3A_572, %dma_wait3A_573, %dma_wait3A_574] : memref<5x40x128xf32, #tpu.memory_space<vmem>> -> memref<1x40x128xf32, #tpu.memory_space<vmem>>
        %dma_wait3A_576 = tpu.memref_squeeze %dma_wait3A_575 : memref<1x40x128xf32, #tpu.memory_space<vmem>> -> memref<40x128xf32, #tpu.memory_space<vmem>>
        %dma_wait3A_577 = arith.constant 0 : i32
        %dma_wait3A_578 = tpu.memref_slice %arg6[%add3A_186, %dma_wait3A_577] : memref<320000x128xf32, #tpu.memory_space<hbm>> -> memref<40x128xf32, #tpu.memory_space<hbm>>
        %dma_wait3A_579 = arith.constant 0 : i32
        %dma_wait3A_580 = tpu.memref_slice %arg6[%add3A_186, %dma_wait3A_579] : memref<320000x128xf32, #tpu.memory_space<hbm>> -> memref<40x128xf32, #tpu.memory_space<hbm>>
        %dma_wait3A_581 = arith.constant 0 : i32
        %dma_wait3A_582 = arith.constant 0 : i32
        %dma_wait3A_583 = tpu.memref_slice %arg10[%dma_wait3A_572, %dma_wait3A_581, %dma_wait3A_582] : memref<5x40x128xf32, #tpu.memory_space<vmem>> -> memref<1x40x128xf32, #tpu.memory_space<vmem>>
        %dma_wait3A_584 = tpu.memref_squeeze %dma_wait3A_583 : memref<1x40x128xf32, #tpu.memory_space<vmem>> -> memref<40x128xf32, #tpu.memory_space<vmem>>
        tpu.wait_dma2 semaphore(%arg13 : memref<!tpu.dma_semaphore, #tpu.memory_space<semaphore_mem>>) src(%dma_wait3A_584 : memref<40x128xf32, #tpu.memory_space<vmem>>) dst(%dma_wait3A_580 : memref<40x128xf32, #tpu.memory_space<hbm>>)
        %dma_wait3A_585 = arith.constant 1 : i32
        %dma_wait3A_586 = arith.constant 0 : i32
        %dma_wait3A_587 = arith.constant 0 : i32
        %dma_wait3A_588 = tpu.memref_slice %arg11[%dma_wait3A_585, %dma_wait3A_586, %dma_wait3A_587] : memref<5x40x256xf32, #tpu.memory_space<vmem>> -> memref<1x40x256xf32, #tpu.memory_space<vmem>>
        %dma_wait3A_589 = tpu.memref_squeeze %dma_wait3A_588 : memref<1x40x256xf32, #tpu.memory_space<vmem>> -> memref<40x256xf32, #tpu.memory_space<vmem>>
        %dma_wait3A_590 = arith.constant 0 : i32
        %dma_wait3A_591 = tpu.memref_slice %arg7[%add3A_186, %dma_wait3A_590] : memref<320000x256xf32, #tpu.memory_space<hbm>> -> memref<40x256xf32, #tpu.memory_space<hbm>>
        %dma_wait3A_592 = arith.constant 0 : i32
        %dma_wait3A_593 = tpu.memref_slice %arg7[%add3A_186, %dma_wait3A_592] : memref<320000x256xf32, #tpu.memory_space<hbm>> -> memref<40x256xf32, #tpu.memory_space<hbm>>
        %dma_wait3A_594 = arith.constant 0 : i32
        %dma_wait3A_595 = arith.constant 0 : i32
        %dma_wait3A_596 = tpu.memref_slice %arg11[%dma_wait3A_585, %dma_wait3A_594, %dma_wait3A_595] : memref<5x40x256xf32, #tpu.memory_space<vmem>> -> memref<1x40x256xf32, #tpu.memory_space<vmem>>
        %dma_wait3A_597 = tpu.memref_squeeze %dma_wait3A_596 : memref<1x40x256xf32, #tpu.memory_space<vmem>> -> memref<40x256xf32, #tpu.memory_space<vmem>>
        tpu.wait_dma2 semaphore(%arg13 : memref<!tpu.dma_semaphore, #tpu.memory_space<semaphore_mem>>) src(%dma_wait3A_597 : memref<40x256xf32, #tpu.memory_space<vmem>>) dst(%dma_wait3A_593 : memref<40x256xf32, #tpu.memory_space<hbm>>)
      } else {
      }
      %mul3A_192 = arith.constant 40 : i32
      %mul3A_193 = arith.muli %add3A_183, %mul3A_192 : i32
      %dma_start3A_194 = arith.constant 1 : i32
      %dma_start3A_195 = arith.constant 0 : i32
      %dma_start3A_196 = arith.constant 0 : i32
      %dma_start3A_197 = tpu.memref_slice %arg10[%dma_start3A_194, %dma_start3A_195, %dma_start3A_196] : memref<5x40x128xf32, #tpu.memory_space<vmem>> -> memref<1x40x128xf32, #tpu.memory_space<vmem>>
      %dma_start3A_198 = tpu.memref_squeeze %dma_start3A_197 : memref<1x40x128xf32, #tpu.memory_space<vmem>> -> memref<40x128xf32, #tpu.memory_space<vmem>>
      %dma_start3A_199 = tpu.memref_slice %arg8[%mul3A_193] : memref<10000xi32, #tpu.memory_space<vmem>> -> memref<40xi32, #tpu.memory_space<vmem>>
      %dma_start3A_200 = arith.constant 0 : i32
      %dma_start3A_201 = arith.constant 0 : i32
      %dma_start3A_202 = tpu.memref_slice %arg2[%dma_start3A_200, %dma_start3A_201] : memref<10000x128xf32, #tpu.memory_space<hbm>> -> memref<10000x128xf32, #tpu.memory_space<hbm>>
      tpu.enqueue_indirect_dma source(%dma_start3A_202 : memref<10000x128xf32, #tpu.memory_space<hbm>>) target(%dma_start3A_198 : memref<40x128xf32, #tpu.memory_space<vmem>>) offsets(%dma_start3A_199 : memref<40xi32, #tpu.memory_space<vmem>>) semaphore(%arg12 : memref<!tpu.dma_semaphore, #tpu.memory_space<semaphore_mem>>)
      %mul3A_203 = arith.constant 40 : i32
      %mul3A_204 = arith.muli %add3A_183, %mul3A_203 : i32
      %dma_start3A_205 = arith.constant 1 : i32
      %dma_start3A_206 = arith.constant 0 : i32
      %dma_start3A_207 = arith.constant 0 : i32
      %dma_start3A_208 = tpu.memref_slice %arg11[%dma_start3A_205, %dma_start3A_206, %dma_start3A_207] : memref<5x40x256xf32, #tpu.memory_space<vmem>> -> memref<1x40x256xf32, #tpu.memory_space<vmem>>
      %dma_start3A_209 = tpu.memref_squeeze %dma_start3A_208 : memref<1x40x256xf32, #tpu.memory_space<vmem>> -> memref<40x256xf32, #tpu.memory_space<vmem>>
      %dma_start3A_210 = tpu.memref_slice %arg9[%mul3A_204] : memref<10000xi32, #tpu.memory_space<vmem>> -> memref<40xi32, #tpu.memory_space<vmem>>
      %dma_start3A_211 = arith.constant 0 : i32
      %dma_start3A_212 = arith.constant 0 : i32
      %dma_start3A_213 = tpu.memref_slice %arg3[%dma_start3A_211, %dma_start3A_212] : memref<10000x256xf32, #tpu.memory_space<hbm>> -> memref<10000x256xf32, #tpu.memory_space<hbm>>
      tpu.enqueue_indirect_dma source(%dma_start3A_213 : memref<10000x256xf32, #tpu.memory_space<hbm>>) target(%dma_start3A_209 : memref<40x256xf32, #tpu.memory_space<vmem>>) offsets(%dma_start3A_210 : memref<40xi32, #tpu.memory_space<vmem>>) semaphore(%arg12 : memref<!tpu.dma_semaphore, #tpu.memory_space<semaphore_mem>>)
      %mul3A_214 = arith.constant 5 : i32
      %mul3A_215 = arith.muli %scan3A_148, %mul3A_214 : i32
      %add3A_216 = arith.constant 2 : i32
      %add3A_217 = arith.addi %mul3A_215, %add3A_216 : i32
      %mul3A_218 = arith.constant 40 : i32
      %mul3A_219 = arith.muli %add3A_217, %mul3A_218 : i32
      %add3A_220 = arith.addi %mul3A_2, %mul3A_219 : i32
      %gt3A_221 = arith.constant 0 : i32
      %gt3A_222 = arith.cmpi sgt, %scan3A_148, %gt3A_221 : i32
      %convert_element_type3A_223 = arith.extui %gt3A_222 : i1 to i32
      %cond3A_224 = arith.constant 0 : i32
      %cond3A_225 = arith.cmpi ne, %convert_element_type3A_223, %cond3A_224 : i32
      scf.if %cond3A_225 {
        %dma_wait3A_572 = arith.constant 2 : i32
        %dma_wait3A_573 = arith.constant 0 : i32
        %dma_wait3A_574 = arith.constant 0 : i32
        %dma_wait3A_575 = tpu.memref_slice %arg10[%dma_wait3A_572, %dma_wait3A_573, %dma_wait3A_574] : memref<5x40x128xf32, #tpu.memory_space<vmem>> -> memref<1x40x128xf32, #tpu.memory_space<vmem>>
        %dma_wait3A_576 = tpu.memref_squeeze %dma_wait3A_575 : memref<1x40x128xf32, #tpu.memory_space<vmem>> -> memref<40x128xf32, #tpu.memory_space<vmem>>
        %dma_wait3A_577 = arith.constant 0 : i32
        %dma_wait3A_578 = tpu.memref_slice %arg6[%add3A_220, %dma_wait3A_577] : memref<320000x128xf32, #tpu.memory_space<hbm>> -> memref<40x128xf32, #tpu.memory_space<hbm>>
        %dma_wait3A_579 = arith.constant 0 : i32
        %dma_wait3A_580 = tpu.memref_slice %arg6[%add3A_220, %dma_wait3A_579] : memref<320000x128xf32, #tpu.memory_space<hbm>> -> memref<40x128xf32, #tpu.memory_space<hbm>>
        %dma_wait3A_581 = arith.constant 0 : i32
        %dma_wait3A_582 = arith.constant 0 : i32
        %dma_wait3A_583 = tpu.memref_slice %arg10[%dma_wait3A_572, %dma_wait3A_581, %dma_wait3A_582] : memref<5x40x128xf32, #tpu.memory_space<vmem>> -> memref<1x40x128xf32, #tpu.memory_space<vmem>>
        %dma_wait3A_584 = tpu.memref_squeeze %dma_wait3A_583 : memref<1x40x128xf32, #tpu.memory_space<vmem>> -> memref<40x128xf32, #tpu.memory_space<vmem>>
        tpu.wait_dma2 semaphore(%arg13 : memref<!tpu.dma_semaphore, #tpu.memory_space<semaphore_mem>>) src(%dma_wait3A_584 : memref<40x128xf32, #tpu.memory_space<vmem>>) dst(%dma_wait3A_580 : memref<40x128xf32, #tpu.memory_space<hbm>>)
        %dma_wait3A_585 = arith.constant 2 : i32
        %dma_wait3A_586 = arith.constant 0 : i32
        %dma_wait3A_587 = arith.constant 0 : i32
        %dma_wait3A_588 = tpu.memref_slice %arg11[%dma_wait3A_585, %dma_wait3A_586, %dma_wait3A_587] : memref<5x40x256xf32, #tpu.memory_space<vmem>> -> memref<1x40x256xf32, #tpu.memory_space<vmem>>
        %dma_wait3A_589 = tpu.memref_squeeze %dma_wait3A_588 : memref<1x40x256xf32, #tpu.memory_space<vmem>> -> memref<40x256xf32, #tpu.memory_space<vmem>>
        %dma_wait3A_590 = arith.constant 0 : i32
        %dma_wait3A_591 = tpu.memref_slice %arg7[%add3A_220, %dma_wait3A_590] : memref<320000x256xf32, #tpu.memory_space<hbm>> -> memref<40x256xf32, #tpu.memory_space<hbm>>
        %dma_wait3A_592 = arith.constant 0 : i32
        %dma_wait3A_593 = tpu.memref_slice %arg7[%add3A_220, %dma_wait3A_592] : memref<320000x256xf32, #tpu.memory_space<hbm>> -> memref<40x256xf32, #tpu.memory_space<hbm>>
        %dma_wait3A_594 = arith.constant 0 : i32
        %dma_wait3A_595 = arith.constant 0 : i32
        %dma_wait3A_596 = tpu.memref_slice %arg11[%dma_wait3A_585, %dma_wait3A_594, %dma_wait3A_595] : memref<5x40x256xf32, #tpu.memory_space<vmem>> -> memref<1x40x256xf32, #tpu.memory_space<vmem>>
        %dma_wait3A_597 = tpu.memref_squeeze %dma_wait3A_596 : memref<1x40x256xf32, #tpu.memory_space<vmem>> -> memref<40x256xf32, #tpu.memory_space<vmem>>
        tpu.wait_dma2 semaphore(%arg13 : memref<!tpu.dma_semaphore, #tpu.memory_space<semaphore_mem>>) src(%dma_wait3A_597 : memref<40x256xf32, #tpu.memory_space<vmem>>) dst(%dma_wait3A_593 : memref<40x256xf32, #tpu.memory_space<hbm>>)
      } else {
      }
      %mul3A_226 = arith.constant 40 : i32
      %mul3A_227 = arith.muli %add3A_217, %mul3A_226 : i32
      %dma_start3A_228 = arith.constant 2 : i32
      %dma_start3A_229 = arith.constant 0 : i32
      %dma_start3A_230 = arith.constant 0 : i32
      %dma_start3A_231 = tpu.memref_slice %arg10[%dma_start3A_228, %dma_start3A_229, %dma_start3A_230] : memref<5x40x128xf32, #tpu.memory_space<vmem>> -> memref<1x40x128xf32, #tpu.memory_space<vmem>>
      %dma_start3A_232 = tpu.memref_squeeze %dma_start3A_231 : memref<1x40x128xf32, #tpu.memory_space<vmem>> -> memref<40x128xf32, #tpu.memory_space<vmem>>
      %dma_start3A_233 = tpu.memref_slice %arg8[%mul3A_227] : memref<10000xi32, #tpu.memory_space<vmem>> -> memref<40xi32, #tpu.memory_space<vmem>>
      %dma_start3A_234 = arith.constant 0 : i32
      %dma_start3A_235 = arith.constant 0 : i32
      %dma_start3A_236 = tpu.memref_slice %arg2[%dma_start3A_234, %dma_start3A_235] : memref<10000x128xf32, #tpu.memory_space<hbm>> -> memref<10000x128xf32, #tpu.memory_space<hbm>>
      tpu.enqueue_indirect_dma source(%dma_start3A_236 : memref<10000x128xf32, #tpu.memory_space<hbm>>) target(%dma_start3A_232 : memref<40x128xf32, #tpu.memory_space<vmem>>) offsets(%dma_start3A_233 : memref<40xi32, #tpu.memory_space<vmem>>) semaphore(%arg12 : memref<!tpu.dma_semaphore, #tpu.memory_space<semaphore_mem>>)
      %mul3A_237 = arith.constant 40 : i32
      %mul3A_238 = arith.muli %add3A_217, %mul3A_237 : i32
      %dma_start3A_239 = arith.constant 2 : i32
      %dma_start3A_240 = arith.constant 0 : i32
      %dma_start3A_241 = arith.constant 0 : i32
      %dma_start3A_242 = tpu.memref_slice %arg11[%dma_start3A_239, %dma_start3A_240, %dma_start3A_241] : memref<5x40x256xf32, #tpu.memory_space<vmem>> -> memref<1x40x256xf32, #tpu.memory_space<vmem>>
      %dma_start3A_243 = tpu.memref_squeeze %dma_start3A_242 : memref<1x40x256xf32, #tpu.memory_space<vmem>> -> memref<40x256xf32, #tpu.memory_space<vmem>>
      %dma_start3A_244 = tpu.memref_slice %arg9[%mul3A_238] : memref<10000xi32, #tpu.memory_space<vmem>> -> memref<40xi32, #tpu.memory_space<vmem>>
      %dma_start3A_245 = arith.constant 0 : i32
      %dma_start3A_246 = arith.constant 0 : i32
      %dma_start3A_247 = tpu.memref_slice %arg3[%dma_start3A_245, %dma_start3A_246] : memref<10000x256xf32, #tpu.memory_space<hbm>> -> memref<10000x256xf32, #tpu.memory_space<hbm>>
      tpu.enqueue_indirect_dma source(%dma_start3A_247 : memref<10000x256xf32, #tpu.memory_space<hbm>>) target(%dma_start3A_243 : memref<40x256xf32, #tpu.memory_space<vmem>>) offsets(%dma_start3A_244 : memref<40xi32, #tpu.memory_space<vmem>>) semaphore(%arg12 : memref<!tpu.dma_semaphore, #tpu.memory_space<semaphore_mem>>)
      %mul3A_248 = arith.constant 5 : i32
      %mul3A_249 = arith.muli %scan3A_148, %mul3A_248 : i32
      %add3A_250 = arith.constant 3 : i32
      %add3A_251 = arith.addi %mul3A_249, %add3A_250 : i32
      %mul3A_252 = arith.constant 40 : i32
      %mul3A_253 = arith.muli %add3A_251, %mul3A_252 : i32
      %add3A_254 = arith.addi %mul3A_2, %mul3A_253 : i32
      %gt3A_255 = arith.constant 0 : i32
      %gt3A_256 = arith.cmpi sgt, %scan3A_148, %gt3A_255 : i32
      %convert_element_type3A_257 = arith.extui %gt3A_256 : i1 to i32
      %cond3A_258 = arith.constant 0 : i32
      %cond3A_259 = arith.cmpi ne, %convert_element_type3A_257, %cond3A_258 : i32
      scf.if %cond3A_259 {
        %dma_wait3A_572 = arith.constant 3 : i32
        %dma_wait3A_573 = arith.constant 0 : i32
        %dma_wait3A_574 = arith.constant 0 : i32
        %dma_wait3A_575 = tpu.memref_slice %arg10[%dma_wait3A_572, %dma_wait3A_573, %dma_wait3A_574] : memref<5x40x128xf32, #tpu.memory_space<vmem>> -> memref<1x40x128xf32, #tpu.memory_space<vmem>>
        %dma_wait3A_576 = tpu.memref_squeeze %dma_wait3A_575 : memref<1x40x128xf32, #tpu.memory_space<vmem>> -> memref<40x128xf32, #tpu.memory_space<vmem>>
        %dma_wait3A_577 = arith.constant 0 : i32
        %dma_wait3A_578 = tpu.memref_slice %arg6[%add3A_254, %dma_wait3A_577] : memref<320000x128xf32, #tpu.memory_space<hbm>> -> memref<40x128xf32, #tpu.memory_space<hbm>>
        %dma_wait3A_579 = arith.constant 0 : i32
        %dma_wait3A_580 = tpu.memref_slice %arg6[%add3A_254, %dma_wait3A_579] : memref<320000x128xf32, #tpu.memory_space<hbm>> -> memref<40x128xf32, #tpu.memory_space<hbm>>
        %dma_wait3A_581 = arith.constant 0 : i32
        %dma_wait3A_582 = arith.constant 0 : i32
        %dma_wait3A_583 = tpu.memref_slice %arg10[%dma_wait3A_572, %dma_wait3A_581, %dma_wait3A_582] : memref<5x40x128xf32, #tpu.memory_space<vmem>> -> memref<1x40x128xf32, #tpu.memory_space<vmem>>
        %dma_wait3A_584 = tpu.memref_squeeze %dma_wait3A_583 : memref<1x40x128xf32, #tpu.memory_space<vmem>> -> memref<40x128xf32, #tpu.memory_space<vmem>>
        tpu.wait_dma2 semaphore(%arg13 : memref<!tpu.dma_semaphore, #tpu.memory_space<semaphore_mem>>) src(%dma_wait3A_584 : memref<40x128xf32, #tpu.memory_space<vmem>>) dst(%dma_wait3A_580 : memref<40x128xf32, #tpu.memory_space<hbm>>)
        %dma_wait3A_585 = arith.constant 3 : i32
        %dma_wait3A_586 = arith.constant 0 : i32
        %dma_wait3A_587 = arith.constant 0 : i32
        %dma_wait3A_588 = tpu.memref_slice %arg11[%dma_wait3A_585, %dma_wait3A_586, %dma_wait3A_587] : memref<5x40x256xf32, #tpu.memory_space<vmem>> -> memref<1x40x256xf32, #tpu.memory_space<vmem>>
        %dma_wait3A_589 = tpu.memref_squeeze %dma_wait3A_588 : memref<1x40x256xf32, #tpu.memory_space<vmem>> -> memref<40x256xf32, #tpu.memory_space<vmem>>
        %dma_wait3A_590 = arith.constant 0 : i32
        %dma_wait3A_591 = tpu.memref_slice %arg7[%add3A_254, %dma_wait3A_590] : memref<320000x256xf32, #tpu.memory_space<hbm>> -> memref<40x256xf32, #tpu.memory_space<hbm>>
        %dma_wait3A_592 = arith.constant 0 : i32
        %dma_wait3A_593 = tpu.memref_slice %arg7[%add3A_254, %dma_wait3A_592] : memref<320000x256xf32, #tpu.memory_space<hbm>> -> memref<40x256xf32, #tpu.memory_space<hbm>>
        %dma_wait3A_594 = arith.constant 0 : i32
        %dma_wait3A_595 = arith.constant 0 : i32
        %dma_wait3A_596 = tpu.memref_slice %arg11[%dma_wait3A_585, %dma_wait3A_594, %dma_wait3A_595] : memref<5x40x256xf32, #tpu.memory_space<vmem>> -> memref<1x40x256xf32, #tpu.memory_space<vmem>>
        %dma_wait3A_597 = tpu.memref_squeeze %dma_wait3A_596 : memref<1x40x256xf32, #tpu.memory_space<vmem>> -> memref<40x256xf32, #tpu.memory_space<vmem>>
        tpu.wait_dma2 semaphore(%arg13 : memref<!tpu.dma_semaphore, #tpu.memory_space<semaphore_mem>>) src(%dma_wait3A_597 : memref<40x256xf32, #tpu.memory_space<vmem>>) dst(%dma_wait3A_593 : memref<40x256xf32, #tpu.memory_space<hbm>>)
      } else {
      }
      %mul3A_260 = arith.constant 40 : i32
      %mul3A_261 = arith.muli %add3A_251, %mul3A_260 : i32
      %dma_start3A_262 = arith.constant 3 : i32
      %dma_start3A_263 = arith.constant 0 : i32
      %dma_start3A_264 = arith.constant 0 : i32
      %dma_start3A_265 = tpu.memref_slice %arg10[%dma_start3A_262, %dma_start3A_263, %dma_start3A_264] : memref<5x40x128xf32, #tpu.memory_space<vmem>> -> memref<1x40x128xf32, #tpu.memory_space<vmem>>
      %dma_start3A_266 = tpu.memref_squeeze %dma_start3A_265 : memref<1x40x128xf32, #tpu.memory_space<vmem>> -> memref<40x128xf32, #tpu.memory_space<vmem>>
      %dma_start3A_267 = tpu.memref_slice %arg8[%mul3A_261] : memref<10000xi32, #tpu.memory_space<vmem>> -> memref<40xi32, #tpu.memory_space<vmem>>
      %dma_start3A_268 = arith.constant 0 : i32
      %dma_start3A_269 = arith.constant 0 : i32
      %dma_start3A_270 = tpu.memref_slice %arg2[%dma_start3A_268, %dma_start3A_269] : memref<10000x128xf32, #tpu.memory_space<hbm>> -> memref<10000x128xf32, #tpu.memory_space<hbm>>
      tpu.enqueue_indirect_dma source(%dma_start3A_270 : memref<10000x128xf32, #tpu.memory_space<hbm>>) target(%dma_start3A_266 : memref<40x128xf32, #tpu.memory_space<vmem>>) offsets(%dma_start3A_267 : memref<40xi32, #tpu.memory_space<vmem>>) semaphore(%arg12 : memref<!tpu.dma_semaphore, #tpu.memory_space<semaphore_mem>>)
      %mul3A_271 = arith.constant 40 : i32
      %mul3A_272 = arith.muli %add3A_251, %mul3A_271 : i32
      %dma_start3A_273 = arith.constant 3 : i32
      %dma_start3A_274 = arith.constant 0 : i32
      %dma_start3A_275 = arith.constant 0 : i32
      %dma_start3A_276 = tpu.memref_slice %arg11[%dma_start3A_273, %dma_start3A_274, %dma_start3A_275] : memref<5x40x256xf32, #tpu.memory_space<vmem>> -> memref<1x40x256xf32, #tpu.memory_space<vmem>>
      %dma_start3A_277 = tpu.memref_squeeze %dma_start3A_276 : memref<1x40x256xf32, #tpu.memory_space<vmem>> -> memref<40x256xf32, #tpu.memory_space<vmem>>
      %dma_start3A_278 = tpu.memref_slice %arg9[%mul3A_272] : memref<10000xi32, #tpu.memory_space<vmem>> -> memref<40xi32, #tpu.memory_space<vmem>>
      %dma_start3A_279 = arith.constant 0 : i32
      %dma_start3A_280 = arith.constant 0 : i32
      %dma_start3A_281 = tpu.memref_slice %arg3[%dma_start3A_279, %dma_start3A_280] : memref<10000x256xf32, #tpu.memory_space<hbm>> -> memref<10000x256xf32, #tpu.memory_space<hbm>>
      tpu.enqueue_indirect_dma source(%dma_start3A_281 : memref<10000x256xf32, #tpu.memory_space<hbm>>) target(%dma_start3A_277 : memref<40x256xf32, #tpu.memory_space<vmem>>) offsets(%dma_start3A_278 : memref<40xi32, #tpu.memory_space<vmem>>) semaphore(%arg12 : memref<!tpu.dma_semaphore, #tpu.memory_space<semaphore_mem>>)
      %mul3A_282 = arith.constant 5 : i32
      %mul3A_283 = arith.muli %scan3A_148, %mul3A_282 : i32
      %add3A_284 = arith.constant 4 : i32
      %add3A_285 = arith.addi %mul3A_283, %add3A_284 : i32
      %mul3A_286 = arith.constant 40 : i32
      %mul3A_287 = arith.muli %add3A_285, %mul3A_286 : i32
      %add3A_288 = arith.addi %mul3A_2, %mul3A_287 : i32
      %gt3A_289 = arith.constant 0 : i32
      %gt3A_290 = arith.cmpi sgt, %scan3A_148, %gt3A_289 : i32
      %convert_element_type3A_291 = arith.extui %gt3A_290 : i1 to i32
      %cond3A_292 = arith.constant 0 : i32
      %cond3A_293 = arith.cmpi ne, %convert_element_type3A_291, %cond3A_292 : i32
      scf.if %cond3A_293 {
        %dma_wait3A_572 = arith.constant 4 : i32
        %dma_wait3A_573 = arith.constant 0 : i32
        %dma_wait3A_574 = arith.constant 0 : i32
        %dma_wait3A_575 = tpu.memref_slice %arg10[%dma_wait3A_572, %dma_wait3A_573, %dma_wait3A_574] : memref<5x40x128xf32, #tpu.memory_space<vmem>> -> memref<1x40x128xf32, #tpu.memory_space<vmem>>
        %dma_wait3A_576 = tpu.memref_squeeze %dma_wait3A_575 : memref<1x40x128xf32, #tpu.memory_space<vmem>> -> memref<40x128xf32, #tpu.memory_space<vmem>>
        %dma_wait3A_577 = arith.constant 0 : i32
        %dma_wait3A_578 = tpu.memref_slice %arg6[%add3A_288, %dma_wait3A_577] : memref<320000x128xf32, #tpu.memory_space<hbm>> -> memref<40x128xf32, #tpu.memory_space<hbm>>
        %dma_wait3A_579 = arith.constant 0 : i32
        %dma_wait3A_580 = tpu.memref_slice %arg6[%add3A_288, %dma_wait3A_579] : memref<320000x128xf32, #tpu.memory_space<hbm>> -> memref<40x128xf32, #tpu.memory_space<hbm>>
        %dma_wait3A_581 = arith.constant 0 : i32
        %dma_wait3A_582 = arith.constant 0 : i32
        %dma_wait3A_583 = tpu.memref_slice %arg10[%dma_wait3A_572, %dma_wait3A_581, %dma_wait3A_582] : memref<5x40x128xf32, #tpu.memory_space<vmem>> -> memref<1x40x128xf32, #tpu.memory_space<vmem>>
        %dma_wait3A_584 = tpu.memref_squeeze %dma_wait3A_583 : memref<1x40x128xf32, #tpu.memory_space<vmem>> -> memref<40x128xf32, #tpu.memory_space<vmem>>
        tpu.wait_dma2 semaphore(%arg13 : memref<!tpu.dma_semaphore, #tpu.memory_space<semaphore_mem>>) src(%dma_wait3A_584 : memref<40x128xf32, #tpu.memory_space<vmem>>) dst(%dma_wait3A_580 : memref<40x128xf32, #tpu.memory_space<hbm>>)
        %dma_wait3A_585 = arith.constant 4 : i32
        %dma_wait3A_586 = arith.constant 0 : i32
        %dma_wait3A_587 = arith.constant 0 : i32
        %dma_wait3A_588 = tpu.memref_slice %arg11[%dma_wait3A_585, %dma_wait3A_586, %dma_wait3A_587] : memref<5x40x256xf32, #tpu.memory_space<vmem>> -> memref<1x40x256xf32, #tpu.memory_space<vmem>>
        %dma_wait3A_589 = tpu.memref_squeeze %dma_wait3A_588 : memref<1x40x256xf32, #tpu.memory_space<vmem>> -> memref<40x256xf32, #tpu.memory_space<vmem>>
        %dma_wait3A_590 = arith.constant 0 : i32
        %dma_wait3A_591 = tpu.memref_slice %arg7[%add3A_288, %dma_wait3A_590] : memref<320000x256xf32, #tpu.memory_space<hbm>> -> memref<40x256xf32, #tpu.memory_space<hbm>>
        %dma_wait3A_592 = arith.constant 0 : i32
        %dma_wait3A_593 = tpu.memref_slice %arg7[%add3A_288, %dma_wait3A_592] : memref<320000x256xf32, #tpu.memory_space<hbm>> -> memref<40x256xf32, #tpu.memory_space<hbm>>
        %dma_wait3A_594 = arith.constant 0 : i32
        %dma_wait3A_595 = arith.constant 0 : i32
        %dma_wait3A_596 = tpu.memref_slice %arg11[%dma_wait3A_585, %dma_wait3A_594, %dma_wait3A_595] : memref<5x40x256xf32, #tpu.memory_space<vmem>> -> memref<1x40x256xf32, #tpu.memory_space<vmem>>
        %dma_wait3A_597 = tpu.memref_squeeze %dma_wait3A_596 : memref<1x40x256xf32, #tpu.memory_space<vmem>> -> memref<40x256xf32, #tpu.memory_space<vmem>>
        tpu.wait_dma2 semaphore(%arg13 : memref<!tpu.dma_semaphore, #tpu.memory_space<semaphore_mem>>) src(%dma_wait3A_597 : memref<40x256xf32, #tpu.memory_space<vmem>>) dst(%dma_wait3A_593 : memref<40x256xf32, #tpu.memory_space<hbm>>)
      } else {
      }
      %mul3A_294 = arith.constant 40 : i32
      %mul3A_295 = arith.muli %add3A_285, %mul3A_294 : i32
      %dma_start3A_296 = arith.constant 4 : i32
      %dma_start3A_297 = arith.constant 0 : i32
      %dma_start3A_298 = arith.constant 0 : i32
      %dma_start3A_299 = tpu.memref_slice %arg10[%dma_start3A_296, %dma_start3A_297, %dma_start3A_298] : memref<5x40x128xf32, #tpu.memory_space<vmem>> -> memref<1x40x128xf32, #tpu.memory_space<vmem>>
      %dma_start3A_300 = tpu.memref_squeeze %dma_start3A_299 : memref<1x40x128xf32, #tpu.memory_space<vmem>> -> memref<40x128xf32, #tpu.memory_space<vmem>>
      %dma_start3A_301 = tpu.memref_slice %arg8[%mul3A_295] : memref<10000xi32, #tpu.memory_space<vmem>> -> memref<40xi32, #tpu.memory_space<vmem>>
      %dma_start3A_302 = arith.constant 0 : i32
      %dma_start3A_303 = arith.constant 0 : i32
      %dma_start3A_304 = tpu.memref_slice %arg2[%dma_start3A_302, %dma_start3A_303] : memref<10000x128xf32, #tpu.memory_space<hbm>> -> memref<10000x128xf32, #tpu.memory_space<hbm>>
      tpu.enqueue_indirect_dma source(%dma_start3A_304 : memref<10000x128xf32, #tpu.memory_space<hbm>>) target(%dma_start3A_300 : memref<40x128xf32, #tpu.memory_space<vmem>>) offsets(%dma_start3A_301 : memref<40xi32, #tpu.memory_space<vmem>>) semaphore(%arg12 : memref<!tpu.dma_semaphore, #tpu.memory_space<semaphore_mem>>)
      %mul3A_305 = arith.constant 40 : i32
      %mul3A_306 = arith.muli %add3A_285, %mul3A_305 : i32
      %dma_start3A_307 = arith.constant 4 : i32
      %dma_start3A_308 = arith.constant 0 : i32
      %dma_start3A_309 = arith.constant 0 : i32
      %dma_start3A_310 = tpu.memref_slice %arg11[%dma_start3A_307, %dma_start3A_308, %dma_start3A_309] : memref<5x40x256xf32, #tpu.memory_space<vmem>> -> memref<1x40x256xf32, #tpu.memory_space<vmem>>
      %dma_start3A_311 = tpu.memref_squeeze %dma_start3A_310 : memref<1x40x256xf32, #tpu.memory_space<vmem>> -> memref<40x256xf32, #tpu.memory_space<vmem>>
      %dma_start3A_312 = tpu.memref_slice %arg9[%mul3A_306] : memref<10000xi32, #tpu.memory_space<vmem>> -> memref<40xi32, #tpu.memory_space<vmem>>
      %dma_start3A_313 = arith.constant 0 : i32
      %dma_start3A_314 = arith.constant 0 : i32
      %dma_start3A_315 = tpu.memref_slice %arg3[%dma_start3A_313, %dma_start3A_314] : memref<10000x256xf32, #tpu.memory_space<hbm>> -> memref<10000x256xf32, #tpu.memory_space<hbm>>
      tpu.enqueue_indirect_dma source(%dma_start3A_315 : memref<10000x256xf32, #tpu.memory_space<hbm>>) target(%dma_start3A_311 : memref<40x256xf32, #tpu.memory_space<vmem>>) offsets(%dma_start3A_312 : memref<40xi32, #tpu.memory_space<vmem>>) semaphore(%arg12 : memref<!tpu.dma_semaphore, #tpu.memory_space<semaphore_mem>>)
      %mul3A_316 = arith.constant 5 : i32
      %mul3A_317 = arith.muli %scan3A_148, %mul3A_316 : i32
      %add3A_318 = arith.constant 0 : i32
      %add3A_319 = arith.addi %mul3A_317, %add3A_318 : i32
      %mul3A_320 = arith.constant 40 : i32
      %mul3A_321 = arith.muli %add3A_319, %mul3A_320 : i32
      %add3A_322 = arith.addi %mul3A_2, %mul3A_321 : i32
      %dma_wait3A_323 = arith.constant 0 : i32
      %dma_wait3A_324 = arith.constant 0 : i32
      %dma_wait3A_325 = arith.constant 0 : i32
      %dma_wait3A_326 = tpu.memref_slice %arg10[%dma_wait3A_323, %dma_wait3A_324, %dma_wait3A_325] : memref<5x40x128xf32, #tpu.memory_space<vmem>> -> memref<1x40x128xf32, #tpu.memory_space<vmem>>
      %dma_wait3A_327 = tpu.memref_squeeze %dma_wait3A_326 : memref<1x40x128xf32, #tpu.memory_space<vmem>> -> memref<40x128xf32, #tpu.memory_space<vmem>>
      %dma_wait3A_328 = tpu.memref_slice %arg8[%mul3A_160] : memref<10000xi32, #tpu.memory_space<vmem>> -> memref<40xi32, #tpu.memory_space<vmem>>
      %dma_wait3A_329 = arith.constant 0 : i32
      %dma_wait3A_330 = arith.constant 0 : i32
      %dma_wait3A_331 = tpu.memref_slice %arg2[%dma_wait3A_329, %dma_wait3A_330] : memref<10000x128xf32, #tpu.memory_space<hbm>> -> memref<10000x128xf32, #tpu.memory_space<hbm>>
      tpu.wait_indirect_dma semaphore(%arg12 : memref<!tpu.dma_semaphore, #tpu.memory_space<semaphore_mem>>) src(%dma_wait3A_331 : memref<10000x128xf32, #tpu.memory_space<hbm>>) dst(%dma_wait3A_327 : memref<40x128xf32, #tpu.memory_space<vmem>>)
      %dma_wait3A_332 = arith.constant 0 : i32
      %dma_wait3A_333 = arith.constant 0 : i32
      %dma_wait3A_334 = arith.constant 0 : i32
      %dma_wait3A_335 = tpu.memref_slice %arg11[%dma_wait3A_332, %dma_wait3A_333, %dma_wait3A_334] : memref<5x40x256xf32, #tpu.memory_space<vmem>> -> memref<1x40x256xf32, #tpu.memory_space<vmem>>
      %dma_wait3A_336 = tpu.memref_squeeze %dma_wait3A_335 : memref<1x40x256xf32, #tpu.memory_space<vmem>> -> memref<40x256xf32, #tpu.memory_space<vmem>>
      %dma_wait3A_337 = tpu.memref_slice %arg9[%mul3A_170] : memref<10000xi32, #tpu.memory_space<vmem>> -> memref<40xi32, #tpu.memory_space<vmem>>
      %dma_wait3A_338 = arith.constant 0 : i32
      %dma_wait3A_339 = arith.constant 0 : i32
      %dma_wait3A_340 = tpu.memref_slice %arg3[%dma_wait3A_338, %dma_wait3A_339] : memref<10000x256xf32, #tpu.memory_space<hbm>> -> memref<10000x256xf32, #tpu.memory_space<hbm>>
      tpu.wait_indirect_dma semaphore(%arg12 : memref<!tpu.dma_semaphore, #tpu.memory_space<semaphore_mem>>) src(%dma_wait3A_340 : memref<10000x256xf32, #tpu.memory_space<hbm>>) dst(%dma_wait3A_336 : memref<40x256xf32, #tpu.memory_space<vmem>>)
      %dma_start3A_341 = arith.constant 0 : i32
      %dma_start3A_342 = arith.constant 0 : i32
      %dma_start3A_343 = arith.constant 0 : i32
      %dma_start3A_344 = tpu.memref_slice %arg10[%dma_start3A_341, %dma_start3A_342, %dma_start3A_343] : memref<5x40x128xf32, #tpu.memory_space<vmem>> -> memref<1x40x128xf32, #tpu.memory_space<vmem>>
      %dma_start3A_345 = tpu.memref_squeeze %dma_start3A_344 : memref<1x40x128xf32, #tpu.memory_space<vmem>> -> memref<40x128xf32, #tpu.memory_space<vmem>>
      %dma_start3A_346 = arith.constant 0 : i32
      %dma_start3A_347 = tpu.memref_slice %arg6[%add3A_322, %dma_start3A_346] : memref<320000x128xf32, #tpu.memory_space<hbm>> -> memref<40x128xf32, #tpu.memory_space<hbm>>
      %dma_start3A_348 = arith.constant 0 : i32
      %dma_start3A_349 = tpu.memref_slice %arg6[%add3A_322, %dma_start3A_348] : memref<320000x128xf32, #tpu.memory_space<hbm>> -> memref<40x128xf32, #tpu.memory_space<hbm>>
      %dma_start3A_350 = arith.constant 0 : i32
      %dma_start3A_351 = arith.constant 0 : i32
      %dma_start3A_352 = tpu.memref_slice %arg10[%dma_start3A_341, %dma_start3A_350, %dma_start3A_351] : memref<5x40x128xf32, #tpu.memory_space<vmem>> -> memref<1x40x128xf32, #tpu.memory_space<vmem>>
      %dma_start3A_353 = tpu.memref_squeeze %dma_start3A_352 : memref<1x40x128xf32, #tpu.memory_space<vmem>> -> memref<40x128xf32, #tpu.memory_space<vmem>>
      tpu.enqueue_dma source(%dma_start3A_353 : memref<40x128xf32, #tpu.memory_space<vmem>>) target(%dma_start3A_349 : memref<40x128xf32, #tpu.memory_space<hbm>>) target_semaphore(%arg13 : memref<!tpu.dma_semaphore, #tpu.memory_space<semaphore_mem>>)
      %dma_start3A_354 = arith.constant 0 : i32
      %dma_start3A_355 = arith.constant 0 : i32
      %dma_start3A_356 = arith.constant 0 : i32
      %dma_start3A_357 = tpu.memref_slice %arg11[%dma_start3A_354, %dma_start3A_355, %dma_start3A_356] : memref<5x40x256xf32, #tpu.memory_space<vmem>> -> memref<1x40x256xf32, #tpu.memory_space<vmem>>
      %dma_start3A_358 = tpu.memref_squeeze %dma_start3A_357 : memref<1x40x256xf32, #tpu.memory_space<vmem>> -> memref<40x256xf32, #tpu.memory_space<vmem>>
      %dma_start3A_359 = arith.constant 0 : i32
      %dma_start3A_360 = tpu.memref_slice %arg7[%add3A_322, %dma_start3A_359] : memref<320000x256xf32, #tpu.memory_space<hbm>> -> memref<40x256xf32, #tpu.memory_space<hbm>>
      %dma_start3A_361 = arith.constant 0 : i32
      %dma_start3A_362 = tpu.memref_slice %arg7[%add3A_322, %dma_start3A_361] : memref<320000x256xf32, #tpu.memory_space<hbm>> -> memref<40x256xf32, #tpu.memory_space<hbm>>
      %dma_start3A_363 = arith.constant 0 : i32
      %dma_start3A_364 = arith.constant 0 : i32
      %dma_start3A_365 = tpu.memref_slice %arg11[%dma_start3A_354, %dma_start3A_363, %dma_start3A_364] : memref<5x40x256xf32, #tpu.memory_space<vmem>> -> memref<1x40x256xf32, #tpu.memory_space<vmem>>
      %dma_start3A_366 = tpu.memref_squeeze %dma_start3A_365 : memref<1x40x256xf32, #tpu.memory_space<vmem>> -> memref<40x256xf32, #tpu.memory_space<vmem>>
      tpu.enqueue_dma source(%dma_start3A_366 : memref<40x256xf32, #tpu.memory_space<vmem>>) target(%dma_start3A_362 : memref<40x256xf32, #tpu.memory_space<hbm>>) target_semaphore(%arg13 : memref<!tpu.dma_semaphore, #tpu.memory_space<semaphore_mem>>)
      %mul3A_367 = arith.constant 5 : i32
      %mul3A_368 = arith.muli %scan3A_148, %mul3A_367 : i32
      %add3A_369 = arith.constant 1 : i32
      %add3A_370 = arith.addi %mul3A_368, %add3A_369 : i32
      %mul3A_371 = arith.constant 40 : i32
      %mul3A_372 = arith.muli %add3A_370, %mul3A_371 : i32
      %add3A_373 = arith.addi %mul3A_2, %mul3A_372 : i32
      %dma_wait3A_374 = arith.constant 1 : i32
      %dma_wait3A_375 = arith.constant 0 : i32
      %dma_wait3A_376 = arith.constant 0 : i32
      %dma_wait3A_377 = tpu.memref_slice %arg10[%dma_wait3A_374, %dma_wait3A_375, %dma_wait3A_376] : memref<5x40x128xf32, #tpu.memory_space<vmem>> -> memref<1x40x128xf32, #tpu.memory_space<vmem>>
      %dma_wait3A_378 = tpu.memref_squeeze %dma_wait3A_377 : memref<1x40x128xf32, #tpu.memory_space<vmem>> -> memref<40x128xf32, #tpu.memory_space<vmem>>
      %dma_wait3A_379 = tpu.memref_slice %arg8[%mul3A_193] : memref<10000xi32, #tpu.memory_space<vmem>> -> memref<40xi32, #tpu.memory_space<vmem>>
      %dma_wait3A_380 = arith.constant 0 : i32
      %dma_wait3A_381 = arith.constant 0 : i32
      %dma_wait3A_382 = tpu.memref_slice %arg2[%dma_wait3A_380, %dma_wait3A_381] : memref<10000x128xf32, #tpu.memory_space<hbm>> -> memref<10000x128xf32, #tpu.memory_space<hbm>>
      tpu.wait_indirect_dma semaphore(%arg12 : memref<!tpu.dma_semaphore, #tpu.memory_space<semaphore_mem>>) src(%dma_wait3A_382 : memref<10000x128xf32, #tpu.memory_space<hbm>>) dst(%dma_wait3A_378 : memref<40x128xf32, #tpu.memory_space<vmem>>)
      %dma_wait3A_383 = arith.constant 1 : i32
      %dma_wait3A_384 = arith.constant 0 : i32
      %dma_wait3A_385 = arith.constant 0 : i32
      %dma_wait3A_386 = tpu.memref_slice %arg11[%dma_wait3A_383, %dma_wait3A_384, %dma_wait3A_385] : memref<5x40x256xf32, #tpu.memory_space<vmem>> -> memref<1x40x256xf32, #tpu.memory_space<vmem>>
      %dma_wait3A_387 = tpu.memref_squeeze %dma_wait3A_386 : memref<1x40x256xf32, #tpu.memory_space<vmem>> -> memref<40x256xf32, #tpu.memory_space<vmem>>
      %dma_wait3A_388 = tpu.memref_slice %arg9[%mul3A_204] : memref<10000xi32, #tpu.memory_space<vmem>> -> memref<40xi32, #tpu.memory_space<vmem>>
      %dma_wait3A_389 = arith.constant 0 : i32
      %dma_wait3A_390 = arith.constant 0 : i32
      %dma_wait3A_391 = tpu.memref_slice %arg3[%dma_wait3A_389, %dma_wait3A_390] : memref<10000x256xf32, #tpu.memory_space<hbm>> -> memref<10000x256xf32, #tpu.memory_space<hbm>>
      tpu.wait_indirect_dma semaphore(%arg12 : memref<!tpu.dma_semaphore, #tpu.memory_space<semaphore_mem>>) src(%dma_wait3A_391 : memref<10000x256xf32, #tpu.memory_space<hbm>>) dst(%dma_wait3A_387 : memref<40x256xf32, #tpu.memory_space<vmem>>)
      %dma_start3A_392 = arith.constant 1 : i32
      %dma_start3A_393 = arith.constant 0 : i32
      %dma_start3A_394 = arith.constant 0 : i32
      %dma_start3A_395 = tpu.memref_slice %arg10[%dma_start3A_392, %dma_start3A_393, %dma_start3A_394] : memref<5x40x128xf32, #tpu.memory_space<vmem>> -> memref<1x40x128xf32, #tpu.memory_space<vmem>>
      %dma_start3A_396 = tpu.memref_squeeze %dma_start3A_395 : memref<1x40x128xf32, #tpu.memory_space<vmem>> -> memref<40x128xf32, #tpu.memory_space<vmem>>
      %dma_start3A_397 = arith.constant 0 : i32
      %dma_start3A_398 = tpu.memref_slice %arg6[%add3A_373, %dma_start3A_397] : memref<320000x128xf32, #tpu.memory_space<hbm>> -> memref<40x128xf32, #tpu.memory_space<hbm>>
      %dma_start3A_399 = arith.constant 0 : i32
      %dma_start3A_400 = tpu.memref_slice %arg6[%add3A_373, %dma_start3A_399] : memref<320000x128xf32, #tpu.memory_space<hbm>> -> memref<40x128xf32, #tpu.memory_space<hbm>>
      %dma_start3A_401 = arith.constant 0 : i32
      %dma_start3A_402 = arith.constant 0 : i32
      %dma_start3A_403 = tpu.memref_slice %arg10[%dma_start3A_392, %dma_start3A_401, %dma_start3A_402] : memref<5x40x128xf32, #tpu.memory_space<vmem>> -> memref<1x40x128xf32, #tpu.memory_space<vmem>>
      %dma_start3A_404 = tpu.memref_squeeze %dma_start3A_403 : memref<1x40x128xf32, #tpu.memory_space<vmem>> -> memref<40x128xf32, #tpu.memory_space<vmem>>
      tpu.enqueue_dma source(%dma_start3A_404 : memref<40x128xf32, #tpu.memory_space<vmem>>) target(%dma_start3A_400 : memref<40x128xf32, #tpu.memory_space<hbm>>) target_semaphore(%arg13 : memref<!tpu.dma_semaphore, #tpu.memory_space<semaphore_mem>>)
      %dma_start3A_405 = arith.constant 1 : i32
      %dma_start3A_406 = arith.constant 0 : i32
      %dma_start3A_407 = arith.constant 0 : i32
      %dma_start3A_408 = tpu.memref_slice %arg11[%dma_start3A_405, %dma_start3A_406, %dma_start3A_407] : memref<5x40x256xf32, #tpu.memory_space<vmem>> -> memref<1x40x256xf32, #tpu.memory_space<vmem>>
      %dma_start3A_409 = tpu.memref_squeeze %dma_start3A_408 : memref<1x40x256xf32, #tpu.memory_space<vmem>> -> memref<40x256xf32, #tpu.memory_space<vmem>>
      %dma_start3A_410 = arith.constant 0 : i32
      %dma_start3A_411 = tpu.memref_slice %arg7[%add3A_373, %dma_start3A_410] : memref<320000x256xf32, #tpu.memory_space<hbm>> -> memref<40x256xf32, #tpu.memory_space<hbm>>
      %dma_start3A_412 = arith.constant 0 : i32
      %dma_start3A_413 = tpu.memref_slice %arg7[%add3A_373, %dma_start3A_412] : memref<320000x256xf32, #tpu.memory_space<hbm>> -> memref<40x256xf32, #tpu.memory_space<hbm>>
      %dma_start3A_414 = arith.constant 0 : i32
      %dma_start3A_415 = arith.constant 0 : i32
      %dma_start3A_416 = tpu.memref_slice %arg11[%dma_start3A_405, %dma_start3A_414, %dma_start3A_415] : memref<5x40x256xf32, #tpu.memory_space<vmem>> -> memref<1x40x256xf32, #tpu.memory_space<vmem>>
      %dma_start3A_417 = tpu.memref_squeeze %dma_start3A_416 : memref<1x40x256xf32, #tpu.memory_space<vmem>> -> memref<40x256xf32, #tpu.memory_space<vmem>>
      tpu.enqueue_dma source(%dma_start3A_417 : memref<40x256xf32, #tpu.memory_space<vmem>>) target(%dma_start3A_413 : memref<40x256xf32, #tpu.memory_space<hbm>>) target_semaphore(%arg13 : memref<!tpu.dma_semaphore, #tpu.memory_space<semaphore_mem>>)
      %mul3A_418 = arith.constant 5 : i32
      %mul3A_419 = arith.muli %scan3A_148, %mul3A_418 : i32
      %add3A_420 = arith.constant 2 : i32
      %add3A_421 = arith.addi %mul3A_419, %add3A_420 : i32
      %mul3A_422 = arith.constant 40 : i32
      %mul3A_423 = arith.muli %add3A_421, %mul3A_422 : i32
      %add3A_424 = arith.addi %mul3A_2, %mul3A_423 : i32
      %dma_wait3A_425 = arith.constant 2 : i32
      %dma_wait3A_426 = arith.constant 0 : i32
      %dma_wait3A_427 = arith.constant 0 : i32
      %dma_wait3A_428 = tpu.memref_slice %arg10[%dma_wait3A_425, %dma_wait3A_426, %dma_wait3A_427] : memref<5x40x128xf32, #tpu.memory_space<vmem>> -> memref<1x40x128xf32, #tpu.memory_space<vmem>>
      %dma_wait3A_429 = tpu.memref_squeeze %dma_wait3A_428 : memref<1x40x128xf32, #tpu.memory_space<vmem>> -> memref<40x128xf32, #tpu.memory_space<vmem>>
      %dma_wait3A_430 = tpu.memref_slice %arg8[%mul3A_227] : memref<10000xi32, #tpu.memory_space<vmem>> -> memref<40xi32, #tpu.memory_space<vmem>>
      %dma_wait3A_431 = arith.constant 0 : i32
      %dma_wait3A_432 = arith.constant 0 : i32
      %dma_wait3A_433 = tpu.memref_slice %arg2[%dma_wait3A_431, %dma_wait3A_432] : memref<10000x128xf32, #tpu.memory_space<hbm>> -> memref<10000x128xf32, #tpu.memory_space<hbm>>
      tpu.wait_indirect_dma semaphore(%arg12 : memref<!tpu.dma_semaphore, #tpu.memory_space<semaphore_mem>>) src(%dma_wait3A_433 : memref<10000x128xf32, #tpu.memory_space<hbm>>) dst(%dma_wait3A_429 : memref<40x128xf32, #tpu.memory_space<vmem>>)
      %dma_wait3A_434 = arith.constant 2 : i32
      %dma_wait3A_435 = arith.constant 0 : i32
      %dma_wait3A_436 = arith.constant 0 : i32
      %dma_wait3A_437 = tpu.memref_slice %arg11[%dma_wait3A_434, %dma_wait3A_435, %dma_wait3A_436] : memref<5x40x256xf32, #tpu.memory_space<vmem>> -> memref<1x40x256xf32, #tpu.memory_space<vmem>>
      %dma_wait3A_438 = tpu.memref_squeeze %dma_wait3A_437 : memref<1x40x256xf32, #tpu.memory_space<vmem>> -> memref<40x256xf32, #tpu.memory_space<vmem>>
      %dma_wait3A_439 = tpu.memref_slice %arg9[%mul3A_238] : memref<10000xi32, #tpu.memory_space<vmem>> -> memref<40xi32, #tpu.memory_space<vmem>>
      %dma_wait3A_440 = arith.constant 0 : i32
      %dma_wait3A_441 = arith.constant 0 : i32
      %dma_wait3A_442 = tpu.memref_slice %arg3[%dma_wait3A_440, %dma_wait3A_441] : memref<10000x256xf32, #tpu.memory_space<hbm>> -> memref<10000x256xf32, #tpu.memory_space<hbm>>
      tpu.wait_indirect_dma semaphore(%arg12 : memref<!tpu.dma_semaphore, #tpu.memory_space<semaphore_mem>>) src(%dma_wait3A_442 : memref<10000x256xf32, #tpu.memory_space<hbm>>) dst(%dma_wait3A_438 : memref<40x256xf32, #tpu.memory_space<vmem>>)
      %dma_start3A_443 = arith.constant 2 : i32
      %dma_start3A_444 = arith.constant 0 : i32
      %dma_start3A_445 = arith.constant 0 : i32
      %dma_start3A_446 = tpu.memref_slice %arg10[%dma_start3A_443, %dma_start3A_444, %dma_start3A_445] : memref<5x40x128xf32, #tpu.memory_space<vmem>> -> memref<1x40x128xf32, #tpu.memory_space<vmem>>
      %dma_start3A_447 = tpu.memref_squeeze %dma_start3A_446 : memref<1x40x128xf32, #tpu.memory_space<vmem>> -> memref<40x128xf32, #tpu.memory_space<vmem>>
      %dma_start3A_448 = arith.constant 0 : i32
      %dma_start3A_449 = tpu.memref_slice %arg6[%add3A_424, %dma_start3A_448] : memref<320000x128xf32, #tpu.memory_space<hbm>> -> memref<40x128xf32, #tpu.memory_space<hbm>>
      %dma_start3A_450 = arith.constant 0 : i32
      %dma_start3A_451 = tpu.memref_slice %arg6[%add3A_424, %dma_start3A_450] : memref<320000x128xf32, #tpu.memory_space<hbm>> -> memref<40x128xf32, #tpu.memory_space<hbm>>
      %dma_start3A_452 = arith.constant 0 : i32
      %dma_start3A_453 = arith.constant 0 : i32
      %dma_start3A_454 = tpu.memref_slice %arg10[%dma_start3A_443, %dma_start3A_452, %dma_start3A_453] : memref<5x40x128xf32, #tpu.memory_space<vmem>> -> memref<1x40x128xf32, #tpu.memory_space<vmem>>
      %dma_start3A_455 = tpu.memref_squeeze %dma_start3A_454 : memref<1x40x128xf32, #tpu.memory_space<vmem>> -> memref<40x128xf32, #tpu.memory_space<vmem>>
      tpu.enqueue_dma source(%dma_start3A_455 : memref<40x128xf32, #tpu.memory_space<vmem>>) target(%dma_start3A_451 : memref<40x128xf32, #tpu.memory_space<hbm>>) target_semaphore(%arg13 : memref<!tpu.dma_semaphore, #tpu.memory_space<semaphore_mem>>)
      %dma_start3A_456 = arith.constant 2 : i32
      %dma_start3A_457 = arith.constant 0 : i32
      %dma_start3A_458 = arith.constant 0 : i32
      %dma_start3A_459 = tpu.memref_slice %arg11[%dma_start3A_456, %dma_start3A_457, %dma_start3A_458] : memref<5x40x256xf32, #tpu.memory_space<vmem>> -> memref<1x40x256xf32, #tpu.memory_space<vmem>>
      %dma_start3A_460 = tpu.memref_squeeze %dma_start3A_459 : memref<1x40x256xf32, #tpu.memory_space<vmem>> -> memref<40x256xf32, #tpu.memory_space<vmem>>
      %dma_start3A_461 = arith.constant 0 : i32
      %dma_start3A_462 = tpu.memref_slice %arg7[%add3A_424, %dma_start3A_461] : memref<320000x256xf32, #tpu.memory_space<hbm>> -> memref<40x256xf32, #tpu.memory_space<hbm>>
      %dma_start3A_463 = arith.constant 0 : i32
      %dma_start3A_464 = tpu.memref_slice %arg7[%add3A_424, %dma_start3A_463] : memref<320000x256xf32, #tpu.memory_space<hbm>> -> memref<40x256xf32, #tpu.memory_space<hbm>>
      %dma_start3A_465 = arith.constant 0 : i32
      %dma_start3A_466 = arith.constant 0 : i32
      %dma_start3A_467 = tpu.memref_slice %arg11[%dma_start3A_456, %dma_start3A_465, %dma_start3A_466] : memref<5x40x256xf32, #tpu.memory_space<vmem>> -> memref<1x40x256xf32, #tpu.memory_space<vmem>>
      %dma_start3A_468 = tpu.memref_squeeze %dma_start3A_467 : memref<1x40x256xf32, #tpu.memory_space<vmem>> -> memref<40x256xf32, #tpu.memory_space<vmem>>
      tpu.enqueue_dma source(%dma_start3A_468 : memref<40x256xf32, #tpu.memory_space<vmem>>) target(%dma_start3A_464 : memref<40x256xf32, #tpu.memory_space<hbm>>) target_semaphore(%arg13 : memref<!tpu.dma_semaphore, #tpu.memory_space<semaphore_mem>>)
      %mul3A_469 = arith.constant 5 : i32
      %mul3A_470 = arith.muli %scan3A_148, %mul3A_469 : i32
      %add3A_471 = arith.constant 3 : i32
      %add3A_472 = arith.addi %mul3A_470, %add3A_471 : i32
      %mul3A_473 = arith.constant 40 : i32
      %mul3A_474 = arith.muli %add3A_472, %mul3A_473 : i32
      %add3A_475 = arith.addi %mul3A_2, %mul3A_474 : i32
      %dma_wait3A_476 = arith.constant 3 : i32
      %dma_wait3A_477 = arith.constant 0 : i32
      %dma_wait3A_478 = arith.constant 0 : i32
      %dma_wait3A_479 = tpu.memref_slice %arg10[%dma_wait3A_476, %dma_wait3A_477, %dma_wait3A_478] : memref<5x40x128xf32, #tpu.memory_space<vmem>> -> memref<1x40x128xf32, #tpu.memory_space<vmem>>
      %dma_wait3A_480 = tpu.memref_squeeze %dma_wait3A_479 : memref<1x40x128xf32, #tpu.memory_space<vmem>> -> memref<40x128xf32, #tpu.memory_space<vmem>>
      %dma_wait3A_481 = tpu.memref_slice %arg8[%mul3A_261] : memref<10000xi32, #tpu.memory_space<vmem>> -> memref<40xi32, #tpu.memory_space<vmem>>
      %dma_wait3A_482 = arith.constant 0 : i32
      %dma_wait3A_483 = arith.constant 0 : i32
      %dma_wait3A_484 = tpu.memref_slice %arg2[%dma_wait3A_482, %dma_wait3A_483] : memref<10000x128xf32, #tpu.memory_space<hbm>> -> memref<10000x128xf32, #tpu.memory_space<hbm>>
      tpu.wait_indirect_dma semaphore(%arg12 : memref<!tpu.dma_semaphore, #tpu.memory_space<semaphore_mem>>) src(%dma_wait3A_484 : memref<10000x128xf32, #tpu.memory_space<hbm>>) dst(%dma_wait3A_480 : memref<40x128xf32, #tpu.memory_space<vmem>>)
      %dma_wait3A_485 = arith.constant 3 : i32
      %dma_wait3A_486 = arith.constant 0 : i32
      %dma_wait3A_487 = arith.constant 0 : i32
      %dma_wait3A_488 = tpu.memref_slice %arg11[%dma_wait3A_485, %dma_wait3A_486, %dma_wait3A_487] : memref<5x40x256xf32, #tpu.memory_space<vmem>> -> memref<1x40x256xf32, #tpu.memory_space<vmem>>
      %dma_wait3A_489 = tpu.memref_squeeze %dma_wait3A_488 : memref<1x40x256xf32, #tpu.memory_space<vmem>> -> memref<40x256xf32, #tpu.memory_space<vmem>>
      %dma_wait3A_490 = tpu.memref_slice %arg9[%mul3A_272] : memref<10000xi32, #tpu.memory_space<vmem>> -> memref<40xi32, #tpu.memory_space<vmem>>
      %dma_wait3A_491 = arith.constant 0 : i32
      %dma_wait3A_492 = arith.constant 0 : i32
      %dma_wait3A_493 = tpu.memref_slice %arg3[%dma_wait3A_491, %dma_wait3A_492] : memref<10000x256xf32, #tpu.memory_space<hbm>> -> memref<10000x256xf32, #tpu.memory_space<hbm>>
      tpu.wait_indirect_dma semaphore(%arg12 : memref<!tpu.dma_semaphore, #tpu.memory_space<semaphore_mem>>) src(%dma_wait3A_493 : memref<10000x256xf32, #tpu.memory_space<hbm>>) dst(%dma_wait3A_489 : memref<40x256xf32, #tpu.memory_space<vmem>>)
      %dma_start3A_494 = arith.constant 3 : i32
      %dma_start3A_495 = arith.constant 0 : i32
      %dma_start3A_496 = arith.constant 0 : i32
      %dma_start3A_497 = tpu.memref_slice %arg10[%dma_start3A_494, %dma_start3A_495, %dma_start3A_496] : memref<5x40x128xf32, #tpu.memory_space<vmem>> -> memref<1x40x128xf32, #tpu.memory_space<vmem>>
      %dma_start3A_498 = tpu.memref_squeeze %dma_start3A_497 : memref<1x40x128xf32, #tpu.memory_space<vmem>> -> memref<40x128xf32, #tpu.memory_space<vmem>>
      %dma_start3A_499 = arith.constant 0 : i32
      %dma_start3A_500 = tpu.memref_slice %arg6[%add3A_475, %dma_start3A_499] : memref<320000x128xf32, #tpu.memory_space<hbm>> -> memref<40x128xf32, #tpu.memory_space<hbm>>
      %dma_start3A_501 = arith.constant 0 : i32
      %dma_start3A_502 = tpu.memref_slice %arg6[%add3A_475, %dma_start3A_501] : memref<320000x128xf32, #tpu.memory_space<hbm>> -> memref<40x128xf32, #tpu.memory_space<hbm>>
      %dma_start3A_503 = arith.constant 0 : i32
      %dma_start3A_504 = arith.constant 0 : i32
      %dma_start3A_505 = tpu.memref_slice %arg10[%dma_start3A_494, %dma_start3A_503, %dma_start3A_504] : memref<5x40x128xf32, #tpu.memory_space<vmem>> -> memref<1x40x128xf32, #tpu.memory_space<vmem>>
      %dma_start3A_506 = tpu.memref_squeeze %dma_start3A_505 : memref<1x40x128xf32, #tpu.memory_space<vmem>> -> memref<40x128xf32, #tpu.memory_space<vmem>>
      tpu.enqueue_dma source(%dma_start3A_506 : memref<40x128xf32, #tpu.memory_space<vmem>>) target(%dma_start3A_502 : memref<40x128xf32, #tpu.memory_space<hbm>>) target_semaphore(%arg13 : memref<!tpu.dma_semaphore, #tpu.memory_space<semaphore_mem>>)
      %dma_start3A_507 = arith.constant 3 : i32
      %dma_start3A_508 = arith.constant 0 : i32
      %dma_start3A_509 = arith.constant 0 : i32
      %dma_start3A_510 = tpu.memref_slice %arg11[%dma_start3A_507, %dma_start3A_508, %dma_start3A_509] : memref<5x40x256xf32, #tpu.memory_space<vmem>> -> memref<1x40x256xf32, #tpu.memory_space<vmem>>
      %dma_start3A_511 = tpu.memref_squeeze %dma_start3A_510 : memref<1x40x256xf32, #tpu.memory_space<vmem>> -> memref<40x256xf32, #tpu.memory_space<vmem>>
      %dma_start3A_512 = arith.constant 0 : i32
      %dma_start3A_513 = tpu.memref_slice %arg7[%add3A_475, %dma_start3A_512] : memref<320000x256xf32, #tpu.memory_space<hbm>> -> memref<40x256xf32, #tpu.memory_space<hbm>>
      %dma_start3A_514 = arith.constant 0 : i32
      %dma_start3A_515 = tpu.memref_slice %arg7[%add3A_475, %dma_start3A_514] : memref<320000x256xf32, #tpu.memory_space<hbm>> -> memref<40x256xf32, #tpu.memory_space<hbm>>
      %dma_start3A_516 = arith.constant 0 : i32
      %dma_start3A_517 = arith.constant 0 : i32
      %dma_start3A_518 = tpu.memref_slice %arg11[%dma_start3A_507, %dma_start3A_516, %dma_start3A_517] : memref<5x40x256xf32, #tpu.memory_space<vmem>> -> memref<1x40x256xf32, #tpu.memory_space<vmem>>
      %dma_start3A_519 = tpu.memref_squeeze %dma_start3A_518 : memref<1x40x256xf32, #tpu.memory_space<vmem>> -> memref<40x256xf32, #tpu.memory_space<vmem>>
      tpu.enqueue_dma source(%dma_start3A_519 : memref<40x256xf32, #tpu.memory_space<vmem>>) target(%dma_start3A_515 : memref<40x256xf32, #tpu.memory_space<hbm>>) target_semaphore(%arg13 : memref<!tpu.dma_semaphore, #tpu.memory_space<semaphore_mem>>)
      %mul3A_520 = arith.constant 5 : i32
      %mul3A_521 = arith.muli %scan3A_148, %mul3A_520 : i32
      %add3A_522 = arith.constant 4 : i32
      %add3A_523 = arith.addi %mul3A_521, %add3A_522 : i32
      %mul3A_524 = arith.constant 40 : i32
      %mul3A_525 = arith.muli %add3A_523, %mul3A_524 : i32
      %add3A_526 = arith.addi %mul3A_2, %mul3A_525 : i32
      %dma_wait3A_527 = arith.constant 4 : i32
      %dma_wait3A_528 = arith.constant 0 : i32
      %dma_wait3A_529 = arith.constant 0 : i32
      %dma_wait3A_530 = tpu.memref_slice %arg10[%dma_wait3A_527, %dma_wait3A_528, %dma_wait3A_529] : memref<5x40x128xf32, #tpu.memory_space<vmem>> -> memref<1x40x128xf32, #tpu.memory_space<vmem>>
      %dma_wait3A_531 = tpu.memref_squeeze %dma_wait3A_530 : memref<1x40x128xf32, #tpu.memory_space<vmem>> -> memref<40x128xf32, #tpu.memory_space<vmem>>
      %dma_wait3A_532 = tpu.memref_slice %arg8[%mul3A_295] : memref<10000xi32, #tpu.memory_space<vmem>> -> memref<40xi32, #tpu.memory_space<vmem>>
      %dma_wait3A_533 = arith.constant 0 : i32
      %dma_wait3A_534 = arith.constant 0 : i32
      %dma_wait3A_535 = tpu.memref_slice %arg2[%dma_wait3A_533, %dma_wait3A_534] : memref<10000x128xf32, #tpu.memory_space<hbm>> -> memref<10000x128xf32, #tpu.memory_space<hbm>>
      tpu.wait_indirect_dma semaphore(%arg12 : memref<!tpu.dma_semaphore, #tpu.memory_space<semaphore_mem>>) src(%dma_wait3A_535 : memref<10000x128xf32, #tpu.memory_space<hbm>>) dst(%dma_wait3A_531 : memref<40x128xf32, #tpu.memory_space<vmem>>)
      %dma_wait3A_536 = arith.constant 4 : i32
      %dma_wait3A_537 = arith.constant 0 : i32
      %dma_wait3A_538 = arith.constant 0 : i32
      %dma_wait3A_539 = tpu.memref_slice %arg11[%dma_wait3A_536, %dma_wait3A_537, %dma_wait3A_538] : memref<5x40x256xf32, #tpu.memory_space<vmem>> -> memref<1x40x256xf32, #tpu.memory_space<vmem>>
      %dma_wait3A_540 = tpu.memref_squeeze %dma_wait3A_539 : memref<1x40x256xf32, #tpu.memory_space<vmem>> -> memref<40x256xf32, #tpu.memory_space<vmem>>
      %dma_wait3A_541 = tpu.memref_slice %arg9[%mul3A_306] : memref<10000xi32, #tpu.memory_space<vmem>> -> memref<40xi32, #tpu.memory_space<vmem>>
      %dma_wait3A_542 = arith.constant 0 : i32
      %dma_wait3A_543 = arith.constant 0 : i32
      %dma_wait3A_544 = tpu.memref_slice %arg3[%dma_wait3A_542, %dma_wait3A_543] : memref<10000x256xf32, #tpu.memory_space<hbm>> -> memref<10000x256xf32, #tpu.memory_space<hbm>>
      tpu.wait_indirect_dma semaphore(%arg12 : memref<!tpu.dma_semaphore, #tpu.memory_space<semaphore_mem>>) src(%dma_wait3A_544 : memref<10000x256xf32, #tpu.memory_space<hbm>>) dst(%dma_wait3A_540 : memref<40x256xf32, #tpu.memory_space<vmem>>)
      %dma_start3A_545 = arith.constant 4 : i32
      %dma_start3A_546 = arith.constant 0 : i32
      %dma_start3A_547 = arith.constant 0 : i32
      %dma_start3A_548 = tpu.memref_slice %arg10[%dma_start3A_545, %dma_start3A_546, %dma_start3A_547] : memref<5x40x128xf32, #tpu.memory_space<vmem>> -> memref<1x40x128xf32, #tpu.memory_space<vmem>>
      %dma_start3A_549 = tpu.memref_squeeze %dma_start3A_548 : memref<1x40x128xf32, #tpu.memory_space<vmem>> -> memref<40x128xf32, #tpu.memory_space<vmem>>
      %dma_start3A_550 = arith.constant 0 : i32
      %dma_start3A_551 = tpu.memref_slice %arg6[%add3A_526, %dma_start3A_550] : memref<320000x128xf32, #tpu.memory_space<hbm>> -> memref<40x128xf32, #tpu.memory_space<hbm>>
      %dma_start3A_552 = arith.constant 0 : i32
      %dma_start3A_553 = tpu.memref_slice %arg6[%add3A_526, %dma_start3A_552] : memref<320000x128xf32, #tpu.memory_space<hbm>> -> memref<40x128xf32, #tpu.memory_space<hbm>>
      %dma_start3A_554 = arith.constant 0 : i32
      %dma_start3A_555 = arith.constant 0 : i32
      %dma_start3A_556 = tpu.memref_slice %arg10[%dma_start3A_545, %dma_start3A_554, %dma_start3A_555] : memref<5x40x128xf32, #tpu.memory_space<vmem>> -> memref<1x40x128xf32, #tpu.memory_space<vmem>>
      %dma_start3A_557 = tpu.memref_squeeze %dma_start3A_556 : memref<1x40x128xf32, #tpu.memory_space<vmem>> -> memref<40x128xf32, #tpu.memory_space<vmem>>
      tpu.enqueue_dma source(%dma_start3A_557 : memref<40x128xf32, #tpu.memory_space<vmem>>) target(%dma_start3A_553 : memref<40x128xf32, #tpu.memory_space<hbm>>) target_semaphore(%arg13 : memref<!tpu.dma_semaphore, #tpu.memory_space<semaphore_mem>>)
      %dma_start3A_558 = arith.constant 4 : i32
      %dma_start3A_559 = arith.constant 0 : i32
      %dma_start3A_560 = arith.constant 0 : i32
      %dma_start3A_561 = tpu.memref_slice %arg11[%dma_start3A_558, %dma_start3A_559, %dma_start3A_560] : memref<5x40x256xf32, #tpu.memory_space<vmem>> -> memref<1x40x256xf32, #tpu.memory_space<vmem>>
      %dma_start3A_562 = tpu.memref_squeeze %dma_start3A_561 : memref<1x40x256xf32, #tpu.memory_space<vmem>> -> memref<40x256xf32, #tpu.memory_space<vmem>>
      %dma_start3A_563 = arith.constant 0 : i32
      %dma_start3A_564 = tpu.memref_slice %arg7[%add3A_526, %dma_start3A_563] : memref<320000x256xf32, #tpu.memory_space<hbm>> -> memref<40x256xf32, #tpu.memory_space<hbm>>
      %dma_start3A_565 = arith.constant 0 : i32
      %dma_start3A_566 = tpu.memref_slice %arg7[%add3A_526, %dma_start3A_565] : memref<320000x256xf32, #tpu.memory_space<hbm>> -> memref<40x256xf32, #tpu.memory_space<hbm>>
      %dma_start3A_567 = arith.constant 0 : i32
      %dma_start3A_568 = arith.constant 0 : i32
      %dma_start3A_569 = tpu.memref_slice %arg11[%dma_start3A_558, %dma_start3A_567, %dma_start3A_568] : memref<5x40x256xf32, #tpu.memory_space<vmem>> -> memref<1x40x256xf32, #tpu.memory_space<vmem>>
      %dma_start3A_570 = tpu.memref_squeeze %dma_start3A_569 : memref<1x40x256xf32, #tpu.memory_space<vmem>> -> memref<40x256xf32, #tpu.memory_space<vmem>>
      tpu.enqueue_dma source(%dma_start3A_570 : memref<40x256xf32, #tpu.memory_space<vmem>>) target(%dma_start3A_566 : memref<40x256xf32, #tpu.memory_space<hbm>>) target_semaphore(%arg13 : memref<!tpu.dma_semaphore, #tpu.memory_space<semaphore_mem>>)
      %scan3A_571 = arith.constant 0 : i32
      scf.yield %scan3A_571 : i32
    }
    %scan3A_8 = arith.constant 50 : i32
    %add3A_9 = arith.constant 9800 : i32
    %add3A_10 = arith.addi %mul3A_2, %add3A_9 : i32
    %dma_wait3A = arith.constant 0 : i32
    %dma_wait3A_11 = arith.constant 0 : i32
    %dma_wait3A_12 = arith.constant 0 : i32
    %dma_wait3A_13 = tpu.memref_slice %arg10[%dma_wait3A, %dma_wait3A_11, %dma_wait3A_12] : memref<5x40x128xf32, #tpu.memory_space<vmem>> -> memref<1x40x128xf32, #tpu.memory_space<vmem>>
    %dma_wait3A_14 = tpu.memref_squeeze %dma_wait3A_13 : memref<1x40x128xf32, #tpu.memory_space<vmem>> -> memref<40x128xf32, #tpu.memory_space<vmem>>
    %dma_wait3A_15 = arith.constant 0 : i32
    %dma_wait3A_16 = tpu.memref_slice %arg6[%add3A_10, %dma_wait3A_15] : memref<320000x128xf32, #tpu.memory_space<hbm>> -> memref<40x128xf32, #tpu.memory_space<hbm>>
    %dma_wait3A_17 = arith.constant 0 : i32
    %dma_wait3A_18 = tpu.memref_slice %arg6[%add3A_10, %dma_wait3A_17] : memref<320000x128xf32, #tpu.memory_space<hbm>> -> memref<40x128xf32, #tpu.memory_space<hbm>>
    %dma_wait3A_19 = arith.constant 0 : i32
    %dma_wait3A_20 = arith.constant 0 : i32
    %dma_wait3A_21 = tpu.memref_slice %arg10[%dma_wait3A, %dma_wait3A_19, %dma_wait3A_20] : memref<5x40x128xf32, #tpu.memory_space<vmem>> -> memref<1x40x128xf32, #tpu.memory_space<vmem>>
    %dma_wait3A_22 = tpu.memref_squeeze %dma_wait3A_21 : memref<1x40x128xf32, #tpu.memory_space<vmem>> -> memref<40x128xf32, #tpu.memory_space<vmem>>
    tpu.wait_dma2 semaphore(%arg13 : memref<!tpu.dma_semaphore, #tpu.memory_space<semaphore_mem>>) src(%dma_wait3A_22 : memref<40x128xf32, #tpu.memory_space<vmem>>) dst(%dma_wait3A_18 : memref<40x128xf32, #tpu.memory_space<hbm>>)
    %dma_wait3A_23 = arith.constant 0 : i32
    %dma_wait3A_24 = arith.constant 0 : i32
    %dma_wait3A_25 = arith.constant 0 : i32
    %dma_wait3A_26 = tpu.memref_slice %arg11[%dma_wait3A_23, %dma_wait3A_24, %dma_wait3A_25] : memref<5x40x256xf32, #tpu.memory_space<vmem>> -> memref<1x40x256xf32, #tpu.memory_space<vmem>>
    %dma_wait3A_27 = tpu.memref_squeeze %dma_wait3A_26 : memref<1x40x256xf32, #tpu.memory_space<vmem>> -> memref<40x256xf32, #tpu.memory_space<vmem>>
    %dma_wait3A_28 = arith.constant 0 : i32
    %dma_wait3A_29 = tpu.memref_slice %arg7[%add3A_10, %dma_wait3A_28] : memref<320000x256xf32, #tpu.memory_space<hbm>> -> memref<40x256xf32, #tpu.memory_space<hbm>>
    %dma_wait3A_30 = arith.constant 0 : i32
    %dma_wait3A_31 = tpu.memref_slice %arg7[%add3A_10, %dma_wait3A_30] : memref<320000x256xf32, #tpu.memory_space<hbm>> -> memref<40x256xf32, #tpu.memory_space<hbm>>
    %dma_wait3A_32 = arith.constant 0 : i32
    %dma_wait3A_33 = arith.constant 0 : i32
    %dma_wait3A_34 = tpu.memref_slice %arg11[%dma_wait3A_23, %dma_wait3A_32, %dma_wait3A_33] : memref<5x40x256xf32, #tpu.memory_space<vmem>> -> memref<1x40x256xf32, #tpu.memory_space<vmem>>
    %dma_wait3A_35 = tpu.memref_squeeze %dma_wait3A_34 : memref<1x40x256xf32, #tpu.memory_space<vmem>> -> memref<40x256xf32, #tpu.memory_space<vmem>>
    tpu.wait_dma2 semaphore(%arg13 : memref<!tpu.dma_semaphore, #tpu.memory_space<semaphore_mem>>) src(%dma_wait3A_35 : memref<40x256xf32, #tpu.memory_space<vmem>>) dst(%dma_wait3A_31 : memref<40x256xf32, #tpu.memory_space<hbm>>)
    %add3A_36 = arith.constant 9840 : i32
    %add3A_37 = arith.addi %mul3A_2, %add3A_36 : i32
    %dma_wait3A_38 = arith.constant 1 : i32
    %dma_wait3A_39 = arith.constant 0 : i32
    %dma_wait3A_40 = arith.constant 0 : i32
    %dma_wait3A_41 = tpu.memref_slice %arg10[%dma_wait3A_38, %dma_wait3A_39, %dma_wait3A_40] : memref<5x40x128xf32, #tpu.memory_space<vmem>> -> memref<1x40x128xf32, #tpu.memory_space<vmem>>
    %dma_wait3A_42 = tpu.memref_squeeze %dma_wait3A_41 : memref<1x40x128xf32, #tpu.memory_space<vmem>> -> memref<40x128xf32, #tpu.memory_space<vmem>>
    %dma_wait3A_43 = arith.constant 0 : i32
    %dma_wait3A_44 = tpu.memref_slice %arg6[%add3A_37, %dma_wait3A_43] : memref<320000x128xf32, #tpu.memory_space<hbm>> -> memref<40x128xf32, #tpu.memory_space<hbm>>
    %dma_wait3A_45 = arith.constant 0 : i32
    %dma_wait3A_46 = tpu.memref_slice %arg6[%add3A_37, %dma_wait3A_45] : memref<320000x128xf32, #tpu.memory_space<hbm>> -> memref<40x128xf32, #tpu.memory_space<hbm>>
    %dma_wait3A_47 = arith.constant 0 : i32
    %dma_wait3A_48 = arith.constant 0 : i32
    %dma_wait3A_49 = tpu.memref_slice %arg10[%dma_wait3A_38, %dma_wait3A_47, %dma_wait3A_48] : memref<5x40x128xf32, #tpu.memory_space<vmem>> -> memref<1x40x128xf32, #tpu.memory_space<vmem>>
    %dma_wait3A_50 = tpu.memref_squeeze %dma_wait3A_49 : memref<1x40x128xf32, #tpu.memory_space<vmem>> -> memref<40x128xf32, #tpu.memory_space<vmem>>
    tpu.wait_dma2 semaphore(%arg13 : memref<!tpu.dma_semaphore, #tpu.memory_space<semaphore_mem>>) src(%dma_wait3A_50 : memref<40x128xf32, #tpu.memory_space<vmem>>) dst(%dma_wait3A_46 : memref<40x128xf32, #tpu.memory_space<hbm>>)
    %dma_wait3A_51 = arith.constant 1 : i32
    %dma_wait3A_52 = arith.constant 0 : i32
    %dma_wait3A_53 = arith.constant 0 : i32
    %dma_wait3A_54 = tpu.memref_slice %arg11[%dma_wait3A_51, %dma_wait3A_52, %dma_wait3A_53] : memref<5x40x256xf32, #tpu.memory_space<vmem>> -> memref<1x40x256xf32, #tpu.memory_space<vmem>>
    %dma_wait3A_55 = tpu.memref_squeeze %dma_wait3A_54 : memref<1x40x256xf32, #tpu.memory_space<vmem>> -> memref<40x256xf32, #tpu.memory_space<vmem>>
    %dma_wait3A_56 = arith.constant 0 : i32
    %dma_wait3A_57 = tpu.memref_slice %arg7[%add3A_37, %dma_wait3A_56] : memref<320000x256xf32, #tpu.memory_space<hbm>> -> memref<40x256xf32, #tpu.memory_space<hbm>>
    %dma_wait3A_58 = arith.constant 0 : i32
    %dma_wait3A_59 = tpu.memref_slice %arg7[%add3A_37, %dma_wait3A_58] : memref<320000x256xf32, #tpu.memory_space<hbm>> -> memref<40x256xf32, #tpu.memory_space<hbm>>
    %dma_wait3A_60 = arith.constant 0 : i32
    %dma_wait3A_61 = arith.constant 0 : i32
    %dma_wait3A_62 = tpu.memref_slice %arg11[%dma_wait3A_51, %dma_wait3A_60, %dma_wait3A_61] : memref<5x40x256xf32, #tpu.memory_space<vmem>> -> memref<1x40x256xf32, #tpu.memory_space<vmem>>
    %dma_wait3A_63 = tpu.memref_squeeze %dma_wait3A_62 : memref<1x40x256xf32, #tpu.memory_space<vmem>> -> memref<40x256xf32, #tpu.memory_space<vmem>>
    tpu.wait_dma2 semaphore(%arg13 : memref<!tpu.dma_semaphore, #tpu.memory_space<semaphore_mem>>) src(%dma_wait3A_63 : memref<40x256xf32, #tpu.memory_space<vmem>>) dst(%dma_wait3A_59 : memref<40x256xf32, #tpu.memory_space<hbm>>)
    %add3A_64 = arith.constant 9880 : i32
    %add3A_65 = arith.addi %mul3A_2, %add3A_64 : i32
    %dma_wait3A_66 = arith.constant 2 : i32
    %dma_wait3A_67 = arith.constant 0 : i32
    %dma_wait3A_68 = arith.constant 0 : i32
    %dma_wait3A_69 = tpu.memref_slice %arg10[%dma_wait3A_66, %dma_wait3A_67, %dma_wait3A_68] : memref<5x40x128xf32, #tpu.memory_space<vmem>> -> memref<1x40x128xf32, #tpu.memory_space<vmem>>
    %dma_wait3A_70 = tpu.memref_squeeze %dma_wait3A_69 : memref<1x40x128xf32, #tpu.memory_space<vmem>> -> memref<40x128xf32, #tpu.memory_space<vmem>>
    %dma_wait3A_71 = arith.constant 0 : i32
    %dma_wait3A_72 = tpu.memref_slice %arg6[%add3A_65, %dma_wait3A_71] : memref<320000x128xf32, #tpu.memory_space<hbm>> -> memref<40x128xf32, #tpu.memory_space<hbm>>
    %dma_wait3A_73 = arith.constant 0 : i32
    %dma_wait3A_74 = tpu.memref_slice %arg6[%add3A_65, %dma_wait3A_73] : memref<320000x128xf32, #tpu.memory_space<hbm>> -> memref<40x128xf32, #tpu.memory_space<hbm>>
    %dma_wait3A_75 = arith.constant 0 : i32
    %dma_wait3A_76 = arith.constant 0 : i32
    %dma_wait3A_77 = tpu.memref_slice %arg10[%dma_wait3A_66, %dma_wait3A_75, %dma_wait3A_76] : memref<5x40x128xf32, #tpu.memory_space<vmem>> -> memref<1x40x128xf32, #tpu.memory_space<vmem>>
    %dma_wait3A_78 = tpu.memref_squeeze %dma_wait3A_77 : memref<1x40x128xf32, #tpu.memory_space<vmem>> -> memref<40x128xf32, #tpu.memory_space<vmem>>
    tpu.wait_dma2 semaphore(%arg13 : memref<!tpu.dma_semaphore, #tpu.memory_space<semaphore_mem>>) src(%dma_wait3A_78 : memref<40x128xf32, #tpu.memory_space<vmem>>) dst(%dma_wait3A_74 : memref<40x128xf32, #tpu.memory_space<hbm>>)
    %dma_wait3A_79 = arith.constant 2 : i32
    %dma_wait3A_80 = arith.constant 0 : i32
    %dma_wait3A_81 = arith.constant 0 : i32
    %dma_wait3A_82 = tpu.memref_slice %arg11[%dma_wait3A_79, %dma_wait3A_80, %dma_wait3A_81] : memref<5x40x256xf32, #tpu.memory_space<vmem>> -> memref<1x40x256xf32, #tpu.memory_space<vmem>>
    %dma_wait3A_83 = tpu.memref_squeeze %dma_wait3A_82 : memref<1x40x256xf32, #tpu.memory_space<vmem>> -> memref<40x256xf32, #tpu.memory_space<vmem>>
    %dma_wait3A_84 = arith.constant 0 : i32
    %dma_wait3A_85 = tpu.memref_slice %arg7[%add3A_65, %dma_wait3A_84] : memref<320000x256xf32, #tpu.memory_space<hbm>> -> memref<40x256xf32, #tpu.memory_space<hbm>>
    %dma_wait3A_86 = arith.constant 0 : i32
    %dma_wait3A_87 = tpu.memref_slice %arg7[%add3A_65, %dma_wait3A_86] : memref<320000x256xf32, #tpu.memory_space<hbm>> -> memref<40x256xf32, #tpu.memory_space<hbm>>
    %dma_wait3A_88 = arith.constant 0 : i32
    %dma_wait3A_89 = arith.constant 0 : i32
    %dma_wait3A_90 = tpu.memref_slice %arg11[%dma_wait3A_79, %dma_wait3A_88, %dma_wait3A_89] : memref<5x40x256xf32, #tpu.memory_space<vmem>> -> memref<1x40x256xf32, #tpu.memory_space<vmem>>
    %dma_wait3A_91 = tpu.memref_squeeze %dma_wait3A_90 : memref<1x40x256xf32, #tpu.memory_space<vmem>> -> memref<40x256xf32, #tpu.memory_space<vmem>>
    tpu.wait_dma2 semaphore(%arg13 : memref<!tpu.dma_semaphore, #tpu.memory_space<semaphore_mem>>) src(%dma_wait3A_91 : memref<40x256xf32, #tpu.memory_space<vmem>>) dst(%dma_wait3A_87 : memref<40x256xf32, #tpu.memory_space<hbm>>)
    %add3A_92 = arith.constant 9920 : i32
    %add3A_93 = arith.addi %mul3A_2, %add3A_92 : i32
    %dma_wait3A_94 = arith.constant 3 : i32
    %dma_wait3A_95 = arith.constant 0 : i32
    %dma_wait3A_96 = arith.constant 0 : i32
    %dma_wait3A_97 = tpu.memref_slice %arg10[%dma_wait3A_94, %dma_wait3A_95, %dma_wait3A_96] : memref<5x40x128xf32, #tpu.memory_space<vmem>> -> memref<1x40x128xf32, #tpu.memory_space<vmem>>
    %dma_wait3A_98 = tpu.memref_squeeze %dma_wait3A_97 : memref<1x40x128xf32, #tpu.memory_space<vmem>> -> memref<40x128xf32, #tpu.memory_space<vmem>>
    %dma_wait3A_99 = arith.constant 0 : i32
    %dma_wait3A_100 = tpu.memref_slice %arg6[%add3A_93, %dma_wait3A_99] : memref<320000x128xf32, #tpu.memory_space<hbm>> -> memref<40x128xf32, #tpu.memory_space<hbm>>
    %dma_wait3A_101 = arith.constant 0 : i32
    %dma_wait3A_102 = tpu.memref_slice %arg6[%add3A_93, %dma_wait3A_101] : memref<320000x128xf32, #tpu.memory_space<hbm>> -> memref<40x128xf32, #tpu.memory_space<hbm>>
    %dma_wait3A_103 = arith.constant 0 : i32
    %dma_wait3A_104 = arith.constant 0 : i32
    %dma_wait3A_105 = tpu.memref_slice %arg10[%dma_wait3A_94, %dma_wait3A_103, %dma_wait3A_104] : memref<5x40x128xf32, #tpu.memory_space<vmem>> -> memref<1x40x128xf32, #tpu.memory_space<vmem>>
    %dma_wait3A_106 = tpu.memref_squeeze %dma_wait3A_105 : memref<1x40x128xf32, #tpu.memory_space<vmem>> -> memref<40x128xf32, #tpu.memory_space<vmem>>
    tpu.wait_dma2 semaphore(%arg13 : memref<!tpu.dma_semaphore, #tpu.memory_space<semaphore_mem>>) src(%dma_wait3A_106 : memref<40x128xf32, #tpu.memory_space<vmem>>) dst(%dma_wait3A_102 : memref<40x128xf32, #tpu.memory_space<hbm>>)
    %dma_wait3A_107 = arith.constant 3 : i32
    %dma_wait3A_108 = arith.constant 0 : i32
    %dma_wait3A_109 = arith.constant 0 : i32
    %dma_wait3A_110 = tpu.memref_slice %arg11[%dma_wait3A_107, %dma_wait3A_108, %dma_wait3A_109] : memref<5x40x256xf32, #tpu.memory_space<vmem>> -> memref<1x40x256xf32, #tpu.memory_space<vmem>>
    %dma_wait3A_111 = tpu.memref_squeeze %dma_wait3A_110 : memref<1x40x256xf32, #tpu.memory_space<vmem>> -> memref<40x256xf32, #tpu.memory_space<vmem>>
    %dma_wait3A_112 = arith.constant 0 : i32
    %dma_wait3A_113 = tpu.memref_slice %arg7[%add3A_93, %dma_wait3A_112] : memref<320000x256xf32, #tpu.memory_space<hbm>> -> memref<40x256xf32, #tpu.memory_space<hbm>>
    %dma_wait3A_114 = arith.constant 0 : i32
    %dma_wait3A_115 = tpu.memref_slice %arg7[%add3A_93, %dma_wait3A_114] : memref<320000x256xf32, #tpu.memory_space<hbm>> -> memref<40x256xf32, #tpu.memory_space<hbm>>
    %dma_wait3A_116 = arith.constant 0 : i32
    %dma_wait3A_117 = arith.constant 0 : i32
    %dma_wait3A_118 = tpu.memref_slice %arg11[%dma_wait3A_107, %dma_wait3A_116, %dma_wait3A_117] : memref<5x40x256xf32, #tpu.memory_space<vmem>> -> memref<1x40x256xf32, #tpu.memory_space<vmem>>
    %dma_wait3A_119 = tpu.memref_squeeze %dma_wait3A_118 : memref<1x40x256xf32, #tpu.memory_space<vmem>> -> memref<40x256xf32, #tpu.memory_space<vmem>>
    tpu.wait_dma2 semaphore(%arg13 : memref<!tpu.dma_semaphore, #tpu.memory_space<semaphore_mem>>) src(%dma_wait3A_119 : memref<40x256xf32, #tpu.memory_space<vmem>>) dst(%dma_wait3A_115 : memref<40x256xf32, #tpu.memory_space<hbm>>)
    %add3A_120 = arith.constant 9960 : i32
    %add3A_121 = arith.addi %mul3A_2, %add3A_120 : i32
    %dma_wait3A_122 = arith.constant 4 : i32
    %dma_wait3A_123 = arith.constant 0 : i32
    %dma_wait3A_124 = arith.constant 0 : i32
    %dma_wait3A_125 = tpu.memref_slice %arg10[%dma_wait3A_122, %dma_wait3A_123, %dma_wait3A_124] : memref<5x40x128xf32, #tpu.memory_space<vmem>> -> memref<1x40x128xf32, #tpu.memory_space<vmem>>
    %dma_wait3A_126 = tpu.memref_squeeze %dma_wait3A_125 : memref<1x40x128xf32, #tpu.memory_space<vmem>> -> memref<40x128xf32, #tpu.memory_space<vmem>>
    %dma_wait3A_127 = arith.constant 0 : i32
    %dma_wait3A_128 = tpu.memref_slice %arg6[%add3A_121, %dma_wait3A_127] : memref<320000x128xf32, #tpu.memory_space<hbm>> -> memref<40x128xf32, #tpu.memory_space<hbm>>
    %dma_wait3A_129 = arith.constant 0 : i32
    %dma_wait3A_130 = tpu.memref_slice %arg6[%add3A_121, %dma_wait3A_129] : memref<320000x128xf32, #tpu.memory_space<hbm>> -> memref<40x128xf32, #tpu.memory_space<hbm>>
    %dma_wait3A_131 = arith.constant 0 : i32
    %dma_wait3A_132 = arith.constant 0 : i32
    %dma_wait3A_133 = tpu.memref_slice %arg10[%dma_wait3A_122, %dma_wait3A_131, %dma_wait3A_132] : memref<5x40x128xf32, #tpu.memory_space<vmem>> -> memref<1x40x128xf32, #tpu.memory_space<vmem>>
    %dma_wait3A_134 = tpu.memref_squeeze %dma_wait3A_133 : memref<1x40x128xf32, #tpu.memory_space<vmem>> -> memref<40x128xf32, #tpu.memory_space<vmem>>
    tpu.wait_dma2 semaphore(%arg13 : memref<!tpu.dma_semaphore, #tpu.memory_space<semaphore_mem>>) src(%dma_wait3A_134 : memref<40x128xf32, #tpu.memory_space<vmem>>) dst(%dma_wait3A_130 : memref<40x128xf32, #tpu.memory_space<hbm>>)
    %dma_wait3A_135 = arith.constant 4 : i32
    %dma_wait3A_136 = arith.constant 0 : i32
    %dma_wait3A_137 = arith.constant 0 : i32
    %dma_wait3A_138 = tpu.memref_slice %arg11[%dma_wait3A_135, %dma_wait3A_136, %dma_wait3A_137] : memref<5x40x256xf32, #tpu.memory_space<vmem>> -> memref<1x40x256xf32, #tpu.memory_space<vmem>>
    %dma_wait3A_139 = tpu.memref_squeeze %dma_wait3A_138 : memref<1x40x256xf32, #tpu.memory_space<vmem>> -> memref<40x256xf32, #tpu.memory_space<vmem>>
    %dma_wait3A_140 = arith.constant 0 : i32
    %dma_wait3A_141 = tpu.memref_slice %arg7[%add3A_121, %dma_wait3A_140] : memref<320000x256xf32, #tpu.memory_space<hbm>> -> memref<40x256xf32, #tpu.memory_space<hbm>>
    %dma_wait3A_142 = arith.constant 0 : i32
    %dma_wait3A_143 = tpu.memref_slice %arg7[%add3A_121, %dma_wait3A_142] : memref<320000x256xf32, #tpu.memory_space<hbm>> -> memref<40x256xf32, #tpu.memory_space<hbm>>
    %dma_wait3A_144 = arith.constant 0 : i32
    %dma_wait3A_145 = arith.constant 0 : i32
    %dma_wait3A_146 = tpu.memref_slice %arg11[%dma_wait3A_135, %dma_wait3A_144, %dma_wait3A_145] : memref<5x40x256xf32, #tpu.memory_space<vmem>> -> memref<1x40x256xf32, #tpu.memory_space<vmem>>
    %dma_wait3A_147 = tpu.memref_squeeze %dma_wait3A_146 : memref<1x40x256xf32, #tpu.memory_space<vmem>> -> memref<40x256xf32, #tpu.memory_space<vmem>>
    tpu.wait_dma2 semaphore(%arg13 : memref<!tpu.dma_semaphore, #tpu.memory_space<semaphore_mem>>) src(%dma_wait3A_147 : memref<40x256xf32, #tpu.memory_space<vmem>>) dst(%dma_wait3A_143 : memref<40x256xf32, #tpu.memory_space<hbm>>)
    return
  }
}

#map = affine_map<(d0, d1) -> (0, 0)>
#map1 = affine_map<(d0, d1) -> (0)>
module attributes {stable_mosaic.version = 14 : i64} {
  func.func @k(%arg0: i32, %arg1: i32, %arg2: memref<320000x256xf32, #tpu.memory_space<hbm>>, %arg3: memref<320000xi32, #tpu.memory_space<hbm>>, %arg4: memref<10000x128xf32, #tpu.memory_space<hbm>>, %arg5: memref<40000x128xf32, #tpu.memory_space<hbm>>, %arg6: memref<40xi32, #tpu.memory_space<vmem>>, %arg7: memref<40xi32, #tpu.memory_space<vmem>>, %arg8: memref<40xi32, #tpu.memory_space<vmem>>, %arg9: memref<40xi32, #tpu.memory_space<vmem>>, %arg10: memref<40xi32, #tpu.memory_space<vmem>>, %arg11: memref<5x40x128xf32, #tpu.memory_space<vmem>>, %arg12: memref<10000x128xf32, #tpu.memory_space<vmem_shared>>, %arg13: memref<!tpu.dma_semaphore, #tpu.memory_space<semaphore_mem>>, %arg14: memref<!tpu.dma_semaphore, #tpu.memory_space<semaphore_mem>>) attributes {dimension_semantics = [#tpu.dimension_semantics<core_parallel>, #tpu.dimension_semantics<subcore_parallel>], iteration_bounds = array<i64: 2, 16>, scalar_prefetch = 0 : i64, scratch_operands = 9 : i64, tpu.core_type = #tpu.core_type<sc_vector_subcore>, window_params = [{transform_indices = #map}, {transform_indices = #map1}, {transform_indices = #map}, {transform_indices = #map}]} {
    %mul3A = arith.constant 2 : i32
    %mul3A_0 = arith.muli %arg1, %mul3A : i32
    %add3A = arith.addi %mul3A_0, %arg0 : i32
    %eq3A = arith.constant 0 : i32
    %eq3A_1 = arith.cmpi eq, %arg1, %eq3A : i32
    %convert_element_type3A = arith.extui %eq3A_1 : i1 to i32
    %cond3A = arith.constant 0 : i32
    %cond3A_2 = arith.cmpi ne, %convert_element_type3A, %cond3A : i32
    scf.if %cond3A_2 {
      "tpu.region"() ({
        %run_scoped3A = tpu.sem_alloc : memref<!tpu.dma_semaphore, #tpu.memory_space<semaphore_mem>>
        tpu.enqueue_dma source(%arg4 : memref<10000x128xf32, #tpu.memory_space<hbm>>) target(%arg12 : memref<10000x128xf32, #tpu.memory_space<vmem_shared>>) target_semaphore(%run_scoped3A : memref<!tpu.dma_semaphore, #tpu.memory_space<semaphore_mem>>)
        tpu.wait_dma2 semaphore(%run_scoped3A : memref<!tpu.dma_semaphore, #tpu.memory_space<semaphore_mem>>) src(%arg4 : memref<10000x128xf32, #tpu.memory_space<hbm>>) dst(%arg12 : memref<10000x128xf32, #tpu.memory_space<vmem_shared>>)
        tpu.yield
      }) : () -> ()
    } else {
    }
    %barrier3A = arith.constant 0 : index
    tpu.barrier barrier_id(%barrier3A)
    %mul3A_3 = arith.constant 10000 : i32
    %mul3A_4 = arith.muli %add3A, %mul3A_3 : i32
    %scan3A = arith.constant 0 : i32
    %scan3A_5 = arith.constant 0 : i32
    %scan3A_6 = arith.constant 50 : i32
    %scan3A_7 = arith.addi %scan3A_5, %scan3A_6 : i32
    %scan3A_8 = arith.constant 1 : i32
    %scan3A_9 = scf.for %scan3A_207 = %scan3A_5 to %scan3A_7 step %scan3A_8 iter_args(%scan3A_208 = %scan3A) -> (i32)  : i32 {
      %mul3A_209 = arith.constant 5 : i32
      %mul3A_210 = arith.muli %scan3A_207, %mul3A_209 : i32
      %add3A_211 = arith.constant 0 : i32
      %add3A_212 = arith.addi %mul3A_210, %add3A_211 : i32
      %mul3A_213 = arith.constant 40 : i32
      %mul3A_214 = arith.muli %add3A_212, %mul3A_213 : i32
      %gt3A = arith.constant 0 : i32
      %gt3A_215 = arith.cmpi sgt, %scan3A_207, %gt3A : i32
      %convert_element_type3A_216 = arith.extui %gt3A_215 : i1 to i32
      %cond3A_217 = arith.constant 0 : i32
      %cond3A_218 = arith.cmpi ne, %convert_element_type3A_216, %cond3A_217 : i32
      scf.if %cond3A_218 {
        %dma_wait3A_463 = arith.constant 0 : i32
        %dma_wait3A_464 = arith.constant 0 : i32
        %dma_wait3A_465 = arith.constant 0 : i32
        %dma_wait3A_466 = tpu.memref_slice %arg11[%dma_wait3A_463, %dma_wait3A_464, %dma_wait3A_465] : memref<5x40x128xf32, #tpu.memory_space<vmem>> -> memref<1x40x128xf32, #tpu.memory_space<vmem>>
        %dma_wait3A_467 = tpu.memref_squeeze %dma_wait3A_466 : memref<1x40x128xf32, #tpu.memory_space<vmem>> -> memref<40x128xf32, #tpu.memory_space<vmem>>
        %dma_wait3A_468 = arith.constant 0 : i32
        %dma_wait3A_469 = arith.constant 0 : i32
        %dma_wait3A_470 = tpu.memref_slice %arg12[%dma_wait3A_468, %dma_wait3A_469] : memref<10000x128xf32, #tpu.memory_space<vmem_shared>> -> memref<40x128xf32, #tpu.memory_space<vmem_shared>>
        %dma_wait3A_471 = arith.constant 0 : i32
        %dma_wait3A_472 = arith.constant 0 : i32
        %dma_wait3A_473 = tpu.memref_slice %arg12[%dma_wait3A_471, %dma_wait3A_472] : memref<10000x128xf32, #tpu.memory_space<vmem_shared>> -> memref<40x128xf32, #tpu.memory_space<vmem_shared>>
        %dma_wait3A_474 = arith.constant 0 : i32
        %dma_wait3A_475 = arith.constant 0 : i32
        %dma_wait3A_476 = tpu.memref_slice %arg11[%dma_wait3A_463, %dma_wait3A_474, %dma_wait3A_475] : memref<5x40x128xf32, #tpu.memory_space<vmem>> -> memref<1x40x128xf32, #tpu.memory_space<vmem>>
        %dma_wait3A_477 = tpu.memref_squeeze %dma_wait3A_476 : memref<1x40x128xf32, #tpu.memory_space<vmem>> -> memref<40x128xf32, #tpu.memory_space<vmem>>
        tpu.wait_dma2 semaphore(%arg14 : memref<!tpu.dma_semaphore, #tpu.memory_space<semaphore_mem>>) src(%dma_wait3A_477 : memref<40x128xf32, #tpu.memory_space<vmem>>) dst(%dma_wait3A_473 : memref<40x128xf32, #tpu.memory_space<vmem_shared>>)
      } else {
      }
      %add3A_219 = arith.addi %mul3A_4, %mul3A_214 : i32
      %dma_start3A = tpu.memref_slice %arg3[%add3A_219] : memref<320000xi32, #tpu.memory_space<hbm>> -> memref<40xi32, #tpu.memory_space<hbm>>
      %dma_start3A_220 = tpu.memref_slice %arg3[%add3A_219] : memref<320000xi32, #tpu.memory_space<hbm>> -> memref<40xi32, #tpu.memory_space<hbm>>
      tpu.enqueue_dma source(%dma_start3A_220 : memref<40xi32, #tpu.memory_space<hbm>>) target(%arg6 : memref<40xi32, #tpu.memory_space<vmem>>) target_semaphore(%arg13 : memref<!tpu.dma_semaphore, #tpu.memory_space<semaphore_mem>>)
      %add3A_221 = arith.addi %mul3A_4, %mul3A_214 : i32
      %dma_start3A_222 = arith.constant 0 : i32
      %dma_start3A_223 = arith.constant 0 : i32
      %dma_start3A_224 = arith.constant 0 : i32
      %dma_start3A_225 = tpu.memref_slice %arg11[%dma_start3A_222, %dma_start3A_223, %dma_start3A_224] : memref<5x40x128xf32, #tpu.memory_space<vmem>> -> memref<1x40x128xf32, #tpu.memory_space<vmem>>
      %dma_start3A_226 = tpu.memref_squeeze %dma_start3A_225 : memref<1x40x128xf32, #tpu.memory_space<vmem>> -> memref<40x128xf32, #tpu.memory_space<vmem>>
      %dma_start3A_227 = arith.constant 0 : i32
      %dma_start3A_228 = tpu.memref_slice %arg2[%add3A_221, %dma_start3A_227] : memref<320000x256xf32, #tpu.memory_space<hbm>> -> memref<40x128xf32, #tpu.memory_space<hbm>>
      %dma_start3A_229 = arith.constant 0 : i32
      %dma_start3A_230 = arith.constant 0 : i32
      %dma_start3A_231 = tpu.memref_slice %arg11[%dma_start3A_222, %dma_start3A_229, %dma_start3A_230] : memref<5x40x128xf32, #tpu.memory_space<vmem>> -> memref<1x40x128xf32, #tpu.memory_space<vmem>>
      %dma_start3A_232 = tpu.memref_squeeze %dma_start3A_231 : memref<1x40x128xf32, #tpu.memory_space<vmem>> -> memref<40x128xf32, #tpu.memory_space<vmem>>
      %dma_start3A_233 = arith.constant 0 : i32
      %dma_start3A_234 = tpu.memref_slice %arg2[%add3A_221, %dma_start3A_233] : memref<320000x256xf32, #tpu.memory_space<hbm>> -> memref<40x128xf32, #tpu.memory_space<hbm>>
      tpu.enqueue_dma source(%dma_start3A_234 : memref<40x128xf32, #tpu.memory_space<hbm>>) target(%dma_start3A_232 : memref<40x128xf32, #tpu.memory_space<vmem>>) target_semaphore(%arg13 : memref<!tpu.dma_semaphore, #tpu.memory_space<semaphore_mem>>)
      %mul3A_235 = arith.constant 5 : i32
      %mul3A_236 = arith.muli %scan3A_207, %mul3A_235 : i32
      %add3A_237 = arith.constant 1 : i32
      %add3A_238 = arith.addi %mul3A_236, %add3A_237 : i32
      %mul3A_239 = arith.constant 40 : i32
      %mul3A_240 = arith.muli %add3A_238, %mul3A_239 : i32
      %gt3A_241 = arith.constant 0 : i32
      %gt3A_242 = arith.cmpi sgt, %scan3A_207, %gt3A_241 : i32
      %convert_element_type3A_243 = arith.extui %gt3A_242 : i1 to i32
      %cond3A_244 = arith.constant 0 : i32
      %cond3A_245 = arith.cmpi ne, %convert_element_type3A_243, %cond3A_244 : i32
      scf.if %cond3A_245 {
        %dma_wait3A_463 = arith.constant 1 : i32
        %dma_wait3A_464 = arith.constant 0 : i32
        %dma_wait3A_465 = arith.constant 0 : i32
        %dma_wait3A_466 = tpu.memref_slice %arg11[%dma_wait3A_463, %dma_wait3A_464, %dma_wait3A_465] : memref<5x40x128xf32, #tpu.memory_space<vmem>> -> memref<1x40x128xf32, #tpu.memory_space<vmem>>
        %dma_wait3A_467 = tpu.memref_squeeze %dma_wait3A_466 : memref<1x40x128xf32, #tpu.memory_space<vmem>> -> memref<40x128xf32, #tpu.memory_space<vmem>>
        %dma_wait3A_468 = arith.constant 0 : i32
        %dma_wait3A_469 = arith.constant 0 : i32
        %dma_wait3A_470 = tpu.memref_slice %arg12[%dma_wait3A_468, %dma_wait3A_469] : memref<10000x128xf32, #tpu.memory_space<vmem_shared>> -> memref<40x128xf32, #tpu.memory_space<vmem_shared>>
        %dma_wait3A_471 = arith.constant 0 : i32
        %dma_wait3A_472 = arith.constant 0 : i32
        %dma_wait3A_473 = tpu.memref_slice %arg12[%dma_wait3A_471, %dma_wait3A_472] : memref<10000x128xf32, #tpu.memory_space<vmem_shared>> -> memref<40x128xf32, #tpu.memory_space<vmem_shared>>
        %dma_wait3A_474 = arith.constant 0 : i32
        %dma_wait3A_475 = arith.constant 0 : i32
        %dma_wait3A_476 = tpu.memref_slice %arg11[%dma_wait3A_463, %dma_wait3A_474, %dma_wait3A_475] : memref<5x40x128xf32, #tpu.memory_space<vmem>> -> memref<1x40x128xf32, #tpu.memory_space<vmem>>
        %dma_wait3A_477 = tpu.memref_squeeze %dma_wait3A_476 : memref<1x40x128xf32, #tpu.memory_space<vmem>> -> memref<40x128xf32, #tpu.memory_space<vmem>>
        tpu.wait_dma2 semaphore(%arg14 : memref<!tpu.dma_semaphore, #tpu.memory_space<semaphore_mem>>) src(%dma_wait3A_477 : memref<40x128xf32, #tpu.memory_space<vmem>>) dst(%dma_wait3A_473 : memref<40x128xf32, #tpu.memory_space<vmem_shared>>)
      } else {
      }
      %add3A_246 = arith.addi %mul3A_4, %mul3A_240 : i32
      %dma_start3A_247 = tpu.memref_slice %arg3[%add3A_246] : memref<320000xi32, #tpu.memory_space<hbm>> -> memref<40xi32, #tpu.memory_space<hbm>>
      %dma_start3A_248 = tpu.memref_slice %arg3[%add3A_246] : memref<320000xi32, #tpu.memory_space<hbm>> -> memref<40xi32, #tpu.memory_space<hbm>>
      tpu.enqueue_dma source(%dma_start3A_248 : memref<40xi32, #tpu.memory_space<hbm>>) target(%arg7 : memref<40xi32, #tpu.memory_space<vmem>>) target_semaphore(%arg13 : memref<!tpu.dma_semaphore, #tpu.memory_space<semaphore_mem>>)
      %add3A_249 = arith.addi %mul3A_4, %mul3A_240 : i32
      %dma_start3A_250 = arith.constant 1 : i32
      %dma_start3A_251 = arith.constant 0 : i32
      %dma_start3A_252 = arith.constant 0 : i32
      %dma_start3A_253 = tpu.memref_slice %arg11[%dma_start3A_250, %dma_start3A_251, %dma_start3A_252] : memref<5x40x128xf32, #tpu.memory_space<vmem>> -> memref<1x40x128xf32, #tpu.memory_space<vmem>>
      %dma_start3A_254 = tpu.memref_squeeze %dma_start3A_253 : memref<1x40x128xf32, #tpu.memory_space<vmem>> -> memref<40x128xf32, #tpu.memory_space<vmem>>
      %dma_start3A_255 = arith.constant 0 : i32
      %dma_start3A_256 = tpu.memref_slice %arg2[%add3A_249, %dma_start3A_255] : memref<320000x256xf32, #tpu.memory_space<hbm>> -> memref<40x128xf32, #tpu.memory_space<hbm>>
      %dma_start3A_257 = arith.constant 0 : i32
      %dma_start3A_258 = arith.constant 0 : i32
      %dma_start3A_259 = tpu.memref_slice %arg11[%dma_start3A_250, %dma_start3A_257, %dma_start3A_258] : memref<5x40x128xf32, #tpu.memory_space<vmem>> -> memref<1x40x128xf32, #tpu.memory_space<vmem>>
      %dma_start3A_260 = tpu.memref_squeeze %dma_start3A_259 : memref<1x40x128xf32, #tpu.memory_space<vmem>> -> memref<40x128xf32, #tpu.memory_space<vmem>>
      %dma_start3A_261 = arith.constant 0 : i32
      %dma_start3A_262 = tpu.memref_slice %arg2[%add3A_249, %dma_start3A_261] : memref<320000x256xf32, #tpu.memory_space<hbm>> -> memref<40x128xf32, #tpu.memory_space<hbm>>
      tpu.enqueue_dma source(%dma_start3A_262 : memref<40x128xf32, #tpu.memory_space<hbm>>) target(%dma_start3A_260 : memref<40x128xf32, #tpu.memory_space<vmem>>) target_semaphore(%arg13 : memref<!tpu.dma_semaphore, #tpu.memory_space<semaphore_mem>>)
      %mul3A_263 = arith.constant 5 : i32
      %mul3A_264 = arith.muli %scan3A_207, %mul3A_263 : i32
      %add3A_265 = arith.constant 2 : i32
      %add3A_266 = arith.addi %mul3A_264, %add3A_265 : i32
      %mul3A_267 = arith.constant 40 : i32
      %mul3A_268 = arith.muli %add3A_266, %mul3A_267 : i32
      %gt3A_269 = arith.constant 0 : i32
      %gt3A_270 = arith.cmpi sgt, %scan3A_207, %gt3A_269 : i32
      %convert_element_type3A_271 = arith.extui %gt3A_270 : i1 to i32
      %cond3A_272 = arith.constant 0 : i32
      %cond3A_273 = arith.cmpi ne, %convert_element_type3A_271, %cond3A_272 : i32
      scf.if %cond3A_273 {
        %dma_wait3A_463 = arith.constant 2 : i32
        %dma_wait3A_464 = arith.constant 0 : i32
        %dma_wait3A_465 = arith.constant 0 : i32
        %dma_wait3A_466 = tpu.memref_slice %arg11[%dma_wait3A_463, %dma_wait3A_464, %dma_wait3A_465] : memref<5x40x128xf32, #tpu.memory_space<vmem>> -> memref<1x40x128xf32, #tpu.memory_space<vmem>>
        %dma_wait3A_467 = tpu.memref_squeeze %dma_wait3A_466 : memref<1x40x128xf32, #tpu.memory_space<vmem>> -> memref<40x128xf32, #tpu.memory_space<vmem>>
        %dma_wait3A_468 = arith.constant 0 : i32
        %dma_wait3A_469 = arith.constant 0 : i32
        %dma_wait3A_470 = tpu.memref_slice %arg12[%dma_wait3A_468, %dma_wait3A_469] : memref<10000x128xf32, #tpu.memory_space<vmem_shared>> -> memref<40x128xf32, #tpu.memory_space<vmem_shared>>
        %dma_wait3A_471 = arith.constant 0 : i32
        %dma_wait3A_472 = arith.constant 0 : i32
        %dma_wait3A_473 = tpu.memref_slice %arg12[%dma_wait3A_471, %dma_wait3A_472] : memref<10000x128xf32, #tpu.memory_space<vmem_shared>> -> memref<40x128xf32, #tpu.memory_space<vmem_shared>>
        %dma_wait3A_474 = arith.constant 0 : i32
        %dma_wait3A_475 = arith.constant 0 : i32
        %dma_wait3A_476 = tpu.memref_slice %arg11[%dma_wait3A_463, %dma_wait3A_474, %dma_wait3A_475] : memref<5x40x128xf32, #tpu.memory_space<vmem>> -> memref<1x40x128xf32, #tpu.memory_space<vmem>>
        %dma_wait3A_477 = tpu.memref_squeeze %dma_wait3A_476 : memref<1x40x128xf32, #tpu.memory_space<vmem>> -> memref<40x128xf32, #tpu.memory_space<vmem>>
        tpu.wait_dma2 semaphore(%arg14 : memref<!tpu.dma_semaphore, #tpu.memory_space<semaphore_mem>>) src(%dma_wait3A_477 : memref<40x128xf32, #tpu.memory_space<vmem>>) dst(%dma_wait3A_473 : memref<40x128xf32, #tpu.memory_space<vmem_shared>>)
      } else {
      }
      %add3A_274 = arith.addi %mul3A_4, %mul3A_268 : i32
      %dma_start3A_275 = tpu.memref_slice %arg3[%add3A_274] : memref<320000xi32, #tpu.memory_space<hbm>> -> memref<40xi32, #tpu.memory_space<hbm>>
      %dma_start3A_276 = tpu.memref_slice %arg3[%add3A_274] : memref<320000xi32, #tpu.memory_space<hbm>> -> memref<40xi32, #tpu.memory_space<hbm>>
      tpu.enqueue_dma source(%dma_start3A_276 : memref<40xi32, #tpu.memory_space<hbm>>) target(%arg8 : memref<40xi32, #tpu.memory_space<vmem>>) target_semaphore(%arg13 : memref<!tpu.dma_semaphore, #tpu.memory_space<semaphore_mem>>)
      %add3A_277 = arith.addi %mul3A_4, %mul3A_268 : i32
      %dma_start3A_278 = arith.constant 2 : i32
      %dma_start3A_279 = arith.constant 0 : i32
      %dma_start3A_280 = arith.constant 0 : i32
      %dma_start3A_281 = tpu.memref_slice %arg11[%dma_start3A_278, %dma_start3A_279, %dma_start3A_280] : memref<5x40x128xf32, #tpu.memory_space<vmem>> -> memref<1x40x128xf32, #tpu.memory_space<vmem>>
      %dma_start3A_282 = tpu.memref_squeeze %dma_start3A_281 : memref<1x40x128xf32, #tpu.memory_space<vmem>> -> memref<40x128xf32, #tpu.memory_space<vmem>>
      %dma_start3A_283 = arith.constant 0 : i32
      %dma_start3A_284 = tpu.memref_slice %arg2[%add3A_277, %dma_start3A_283] : memref<320000x256xf32, #tpu.memory_space<hbm>> -> memref<40x128xf32, #tpu.memory_space<hbm>>
      %dma_start3A_285 = arith.constant 0 : i32
      %dma_start3A_286 = arith.constant 0 : i32
      %dma_start3A_287 = tpu.memref_slice %arg11[%dma_start3A_278, %dma_start3A_285, %dma_start3A_286] : memref<5x40x128xf32, #tpu.memory_space<vmem>> -> memref<1x40x128xf32, #tpu.memory_space<vmem>>
      %dma_start3A_288 = tpu.memref_squeeze %dma_start3A_287 : memref<1x40x128xf32, #tpu.memory_space<vmem>> -> memref<40x128xf32, #tpu.memory_space<vmem>>
      %dma_start3A_289 = arith.constant 0 : i32
      %dma_start3A_290 = tpu.memref_slice %arg2[%add3A_277, %dma_start3A_289] : memref<320000x256xf32, #tpu.memory_space<hbm>> -> memref<40x128xf32, #tpu.memory_space<hbm>>
      tpu.enqueue_dma source(%dma_start3A_290 : memref<40x128xf32, #tpu.memory_space<hbm>>) target(%dma_start3A_288 : memref<40x128xf32, #tpu.memory_space<vmem>>) target_semaphore(%arg13 : memref<!tpu.dma_semaphore, #tpu.memory_space<semaphore_mem>>)
      %mul3A_291 = arith.constant 5 : i32
      %mul3A_292 = arith.muli %scan3A_207, %mul3A_291 : i32
      %add3A_293 = arith.constant 3 : i32
      %add3A_294 = arith.addi %mul3A_292, %add3A_293 : i32
      %mul3A_295 = arith.constant 40 : i32
      %mul3A_296 = arith.muli %add3A_294, %mul3A_295 : i32
      %gt3A_297 = arith.constant 0 : i32
      %gt3A_298 = arith.cmpi sgt, %scan3A_207, %gt3A_297 : i32
      %convert_element_type3A_299 = arith.extui %gt3A_298 : i1 to i32
      %cond3A_300 = arith.constant 0 : i32
      %cond3A_301 = arith.cmpi ne, %convert_element_type3A_299, %cond3A_300 : i32
      scf.if %cond3A_301 {
        %dma_wait3A_463 = arith.constant 3 : i32
        %dma_wait3A_464 = arith.constant 0 : i32
        %dma_wait3A_465 = arith.constant 0 : i32
        %dma_wait3A_466 = tpu.memref_slice %arg11[%dma_wait3A_463, %dma_wait3A_464, %dma_wait3A_465] : memref<5x40x128xf32, #tpu.memory_space<vmem>> -> memref<1x40x128xf32, #tpu.memory_space<vmem>>
        %dma_wait3A_467 = tpu.memref_squeeze %dma_wait3A_466 : memref<1x40x128xf32, #tpu.memory_space<vmem>> -> memref<40x128xf32, #tpu.memory_space<vmem>>
        %dma_wait3A_468 = arith.constant 0 : i32
        %dma_wait3A_469 = arith.constant 0 : i32
        %dma_wait3A_470 = tpu.memref_slice %arg12[%dma_wait3A_468, %dma_wait3A_469] : memref<10000x128xf32, #tpu.memory_space<vmem_shared>> -> memref<40x128xf32, #tpu.memory_space<vmem_shared>>
        %dma_wait3A_471 = arith.constant 0 : i32
        %dma_wait3A_472 = arith.constant 0 : i32
        %dma_wait3A_473 = tpu.memref_slice %arg12[%dma_wait3A_471, %dma_wait3A_472] : memref<10000x128xf32, #tpu.memory_space<vmem_shared>> -> memref<40x128xf32, #tpu.memory_space<vmem_shared>>
        %dma_wait3A_474 = arith.constant 0 : i32
        %dma_wait3A_475 = arith.constant 0 : i32
        %dma_wait3A_476 = tpu.memref_slice %arg11[%dma_wait3A_463, %dma_wait3A_474, %dma_wait3A_475] : memref<5x40x128xf32, #tpu.memory_space<vmem>> -> memref<1x40x128xf32, #tpu.memory_space<vmem>>
        %dma_wait3A_477 = tpu.memref_squeeze %dma_wait3A_476 : memref<1x40x128xf32, #tpu.memory_space<vmem>> -> memref<40x128xf32, #tpu.memory_space<vmem>>
        tpu.wait_dma2 semaphore(%arg14 : memref<!tpu.dma_semaphore, #tpu.memory_space<semaphore_mem>>) src(%dma_wait3A_477 : memref<40x128xf32, #tpu.memory_space<vmem>>) dst(%dma_wait3A_473 : memref<40x128xf32, #tpu.memory_space<vmem_shared>>)
      } else {
      }
      %add3A_302 = arith.addi %mul3A_4, %mul3A_296 : i32
      %dma_start3A_303 = tpu.memref_slice %arg3[%add3A_302] : memref<320000xi32, #tpu.memory_space<hbm>> -> memref<40xi32, #tpu.memory_space<hbm>>
      %dma_start3A_304 = tpu.memref_slice %arg3[%add3A_302] : memref<320000xi32, #tpu.memory_space<hbm>> -> memref<40xi32, #tpu.memory_space<hbm>>
      tpu.enqueue_dma source(%dma_start3A_304 : memref<40xi32, #tpu.memory_space<hbm>>) target(%arg9 : memref<40xi32, #tpu.memory_space<vmem>>) target_semaphore(%arg13 : memref<!tpu.dma_semaphore, #tpu.memory_space<semaphore_mem>>)
      %add3A_305 = arith.addi %mul3A_4, %mul3A_296 : i32
      %dma_start3A_306 = arith.constant 3 : i32
      %dma_start3A_307 = arith.constant 0 : i32
      %dma_start3A_308 = arith.constant 0 : i32
      %dma_start3A_309 = tpu.memref_slice %arg11[%dma_start3A_306, %dma_start3A_307, %dma_start3A_308] : memref<5x40x128xf32, #tpu.memory_space<vmem>> -> memref<1x40x128xf32, #tpu.memory_space<vmem>>
      %dma_start3A_310 = tpu.memref_squeeze %dma_start3A_309 : memref<1x40x128xf32, #tpu.memory_space<vmem>> -> memref<40x128xf32, #tpu.memory_space<vmem>>
      %dma_start3A_311 = arith.constant 0 : i32
      %dma_start3A_312 = tpu.memref_slice %arg2[%add3A_305, %dma_start3A_311] : memref<320000x256xf32, #tpu.memory_space<hbm>> -> memref<40x128xf32, #tpu.memory_space<hbm>>
      %dma_start3A_313 = arith.constant 0 : i32
      %dma_start3A_314 = arith.constant 0 : i32
      %dma_start3A_315 = tpu.memref_slice %arg11[%dma_start3A_306, %dma_start3A_313, %dma_start3A_314] : memref<5x40x128xf32, #tpu.memory_space<vmem>> -> memref<1x40x128xf32, #tpu.memory_space<vmem>>
      %dma_start3A_316 = tpu.memref_squeeze %dma_start3A_315 : memref<1x40x128xf32, #tpu.memory_space<vmem>> -> memref<40x128xf32, #tpu.memory_space<vmem>>
      %dma_start3A_317 = arith.constant 0 : i32
      %dma_start3A_318 = tpu.memref_slice %arg2[%add3A_305, %dma_start3A_317] : memref<320000x256xf32, #tpu.memory_space<hbm>> -> memref<40x128xf32, #tpu.memory_space<hbm>>
      tpu.enqueue_dma source(%dma_start3A_318 : memref<40x128xf32, #tpu.memory_space<hbm>>) target(%dma_start3A_316 : memref<40x128xf32, #tpu.memory_space<vmem>>) target_semaphore(%arg13 : memref<!tpu.dma_semaphore, #tpu.memory_space<semaphore_mem>>)
      %mul3A_319 = arith.constant 5 : i32
      %mul3A_320 = arith.muli %scan3A_207, %mul3A_319 : i32
      %add3A_321 = arith.constant 4 : i32
      %add3A_322 = arith.addi %mul3A_320, %add3A_321 : i32
      %mul3A_323 = arith.constant 40 : i32
      %mul3A_324 = arith.muli %add3A_322, %mul3A_323 : i32
      %gt3A_325 = arith.constant 0 : i32
      %gt3A_326 = arith.cmpi sgt, %scan3A_207, %gt3A_325 : i32
      %convert_element_type3A_327 = arith.extui %gt3A_326 : i1 to i32
      %cond3A_328 = arith.constant 0 : i32
      %cond3A_329 = arith.cmpi ne, %convert_element_type3A_327, %cond3A_328 : i32
      scf.if %cond3A_329 {
        %dma_wait3A_463 = arith.constant 4 : i32
        %dma_wait3A_464 = arith.constant 0 : i32
        %dma_wait3A_465 = arith.constant 0 : i32
        %dma_wait3A_466 = tpu.memref_slice %arg11[%dma_wait3A_463, %dma_wait3A_464, %dma_wait3A_465] : memref<5x40x128xf32, #tpu.memory_space<vmem>> -> memref<1x40x128xf32, #tpu.memory_space<vmem>>
        %dma_wait3A_467 = tpu.memref_squeeze %dma_wait3A_466 : memref<1x40x128xf32, #tpu.memory_space<vmem>> -> memref<40x128xf32, #tpu.memory_space<vmem>>
        %dma_wait3A_468 = arith.constant 0 : i32
        %dma_wait3A_469 = arith.constant 0 : i32
        %dma_wait3A_470 = tpu.memref_slice %arg12[%dma_wait3A_468, %dma_wait3A_469] : memref<10000x128xf32, #tpu.memory_space<vmem_shared>> -> memref<40x128xf32, #tpu.memory_space<vmem_shared>>
        %dma_wait3A_471 = arith.constant 0 : i32
        %dma_wait3A_472 = arith.constant 0 : i32
        %dma_wait3A_473 = tpu.memref_slice %arg12[%dma_wait3A_471, %dma_wait3A_472] : memref<10000x128xf32, #tpu.memory_space<vmem_shared>> -> memref<40x128xf32, #tpu.memory_space<vmem_shared>>
        %dma_wait3A_474 = arith.constant 0 : i32
        %dma_wait3A_475 = arith.constant 0 : i32
        %dma_wait3A_476 = tpu.memref_slice %arg11[%dma_wait3A_463, %dma_wait3A_474, %dma_wait3A_475] : memref<5x40x128xf32, #tpu.memory_space<vmem>> -> memref<1x40x128xf32, #tpu.memory_space<vmem>>
        %dma_wait3A_477 = tpu.memref_squeeze %dma_wait3A_476 : memref<1x40x128xf32, #tpu.memory_space<vmem>> -> memref<40x128xf32, #tpu.memory_space<vmem>>
        tpu.wait_dma2 semaphore(%arg14 : memref<!tpu.dma_semaphore, #tpu.memory_space<semaphore_mem>>) src(%dma_wait3A_477 : memref<40x128xf32, #tpu.memory_space<vmem>>) dst(%dma_wait3A_473 : memref<40x128xf32, #tpu.memory_space<vmem_shared>>)
      } else {
      }
      %add3A_330 = arith.addi %mul3A_4, %mul3A_324 : i32
      %dma_start3A_331 = tpu.memref_slice %arg3[%add3A_330] : memref<320000xi32, #tpu.memory_space<hbm>> -> memref<40xi32, #tpu.memory_space<hbm>>
      %dma_start3A_332 = tpu.memref_slice %arg3[%add3A_330] : memref<320000xi32, #tpu.memory_space<hbm>> -> memref<40xi32, #tpu.memory_space<hbm>>
      tpu.enqueue_dma source(%dma_start3A_332 : memref<40xi32, #tpu.memory_space<hbm>>) target(%arg10 : memref<40xi32, #tpu.memory_space<vmem>>) target_semaphore(%arg13 : memref<!tpu.dma_semaphore, #tpu.memory_space<semaphore_mem>>)
      %add3A_333 = arith.addi %mul3A_4, %mul3A_324 : i32
      %dma_start3A_334 = arith.constant 4 : i32
      %dma_start3A_335 = arith.constant 0 : i32
      %dma_start3A_336 = arith.constant 0 : i32
      %dma_start3A_337 = tpu.memref_slice %arg11[%dma_start3A_334, %dma_start3A_335, %dma_start3A_336] : memref<5x40x128xf32, #tpu.memory_space<vmem>> -> memref<1x40x128xf32, #tpu.memory_space<vmem>>
      %dma_start3A_338 = tpu.memref_squeeze %dma_start3A_337 : memref<1x40x128xf32, #tpu.memory_space<vmem>> -> memref<40x128xf32, #tpu.memory_space<vmem>>
      %dma_start3A_339 = arith.constant 0 : i32
      %dma_start3A_340 = tpu.memref_slice %arg2[%add3A_333, %dma_start3A_339] : memref<320000x256xf32, #tpu.memory_space<hbm>> -> memref<40x128xf32, #tpu.memory_space<hbm>>
      %dma_start3A_341 = arith.constant 0 : i32
      %dma_start3A_342 = arith.constant 0 : i32
      %dma_start3A_343 = tpu.memref_slice %arg11[%dma_start3A_334, %dma_start3A_341, %dma_start3A_342] : memref<5x40x128xf32, #tpu.memory_space<vmem>> -> memref<1x40x128xf32, #tpu.memory_space<vmem>>
      %dma_start3A_344 = tpu.memref_squeeze %dma_start3A_343 : memref<1x40x128xf32, #tpu.memory_space<vmem>> -> memref<40x128xf32, #tpu.memory_space<vmem>>
      %dma_start3A_345 = arith.constant 0 : i32
      %dma_start3A_346 = tpu.memref_slice %arg2[%add3A_333, %dma_start3A_345] : memref<320000x256xf32, #tpu.memory_space<hbm>> -> memref<40x128xf32, #tpu.memory_space<hbm>>
      tpu.enqueue_dma source(%dma_start3A_346 : memref<40x128xf32, #tpu.memory_space<hbm>>) target(%dma_start3A_344 : memref<40x128xf32, #tpu.memory_space<vmem>>) target_semaphore(%arg13 : memref<!tpu.dma_semaphore, #tpu.memory_space<semaphore_mem>>)
      %dma_wait3A_347 = tpu.memref_slice %arg3[%add3A_219] : memref<320000xi32, #tpu.memory_space<hbm>> -> memref<40xi32, #tpu.memory_space<hbm>>
      %dma_wait3A_348 = tpu.memref_slice %arg3[%add3A_219] : memref<320000xi32, #tpu.memory_space<hbm>> -> memref<40xi32, #tpu.memory_space<hbm>>
      tpu.wait_dma2 semaphore(%arg13 : memref<!tpu.dma_semaphore, #tpu.memory_space<semaphore_mem>>) src(%dma_wait3A_348 : memref<40xi32, #tpu.memory_space<hbm>>) dst(%arg6 : memref<40xi32, #tpu.memory_space<vmem>>)
      %dma_wait3A_349 = arith.constant 0 : i32
      %dma_wait3A_350 = arith.constant 0 : i32
      %dma_wait3A_351 = arith.constant 0 : i32
      %dma_wait3A_352 = tpu.memref_slice %arg11[%dma_wait3A_349, %dma_wait3A_350, %dma_wait3A_351] : memref<5x40x128xf32, #tpu.memory_space<vmem>> -> memref<1x40x128xf32, #tpu.memory_space<vmem>>
      %dma_wait3A_353 = tpu.memref_squeeze %dma_wait3A_352 : memref<1x40x128xf32, #tpu.memory_space<vmem>> -> memref<40x128xf32, #tpu.memory_space<vmem>>
      %dma_wait3A_354 = arith.constant 0 : i32
      %dma_wait3A_355 = tpu.memref_slice %arg2[%add3A_221, %dma_wait3A_354] : memref<320000x256xf32, #tpu.memory_space<hbm>> -> memref<40x128xf32, #tpu.memory_space<hbm>>
      %dma_wait3A_356 = arith.constant 0 : i32
      %dma_wait3A_357 = arith.constant 0 : i32
      %dma_wait3A_358 = tpu.memref_slice %arg11[%dma_wait3A_349, %dma_wait3A_356, %dma_wait3A_357] : memref<5x40x128xf32, #tpu.memory_space<vmem>> -> memref<1x40x128xf32, #tpu.memory_space<vmem>>
      %dma_wait3A_359 = tpu.memref_squeeze %dma_wait3A_358 : memref<1x40x128xf32, #tpu.memory_space<vmem>> -> memref<40x128xf32, #tpu.memory_space<vmem>>
      %dma_wait3A_360 = arith.constant 0 : i32
      %dma_wait3A_361 = tpu.memref_slice %arg2[%add3A_221, %dma_wait3A_360] : memref<320000x256xf32, #tpu.memory_space<hbm>> -> memref<40x128xf32, #tpu.memory_space<hbm>>
      tpu.wait_dma2 semaphore(%arg13 : memref<!tpu.dma_semaphore, #tpu.memory_space<semaphore_mem>>) src(%dma_wait3A_361 : memref<40x128xf32, #tpu.memory_space<hbm>>) dst(%dma_wait3A_359 : memref<40x128xf32, #tpu.memory_space<vmem>>)
      %dma_start3A_362 = arith.constant 0 : i32
      %dma_start3A_363 = arith.constant 0 : i32
      %dma_start3A_364 = arith.constant 0 : i32
      %dma_start3A_365 = tpu.memref_slice %arg11[%dma_start3A_362, %dma_start3A_363, %dma_start3A_364] : memref<5x40x128xf32, #tpu.memory_space<vmem>> -> memref<1x40x128xf32, #tpu.memory_space<vmem>>
      %dma_start3A_366 = tpu.memref_squeeze %dma_start3A_365 : memref<1x40x128xf32, #tpu.memory_space<vmem>> -> memref<40x128xf32, #tpu.memory_space<vmem>>
      %dma_start3A_367 = arith.constant 0 : i32
      %dma_start3A_368 = arith.constant 0 : i32
      %dma_start3A_369 = tpu.memref_slice %arg12[%dma_start3A_367, %dma_start3A_368] : memref<10000x128xf32, #tpu.memory_space<vmem_shared>> -> memref<10000x128xf32, #tpu.memory_space<vmem_shared>>
      tpu.enqueue_indirect_dma source(%dma_start3A_366 : memref<40x128xf32, #tpu.memory_space<vmem>>) target(%dma_start3A_369 : memref<10000x128xf32, #tpu.memory_space<vmem_shared>>) offsets(%arg6 : memref<40xi32, #tpu.memory_space<vmem>>) semaphore(%arg14 : memref<!tpu.dma_semaphore, #tpu.memory_space<semaphore_mem>>) {add = true}
      %dma_wait3A_370 = tpu.memref_slice %arg3[%add3A_246] : memref<320000xi32, #tpu.memory_space<hbm>> -> memref<40xi32, #tpu.memory_space<hbm>>
      %dma_wait3A_371 = tpu.memref_slice %arg3[%add3A_246] : memref<320000xi32, #tpu.memory_space<hbm>> -> memref<40xi32, #tpu.memory_space<hbm>>
      tpu.wait_dma2 semaphore(%arg13 : memref<!tpu.dma_semaphore, #tpu.memory_space<semaphore_mem>>) src(%dma_wait3A_371 : memref<40xi32, #tpu.memory_space<hbm>>) dst(%arg7 : memref<40xi32, #tpu.memory_space<vmem>>)
      %dma_wait3A_372 = arith.constant 1 : i32
      %dma_wait3A_373 = arith.constant 0 : i32
      %dma_wait3A_374 = arith.constant 0 : i32
      %dma_wait3A_375 = tpu.memref_slice %arg11[%dma_wait3A_372, %dma_wait3A_373, %dma_wait3A_374] : memref<5x40x128xf32, #tpu.memory_space<vmem>> -> memref<1x40x128xf32, #tpu.memory_space<vmem>>
      %dma_wait3A_376 = tpu.memref_squeeze %dma_wait3A_375 : memref<1x40x128xf32, #tpu.memory_space<vmem>> -> memref<40x128xf32, #tpu.memory_space<vmem>>
      %dma_wait3A_377 = arith.constant 0 : i32
      %dma_wait3A_378 = tpu.memref_slice %arg2[%add3A_249, %dma_wait3A_377] : memref<320000x256xf32, #tpu.memory_space<hbm>> -> memref<40x128xf32, #tpu.memory_space<hbm>>
      %dma_wait3A_379 = arith.constant 0 : i32
      %dma_wait3A_380 = arith.constant 0 : i32
      %dma_wait3A_381 = tpu.memref_slice %arg11[%dma_wait3A_372, %dma_wait3A_379, %dma_wait3A_380] : memref<5x40x128xf32, #tpu.memory_space<vmem>> -> memref<1x40x128xf32, #tpu.memory_space<vmem>>
      %dma_wait3A_382 = tpu.memref_squeeze %dma_wait3A_381 : memref<1x40x128xf32, #tpu.memory_space<vmem>> -> memref<40x128xf32, #tpu.memory_space<vmem>>
      %dma_wait3A_383 = arith.constant 0 : i32
      %dma_wait3A_384 = tpu.memref_slice %arg2[%add3A_249, %dma_wait3A_383] : memref<320000x256xf32, #tpu.memory_space<hbm>> -> memref<40x128xf32, #tpu.memory_space<hbm>>
      tpu.wait_dma2 semaphore(%arg13 : memref<!tpu.dma_semaphore, #tpu.memory_space<semaphore_mem>>) src(%dma_wait3A_384 : memref<40x128xf32, #tpu.memory_space<hbm>>) dst(%dma_wait3A_382 : memref<40x128xf32, #tpu.memory_space<vmem>>)
      %dma_start3A_385 = arith.constant 1 : i32
      %dma_start3A_386 = arith.constant 0 : i32
      %dma_start3A_387 = arith.constant 0 : i32
      %dma_start3A_388 = tpu.memref_slice %arg11[%dma_start3A_385, %dma_start3A_386, %dma_start3A_387] : memref<5x40x128xf32, #tpu.memory_space<vmem>> -> memref<1x40x128xf32, #tpu.memory_space<vmem>>
      %dma_start3A_389 = tpu.memref_squeeze %dma_start3A_388 : memref<1x40x128xf32, #tpu.memory_space<vmem>> -> memref<40x128xf32, #tpu.memory_space<vmem>>
      %dma_start3A_390 = arith.constant 0 : i32
      %dma_start3A_391 = arith.constant 0 : i32
      %dma_start3A_392 = tpu.memref_slice %arg12[%dma_start3A_390, %dma_start3A_391] : memref<10000x128xf32, #tpu.memory_space<vmem_shared>> -> memref<10000x128xf32, #tpu.memory_space<vmem_shared>>
      tpu.enqueue_indirect_dma source(%dma_start3A_389 : memref<40x128xf32, #tpu.memory_space<vmem>>) target(%dma_start3A_392 : memref<10000x128xf32, #tpu.memory_space<vmem_shared>>) offsets(%arg7 : memref<40xi32, #tpu.memory_space<vmem>>) semaphore(%arg14 : memref<!tpu.dma_semaphore, #tpu.memory_space<semaphore_mem>>) {add = true}
      %dma_wait3A_393 = tpu.memref_slice %arg3[%add3A_274] : memref<320000xi32, #tpu.memory_space<hbm>> -> memref<40xi32, #tpu.memory_space<hbm>>
      %dma_wait3A_394 = tpu.memref_slice %arg3[%add3A_274] : memref<320000xi32, #tpu.memory_space<hbm>> -> memref<40xi32, #tpu.memory_space<hbm>>
      tpu.wait_dma2 semaphore(%arg13 : memref<!tpu.dma_semaphore, #tpu.memory_space<semaphore_mem>>) src(%dma_wait3A_394 : memref<40xi32, #tpu.memory_space<hbm>>) dst(%arg8 : memref<40xi32, #tpu.memory_space<vmem>>)
      %dma_wait3A_395 = arith.constant 2 : i32
      %dma_wait3A_396 = arith.constant 0 : i32
      %dma_wait3A_397 = arith.constant 0 : i32
      %dma_wait3A_398 = tpu.memref_slice %arg11[%dma_wait3A_395, %dma_wait3A_396, %dma_wait3A_397] : memref<5x40x128xf32, #tpu.memory_space<vmem>> -> memref<1x40x128xf32, #tpu.memory_space<vmem>>
      %dma_wait3A_399 = tpu.memref_squeeze %dma_wait3A_398 : memref<1x40x128xf32, #tpu.memory_space<vmem>> -> memref<40x128xf32, #tpu.memory_space<vmem>>
      %dma_wait3A_400 = arith.constant 0 : i32
      %dma_wait3A_401 = tpu.memref_slice %arg2[%add3A_277, %dma_wait3A_400] : memref<320000x256xf32, #tpu.memory_space<hbm>> -> memref<40x128xf32, #tpu.memory_space<hbm>>
      %dma_wait3A_402 = arith.constant 0 : i32
      %dma_wait3A_403 = arith.constant 0 : i32
      %dma_wait3A_404 = tpu.memref_slice %arg11[%dma_wait3A_395, %dma_wait3A_402, %dma_wait3A_403] : memref<5x40x128xf32, #tpu.memory_space<vmem>> -> memref<1x40x128xf32, #tpu.memory_space<vmem>>
      %dma_wait3A_405 = tpu.memref_squeeze %dma_wait3A_404 : memref<1x40x128xf32, #tpu.memory_space<vmem>> -> memref<40x128xf32, #tpu.memory_space<vmem>>
      %dma_wait3A_406 = arith.constant 0 : i32
      %dma_wait3A_407 = tpu.memref_slice %arg2[%add3A_277, %dma_wait3A_406] : memref<320000x256xf32, #tpu.memory_space<hbm>> -> memref<40x128xf32, #tpu.memory_space<hbm>>
      tpu.wait_dma2 semaphore(%arg13 : memref<!tpu.dma_semaphore, #tpu.memory_space<semaphore_mem>>) src(%dma_wait3A_407 : memref<40x128xf32, #tpu.memory_space<hbm>>) dst(%dma_wait3A_405 : memref<40x128xf32, #tpu.memory_space<vmem>>)
      %dma_start3A_408 = arith.constant 2 : i32
      %dma_start3A_409 = arith.constant 0 : i32
      %dma_start3A_410 = arith.constant 0 : i32
      %dma_start3A_411 = tpu.memref_slice %arg11[%dma_start3A_408, %dma_start3A_409, %dma_start3A_410] : memref<5x40x128xf32, #tpu.memory_space<vmem>> -> memref<1x40x128xf32, #tpu.memory_space<vmem>>
      %dma_start3A_412 = tpu.memref_squeeze %dma_start3A_411 : memref<1x40x128xf32, #tpu.memory_space<vmem>> -> memref<40x128xf32, #tpu.memory_space<vmem>>
      %dma_start3A_413 = arith.constant 0 : i32
      %dma_start3A_414 = arith.constant 0 : i32
      %dma_start3A_415 = tpu.memref_slice %arg12[%dma_start3A_413, %dma_start3A_414] : memref<10000x128xf32, #tpu.memory_space<vmem_shared>> -> memref<10000x128xf32, #tpu.memory_space<vmem_shared>>
      tpu.enqueue_indirect_dma source(%dma_start3A_412 : memref<40x128xf32, #tpu.memory_space<vmem>>) target(%dma_start3A_415 : memref<10000x128xf32, #tpu.memory_space<vmem_shared>>) offsets(%arg8 : memref<40xi32, #tpu.memory_space<vmem>>) semaphore(%arg14 : memref<!tpu.dma_semaphore, #tpu.memory_space<semaphore_mem>>) {add = true}
      %dma_wait3A_416 = tpu.memref_slice %arg3[%add3A_302] : memref<320000xi32, #tpu.memory_space<hbm>> -> memref<40xi32, #tpu.memory_space<hbm>>
      %dma_wait3A_417 = tpu.memref_slice %arg3[%add3A_302] : memref<320000xi32, #tpu.memory_space<hbm>> -> memref<40xi32, #tpu.memory_space<hbm>>
      tpu.wait_dma2 semaphore(%arg13 : memref<!tpu.dma_semaphore, #tpu.memory_space<semaphore_mem>>) src(%dma_wait3A_417 : memref<40xi32, #tpu.memory_space<hbm>>) dst(%arg9 : memref<40xi32, #tpu.memory_space<vmem>>)
      %dma_wait3A_418 = arith.constant 3 : i32
      %dma_wait3A_419 = arith.constant 0 : i32
      %dma_wait3A_420 = arith.constant 0 : i32
      %dma_wait3A_421 = tpu.memref_slice %arg11[%dma_wait3A_418, %dma_wait3A_419, %dma_wait3A_420] : memref<5x40x128xf32, #tpu.memory_space<vmem>> -> memref<1x40x128xf32, #tpu.memory_space<vmem>>
      %dma_wait3A_422 = tpu.memref_squeeze %dma_wait3A_421 : memref<1x40x128xf32, #tpu.memory_space<vmem>> -> memref<40x128xf32, #tpu.memory_space<vmem>>
      %dma_wait3A_423 = arith.constant 0 : i32
      %dma_wait3A_424 = tpu.memref_slice %arg2[%add3A_305, %dma_wait3A_423] : memref<320000x256xf32, #tpu.memory_space<hbm>> -> memref<40x128xf32, #tpu.memory_space<hbm>>
      %dma_wait3A_425 = arith.constant 0 : i32
      %dma_wait3A_426 = arith.constant 0 : i32
      %dma_wait3A_427 = tpu.memref_slice %arg11[%dma_wait3A_418, %dma_wait3A_425, %dma_wait3A_426] : memref<5x40x128xf32, #tpu.memory_space<vmem>> -> memref<1x40x128xf32, #tpu.memory_space<vmem>>
      %dma_wait3A_428 = tpu.memref_squeeze %dma_wait3A_427 : memref<1x40x128xf32, #tpu.memory_space<vmem>> -> memref<40x128xf32, #tpu.memory_space<vmem>>
      %dma_wait3A_429 = arith.constant 0 : i32
      %dma_wait3A_430 = tpu.memref_slice %arg2[%add3A_305, %dma_wait3A_429] : memref<320000x256xf32, #tpu.memory_space<hbm>> -> memref<40x128xf32, #tpu.memory_space<hbm>>
      tpu.wait_dma2 semaphore(%arg13 : memref<!tpu.dma_semaphore, #tpu.memory_space<semaphore_mem>>) src(%dma_wait3A_430 : memref<40x128xf32, #tpu.memory_space<hbm>>) dst(%dma_wait3A_428 : memref<40x128xf32, #tpu.memory_space<vmem>>)
      %dma_start3A_431 = arith.constant 3 : i32
      %dma_start3A_432 = arith.constant 0 : i32
      %dma_start3A_433 = arith.constant 0 : i32
      %dma_start3A_434 = tpu.memref_slice %arg11[%dma_start3A_431, %dma_start3A_432, %dma_start3A_433] : memref<5x40x128xf32, #tpu.memory_space<vmem>> -> memref<1x40x128xf32, #tpu.memory_space<vmem>>
      %dma_start3A_435 = tpu.memref_squeeze %dma_start3A_434 : memref<1x40x128xf32, #tpu.memory_space<vmem>> -> memref<40x128xf32, #tpu.memory_space<vmem>>
      %dma_start3A_436 = arith.constant 0 : i32
      %dma_start3A_437 = arith.constant 0 : i32
      %dma_start3A_438 = tpu.memref_slice %arg12[%dma_start3A_436, %dma_start3A_437] : memref<10000x128xf32, #tpu.memory_space<vmem_shared>> -> memref<10000x128xf32, #tpu.memory_space<vmem_shared>>
      tpu.enqueue_indirect_dma source(%dma_start3A_435 : memref<40x128xf32, #tpu.memory_space<vmem>>) target(%dma_start3A_438 : memref<10000x128xf32, #tpu.memory_space<vmem_shared>>) offsets(%arg9 : memref<40xi32, #tpu.memory_space<vmem>>) semaphore(%arg14 : memref<!tpu.dma_semaphore, #tpu.memory_space<semaphore_mem>>) {add = true}
      %dma_wait3A_439 = tpu.memref_slice %arg3[%add3A_330] : memref<320000xi32, #tpu.memory_space<hbm>> -> memref<40xi32, #tpu.memory_space<hbm>>
      %dma_wait3A_440 = tpu.memref_slice %arg3[%add3A_330] : memref<320000xi32, #tpu.memory_space<hbm>> -> memref<40xi32, #tpu.memory_space<hbm>>
      tpu.wait_dma2 semaphore(%arg13 : memref<!tpu.dma_semaphore, #tpu.memory_space<semaphore_mem>>) src(%dma_wait3A_440 : memref<40xi32, #tpu.memory_space<hbm>>) dst(%arg10 : memref<40xi32, #tpu.memory_space<vmem>>)
      %dma_wait3A_441 = arith.constant 4 : i32
      %dma_wait3A_442 = arith.constant 0 : i32
      %dma_wait3A_443 = arith.constant 0 : i32
      %dma_wait3A_444 = tpu.memref_slice %arg11[%dma_wait3A_441, %dma_wait3A_442, %dma_wait3A_443] : memref<5x40x128xf32, #tpu.memory_space<vmem>> -> memref<1x40x128xf32, #tpu.memory_space<vmem>>
      %dma_wait3A_445 = tpu.memref_squeeze %dma_wait3A_444 : memref<1x40x128xf32, #tpu.memory_space<vmem>> -> memref<40x128xf32, #tpu.memory_space<vmem>>
      %dma_wait3A_446 = arith.constant 0 : i32
      %dma_wait3A_447 = tpu.memref_slice %arg2[%add3A_333, %dma_wait3A_446] : memref<320000x256xf32, #tpu.memory_space<hbm>> -> memref<40x128xf32, #tpu.memory_space<hbm>>
      %dma_wait3A_448 = arith.constant 0 : i32
      %dma_wait3A_449 = arith.constant 0 : i32
      %dma_wait3A_450 = tpu.memref_slice %arg11[%dma_wait3A_441, %dma_wait3A_448, %dma_wait3A_449] : memref<5x40x128xf32, #tpu.memory_space<vmem>> -> memref<1x40x128xf32, #tpu.memory_space<vmem>>
      %dma_wait3A_451 = tpu.memref_squeeze %dma_wait3A_450 : memref<1x40x128xf32, #tpu.memory_space<vmem>> -> memref<40x128xf32, #tpu.memory_space<vmem>>
      %dma_wait3A_452 = arith.constant 0 : i32
      %dma_wait3A_453 = tpu.memref_slice %arg2[%add3A_333, %dma_wait3A_452] : memref<320000x256xf32, #tpu.memory_space<hbm>> -> memref<40x128xf32, #tpu.memory_space<hbm>>
      tpu.wait_dma2 semaphore(%arg13 : memref<!tpu.dma_semaphore, #tpu.memory_space<semaphore_mem>>) src(%dma_wait3A_453 : memref<40x128xf32, #tpu.memory_space<hbm>>) dst(%dma_wait3A_451 : memref<40x128xf32, #tpu.memory_space<vmem>>)
      %dma_start3A_454 = arith.constant 4 : i32
      %dma_start3A_455 = arith.constant 0 : i32
      %dma_start3A_456 = arith.constant 0 : i32
      %dma_start3A_457 = tpu.memref_slice %arg11[%dma_start3A_454, %dma_start3A_455, %dma_start3A_456] : memref<5x40x128xf32, #tpu.memory_space<vmem>> -> memref<1x40x128xf32, #tpu.memory_space<vmem>>
      %dma_start3A_458 = tpu.memref_squeeze %dma_start3A_457 : memref<1x40x128xf32, #tpu.memory_space<vmem>> -> memref<40x128xf32, #tpu.memory_space<vmem>>
      %dma_start3A_459 = arith.constant 0 : i32
      %dma_start3A_460 = arith.constant 0 : i32
      %dma_start3A_461 = tpu.memref_slice %arg12[%dma_start3A_459, %dma_start3A_460] : memref<10000x128xf32, #tpu.memory_space<vmem_shared>> -> memref<10000x128xf32, #tpu.memory_space<vmem_shared>>
      tpu.enqueue_indirect_dma source(%dma_start3A_458 : memref<40x128xf32, #tpu.memory_space<vmem>>) target(%dma_start3A_461 : memref<10000x128xf32, #tpu.memory_space<vmem_shared>>) offsets(%arg10 : memref<40xi32, #tpu.memory_space<vmem>>) semaphore(%arg14 : memref<!tpu.dma_semaphore, #tpu.memory_space<semaphore_mem>>) {add = true}
      %scan3A_462 = arith.constant 0 : i32
      scf.yield %scan3A_462 : i32
    }
    %scan3A_10 = arith.constant 50 : i32
    %dma_wait3A = arith.constant 0 : i32
    %dma_wait3A_11 = arith.constant 0 : i32
    %dma_wait3A_12 = arith.constant 0 : i32
    %dma_wait3A_13 = tpu.memref_slice %arg11[%dma_wait3A, %dma_wait3A_11, %dma_wait3A_12] : memref<5x40x128xf32, #tpu.memory_space<vmem>> -> memref<1x40x128xf32, #tpu.memory_space<vmem>>
    %dma_wait3A_14 = tpu.memref_squeeze %dma_wait3A_13 : memref<1x40x128xf32, #tpu.memory_space<vmem>> -> memref<40x128xf32, #tpu.memory_space<vmem>>
    %dma_wait3A_15 = arith.constant 0 : i32
    %dma_wait3A_16 = arith.constant 0 : i32
    %dma_wait3A_17 = tpu.memref_slice %arg12[%dma_wait3A_15, %dma_wait3A_16] : memref<10000x128xf32, #tpu.memory_space<vmem_shared>> -> memref<40x128xf32, #tpu.memory_space<vmem_shared>>
    %dma_wait3A_18 = arith.constant 0 : i32
    %dma_wait3A_19 = arith.constant 0 : i32
    %dma_wait3A_20 = tpu.memref_slice %arg12[%dma_wait3A_18, %dma_wait3A_19] : memref<10000x128xf32, #tpu.memory_space<vmem_shared>> -> memref<40x128xf32, #tpu.memory_space<vmem_shared>>
    %dma_wait3A_21 = arith.constant 0 : i32
    %dma_wait3A_22 = arith.constant 0 : i32
    %dma_wait3A_23 = tpu.memref_slice %arg11[%dma_wait3A, %dma_wait3A_21, %dma_wait3A_22] : memref<5x40x128xf32, #tpu.memory_space<vmem>> -> memref<1x40x128xf32, #tpu.memory_space<vmem>>
    %dma_wait3A_24 = tpu.memref_squeeze %dma_wait3A_23 : memref<1x40x128xf32, #tpu.memory_space<vmem>> -> memref<40x128xf32, #tpu.memory_space<vmem>>
    tpu.wait_dma2 semaphore(%arg14 : memref<!tpu.dma_semaphore, #tpu.memory_space<semaphore_mem>>) src(%dma_wait3A_24 : memref<40x128xf32, #tpu.memory_space<vmem>>) dst(%dma_wait3A_20 : memref<40x128xf32, #tpu.memory_space<vmem_shared>>)
    %dma_wait3A_25 = arith.constant 1 : i32
    %dma_wait3A_26 = arith.constant 0 : i32
    %dma_wait3A_27 = arith.constant 0 : i32
    %dma_wait3A_28 = tpu.memref_slice %arg11[%dma_wait3A_25, %dma_wait3A_26, %dma_wait3A_27] : memref<5x40x128xf32, #tpu.memory_space<vmem>> -> memref<1x40x128xf32, #tpu.memory_space<vmem>>
    %dma_wait3A_29 = tpu.memref_squeeze %dma_wait3A_28 : memref<1x40x128xf32, #tpu.memory_space<vmem>> -> memref<40x128xf32, #tpu.memory_space<vmem>>
    %dma_wait3A_30 = arith.constant 0 : i32
    %dma_wait3A_31 = arith.constant 0 : i32
    %dma_wait3A_32 = tpu.memref_slice %arg12[%dma_wait3A_30, %dma_wait3A_31] : memref<10000x128xf32, #tpu.memory_space<vmem_shared>> -> memref<40x128xf32, #tpu.memory_space<vmem_shared>>
    %dma_wait3A_33 = arith.constant 0 : i32
    %dma_wait3A_34 = arith.constant 0 : i32
    %dma_wait3A_35 = tpu.memref_slice %arg12[%dma_wait3A_33, %dma_wait3A_34] : memref<10000x128xf32, #tpu.memory_space<vmem_shared>> -> memref<40x128xf32, #tpu.memory_space<vmem_shared>>
    %dma_wait3A_36 = arith.constant 0 : i32
    %dma_wait3A_37 = arith.constant 0 : i32
    %dma_wait3A_38 = tpu.memref_slice %arg11[%dma_wait3A_25, %dma_wait3A_36, %dma_wait3A_37] : memref<5x40x128xf32, #tpu.memory_space<vmem>> -> memref<1x40x128xf32, #tpu.memory_space<vmem>>
    %dma_wait3A_39 = tpu.memref_squeeze %dma_wait3A_38 : memref<1x40x128xf32, #tpu.memory_space<vmem>> -> memref<40x128xf32, #tpu.memory_space<vmem>>
    tpu.wait_dma2 semaphore(%arg14 : memref<!tpu.dma_semaphore, #tpu.memory_space<semaphore_mem>>) src(%dma_wait3A_39 : memref<40x128xf32, #tpu.memory_space<vmem>>) dst(%dma_wait3A_35 : memref<40x128xf32, #tpu.memory_space<vmem_shared>>)
    %dma_wait3A_40 = arith.constant 2 : i32
    %dma_wait3A_41 = arith.constant 0 : i32
    %dma_wait3A_42 = arith.constant 0 : i32
    %dma_wait3A_43 = tpu.memref_slice %arg11[%dma_wait3A_40, %dma_wait3A_41, %dma_wait3A_42] : memref<5x40x128xf32, #tpu.memory_space<vmem>> -> memref<1x40x128xf32, #tpu.memory_space<vmem>>
    %dma_wait3A_44 = tpu.memref_squeeze %dma_wait3A_43 : memref<1x40x128xf32, #tpu.memory_space<vmem>> -> memref<40x128xf32, #tpu.memory_space<vmem>>
    %dma_wait3A_45 = arith.constant 0 : i32
    %dma_wait3A_46 = arith.constant 0 : i32
    %dma_wait3A_47 = tpu.memref_slice %arg12[%dma_wait3A_45, %dma_wait3A_46] : memref<10000x128xf32, #tpu.memory_space<vmem_shared>> -> memref<40x128xf32, #tpu.memory_space<vmem_shared>>
    %dma_wait3A_48 = arith.constant 0 : i32
    %dma_wait3A_49 = arith.constant 0 : i32
    %dma_wait3A_50 = tpu.memref_slice %arg12[%dma_wait3A_48, %dma_wait3A_49] : memref<10000x128xf32, #tpu.memory_space<vmem_shared>> -> memref<40x128xf32, #tpu.memory_space<vmem_shared>>
    %dma_wait3A_51 = arith.constant 0 : i32
    %dma_wait3A_52 = arith.constant 0 : i32
    %dma_wait3A_53 = tpu.memref_slice %arg11[%dma_wait3A_40, %dma_wait3A_51, %dma_wait3A_52] : memref<5x40x128xf32, #tpu.memory_space<vmem>> -> memref<1x40x128xf32, #tpu.memory_space<vmem>>
    %dma_wait3A_54 = tpu.memref_squeeze %dma_wait3A_53 : memref<1x40x128xf32, #tpu.memory_space<vmem>> -> memref<40x128xf32, #tpu.memory_space<vmem>>
    tpu.wait_dma2 semaphore(%arg14 : memref<!tpu.dma_semaphore, #tpu.memory_space<semaphore_mem>>) src(%dma_wait3A_54 : memref<40x128xf32, #tpu.memory_space<vmem>>) dst(%dma_wait3A_50 : memref<40x128xf32, #tpu.memory_space<vmem_shared>>)
    %dma_wait3A_55 = arith.constant 3 : i32
    %dma_wait3A_56 = arith.constant 0 : i32
    %dma_wait3A_57 = arith.constant 0 : i32
    %dma_wait3A_58 = tpu.memref_slice %arg11[%dma_wait3A_55, %dma_wait3A_56, %dma_wait3A_57] : memref<5x40x128xf32, #tpu.memory_space<vmem>> -> memref<1x40x128xf32, #tpu.memory_space<vmem>>
    %dma_wait3A_59 = tpu.memref_squeeze %dma_wait3A_58 : memref<1x40x128xf32, #tpu.memory_space<vmem>> -> memref<40x128xf32, #tpu.memory_space<vmem>>
    %dma_wait3A_60 = arith.constant 0 : i32
    %dma_wait3A_61 = arith.constant 0 : i32
    %dma_wait3A_62 = tpu.memref_slice %arg12[%dma_wait3A_60, %dma_wait3A_61] : memref<10000x128xf32, #tpu.memory_space<vmem_shared>> -> memref<40x128xf32, #tpu.memory_space<vmem_shared>>
    %dma_wait3A_63 = arith.constant 0 : i32
    %dma_wait3A_64 = arith.constant 0 : i32
    %dma_wait3A_65 = tpu.memref_slice %arg12[%dma_wait3A_63, %dma_wait3A_64] : memref<10000x128xf32, #tpu.memory_space<vmem_shared>> -> memref<40x128xf32, #tpu.memory_space<vmem_shared>>
    %dma_wait3A_66 = arith.constant 0 : i32
    %dma_wait3A_67 = arith.constant 0 : i32
    %dma_wait3A_68 = tpu.memref_slice %arg11[%dma_wait3A_55, %dma_wait3A_66, %dma_wait3A_67] : memref<5x40x128xf32, #tpu.memory_space<vmem>> -> memref<1x40x128xf32, #tpu.memory_space<vmem>>
    %dma_wait3A_69 = tpu.memref_squeeze %dma_wait3A_68 : memref<1x40x128xf32, #tpu.memory_space<vmem>> -> memref<40x128xf32, #tpu.memory_space<vmem>>
    tpu.wait_dma2 semaphore(%arg14 : memref<!tpu.dma_semaphore, #tpu.memory_space<semaphore_mem>>) src(%dma_wait3A_69 : memref<40x128xf32, #tpu.memory_space<vmem>>) dst(%dma_wait3A_65 : memref<40x128xf32, #tpu.memory_space<vmem_shared>>)
    %dma_wait3A_70 = arith.constant 4 : i32
    %dma_wait3A_71 = arith.constant 0 : i32
    %dma_wait3A_72 = arith.constant 0 : i32
    %dma_wait3A_73 = tpu.memref_slice %arg11[%dma_wait3A_70, %dma_wait3A_71, %dma_wait3A_72] : memref<5x40x128xf32, #tpu.memory_space<vmem>> -> memref<1x40x128xf32, #tpu.memory_space<vmem>>
    %dma_wait3A_74 = tpu.memref_squeeze %dma_wait3A_73 : memref<1x40x128xf32, #tpu.memory_space<vmem>> -> memref<40x128xf32, #tpu.memory_space<vmem>>
    %dma_wait3A_75 = arith.constant 0 : i32
    %dma_wait3A_76 = arith.constant 0 : i32
    %dma_wait3A_77 = tpu.memref_slice %arg12[%dma_wait3A_75, %dma_wait3A_76] : memref<10000x128xf32, #tpu.memory_space<vmem_shared>> -> memref<40x128xf32, #tpu.memory_space<vmem_shared>>
    %dma_wait3A_78 = arith.constant 0 : i32
    %dma_wait3A_79 = arith.constant 0 : i32
    %dma_wait3A_80 = tpu.memref_slice %arg12[%dma_wait3A_78, %dma_wait3A_79] : memref<10000x128xf32, #tpu.memory_space<vmem_shared>> -> memref<40x128xf32, #tpu.memory_space<vmem_shared>>
    %dma_wait3A_81 = arith.constant 0 : i32
    %dma_wait3A_82 = arith.constant 0 : i32
    %dma_wait3A_83 = tpu.memref_slice %arg11[%dma_wait3A_70, %dma_wait3A_81, %dma_wait3A_82] : memref<5x40x128xf32, #tpu.memory_space<vmem>> -> memref<1x40x128xf32, #tpu.memory_space<vmem>>
    %dma_wait3A_84 = tpu.memref_squeeze %dma_wait3A_83 : memref<1x40x128xf32, #tpu.memory_space<vmem>> -> memref<40x128xf32, #tpu.memory_space<vmem>>
    tpu.wait_dma2 semaphore(%arg14 : memref<!tpu.dma_semaphore, #tpu.memory_space<semaphore_mem>>) src(%dma_wait3A_84 : memref<40x128xf32, #tpu.memory_space<vmem>>) dst(%dma_wait3A_80 : memref<40x128xf32, #tpu.memory_space<vmem_shared>>)
    %barrier3A_85 = arith.constant 0 : index
    tpu.barrier barrier_id(%barrier3A_85)
    %mul3A_86 = arith.constant 2 : i32
    %mul3A_87 = arith.muli %arg0, %mul3A_86 : i32
    %add3A_88 = arith.constant 0 : i32
    %add3A_89 = arith.addi %mul3A_87, %add3A_88 : i32
    %mul3A_90 = arith.constant 10000 : i32
    %mul3A_91 = arith.muli %add3A_89, %mul3A_90 : i32
    %mul3A_92 = arith.constant 624 : i32
    %mul3A_93 = arith.muli %arg1, %mul3A_92 : i32
    %add3A_94 = arith.addi %mul3A_91, %mul3A_93 : i32
    "tpu.region"() ({
      %run_scoped3A = tpu.sem_alloc : memref<!tpu.dma_semaphore, #tpu.memory_space<semaphore_mem>>
      %dma_start3A = arith.constant 0 : i32
      %dma_start3A_207 = tpu.memref_slice %arg5[%add3A_94, %dma_start3A] : memref<40000x128xf32, #tpu.memory_space<hbm>> -> memref<624x128xf32, #tpu.memory_space<hbm>>
      %dma_start3A_208 = arith.constant 0 : i32
      %dma_start3A_209 = tpu.memref_slice %arg12[%mul3A_93, %dma_start3A_208] : memref<10000x128xf32, #tpu.memory_space<vmem_shared>> -> memref<624x128xf32, #tpu.memory_space<vmem_shared>>
      tpu.enqueue_dma source(%dma_start3A_209 : memref<624x128xf32, #tpu.memory_space<vmem_shared>>) target(%dma_start3A_207 : memref<624x128xf32, #tpu.memory_space<hbm>>) target_semaphore(%run_scoped3A : memref<!tpu.dma_semaphore, #tpu.memory_space<semaphore_mem>>)
      %dma_wait3A_210 = arith.constant 0 : i32
      %dma_wait3A_211 = tpu.memref_slice %arg5[%add3A_94, %dma_wait3A_210] : memref<40000x128xf32, #tpu.memory_space<hbm>> -> memref<624x128xf32, #tpu.memory_space<hbm>>
      %dma_wait3A_212 = arith.constant 0 : i32
      %dma_wait3A_213 = tpu.memref_slice %arg12[%mul3A_93, %dma_wait3A_212] : memref<10000x128xf32, #tpu.memory_space<vmem_shared>> -> memref<624x128xf32, #tpu.memory_space<vmem_shared>>
      tpu.wait_dma2 semaphore(%run_scoped3A : memref<!tpu.dma_semaphore, #tpu.memory_space<semaphore_mem>>) src(%dma_wait3A_213 : memref<624x128xf32, #tpu.memory_space<vmem_shared>>) dst(%dma_wait3A_211 : memref<624x128xf32, #tpu.memory_space<hbm>>)
      tpu.yield
    }) : () -> ()
    %eq3A_95 = arith.constant 15 : i32
    %eq3A_96 = arith.cmpi eq, %arg1, %eq3A_95 : i32
    %convert_element_type3A_97 = arith.extui %eq3A_96 : i1 to i32
    %cond3A_98 = arith.constant 0 : i32
    %cond3A_99 = arith.cmpi ne, %convert_element_type3A_97, %cond3A_98 : i32
    scf.if %cond3A_99 {
      %add3A_207 = arith.constant 9984 : i32
      %add3A_208 = arith.addi %mul3A_91, %add3A_207 : i32
      "tpu.region"() ({
        %run_scoped3A = tpu.sem_alloc : memref<!tpu.dma_semaphore, #tpu.memory_space<semaphore_mem>>
        %dma_start3A = arith.constant 0 : i32
        %dma_start3A_209 = tpu.memref_slice %arg5[%add3A_208, %dma_start3A] : memref<40000x128xf32, #tpu.memory_space<hbm>> -> memref<16x128xf32, #tpu.memory_space<hbm>>
        %dma_start3A_210 = arith.constant 9984 : i32
        %dma_start3A_211 = arith.constant 0 : i32
        %dma_start3A_212 = tpu.memref_slice %arg12[%dma_start3A_210, %dma_start3A_211] : memref<10000x128xf32, #tpu.memory_space<vmem_shared>> -> memref<16x128xf32, #tpu.memory_space<vmem_shared>>
        tpu.enqueue_dma source(%dma_start3A_212 : memref<16x128xf32, #tpu.memory_space<vmem_shared>>) target(%dma_start3A_209 : memref<16x128xf32, #tpu.memory_space<hbm>>) target_semaphore(%run_scoped3A : memref<!tpu.dma_semaphore, #tpu.memory_space<semaphore_mem>>)
        %dma_wait3A_213 = arith.constant 0 : i32
        %dma_wait3A_214 = tpu.memref_slice %arg5[%add3A_208, %dma_wait3A_213] : memref<40000x128xf32, #tpu.memory_space<hbm>> -> memref<16x128xf32, #tpu.memory_space<hbm>>
        %dma_wait3A_215 = arith.constant 9984 : i32
        %dma_wait3A_216 = arith.constant 0 : i32
        %dma_wait3A_217 = tpu.memref_slice %arg12[%dma_wait3A_215, %dma_wait3A_216] : memref<10000x128xf32, #tpu.memory_space<vmem_shared>> -> memref<16x128xf32, #tpu.memory_space<vmem_shared>>
        tpu.wait_dma2 semaphore(%run_scoped3A : memref<!tpu.dma_semaphore, #tpu.memory_space<semaphore_mem>>) src(%dma_wait3A_217 : memref<16x128xf32, #tpu.memory_space<vmem_shared>>) dst(%dma_wait3A_214 : memref<16x128xf32, #tpu.memory_space<hbm>>)
        tpu.yield
      }) : () -> ()
    } else {
    }
    %barrier3A_100 = arith.constant 0 : index
    tpu.barrier barrier_id(%barrier3A_100)
    %eq3A_101 = arith.constant 0 : i32
    %eq3A_102 = arith.cmpi eq, %arg1, %eq3A_101 : i32
    %convert_element_type3A_103 = arith.extui %eq3A_102 : i1 to i32
    %cond3A_104 = arith.constant 0 : i32
    %cond3A_105 = arith.cmpi ne, %convert_element_type3A_103, %cond3A_104 : i32
    scf.if %cond3A_105 {
      "tpu.region"() ({
        %run_scoped3A = tpu.sem_alloc : memref<!tpu.dma_semaphore, #tpu.memory_space<semaphore_mem>>
        tpu.enqueue_dma source(%arg4 : memref<10000x128xf32, #tpu.memory_space<hbm>>) target(%arg12 : memref<10000x128xf32, #tpu.memory_space<vmem_shared>>) target_semaphore(%run_scoped3A : memref<!tpu.dma_semaphore, #tpu.memory_space<semaphore_mem>>)
        tpu.wait_dma2 semaphore(%run_scoped3A : memref<!tpu.dma_semaphore, #tpu.memory_space<semaphore_mem>>) src(%arg4 : memref<10000x128xf32, #tpu.memory_space<hbm>>) dst(%arg12 : memref<10000x128xf32, #tpu.memory_space<vmem_shared>>)
        tpu.yield
      }) : () -> ()
    } else {
    }
    %barrier3A_106 = arith.constant 0 : index
    tpu.barrier barrier_id(%barrier3A_106)
    %mul3A_107 = arith.constant 10000 : i32
    %mul3A_108 = arith.muli %add3A, %mul3A_107 : i32
    %scan3A_109 = arith.constant 0 : i32
    %scan3A_110 = arith.constant 0 : i32
    %scan3A_111 = arith.constant 50 : i32
    %scan3A_112 = arith.addi %scan3A_110, %scan3A_111 : i32
    %scan3A_113 = arith.constant 1 : i32
    %scan3A_114 = scf.for %scan3A_207 = %scan3A_110 to %scan3A_112 step %scan3A_113 iter_args(%scan3A_208 = %scan3A_109) -> (i32)  : i32 {
      %mul3A_209 = arith.constant 5 : i32
      %mul3A_210 = arith.muli %scan3A_207, %mul3A_209 : i32
      %add3A_211 = arith.constant 0 : i32
      %add3A_212 = arith.addi %mul3A_210, %add3A_211 : i32
      %mul3A_213 = arith.constant 40 : i32
      %mul3A_214 = arith.muli %add3A_212, %mul3A_213 : i32
      %gt3A = arith.constant 0 : i32
      %gt3A_215 = arith.cmpi sgt, %scan3A_207, %gt3A : i32
      %convert_element_type3A_216 = arith.extui %gt3A_215 : i1 to i32
      %cond3A_217 = arith.constant 0 : i32
      %cond3A_218 = arith.cmpi ne, %convert_element_type3A_216, %cond3A_217 : i32
      scf.if %cond3A_218 {
        %dma_wait3A_463 = arith.constant 0 : i32
        %dma_wait3A_464 = arith.constant 0 : i32
        %dma_wait3A_465 = arith.constant 0 : i32
        %dma_wait3A_466 = tpu.memref_slice %arg11[%dma_wait3A_463, %dma_wait3A_464, %dma_wait3A_465] : memref<5x40x128xf32, #tpu.memory_space<vmem>> -> memref<1x40x128xf32, #tpu.memory_space<vmem>>
        %dma_wait3A_467 = tpu.memref_squeeze %dma_wait3A_466 : memref<1x40x128xf32, #tpu.memory_space<vmem>> -> memref<40x128xf32, #tpu.memory_space<vmem>>
        %dma_wait3A_468 = arith.constant 0 : i32
        %dma_wait3A_469 = arith.constant 0 : i32
        %dma_wait3A_470 = tpu.memref_slice %arg12[%dma_wait3A_468, %dma_wait3A_469] : memref<10000x128xf32, #tpu.memory_space<vmem_shared>> -> memref<40x128xf32, #tpu.memory_space<vmem_shared>>
        %dma_wait3A_471 = arith.constant 0 : i32
        %dma_wait3A_472 = arith.constant 0 : i32
        %dma_wait3A_473 = tpu.memref_slice %arg12[%dma_wait3A_471, %dma_wait3A_472] : memref<10000x128xf32, #tpu.memory_space<vmem_shared>> -> memref<40x128xf32, #tpu.memory_space<vmem_shared>>
        %dma_wait3A_474 = arith.constant 0 : i32
        %dma_wait3A_475 = arith.constant 0 : i32
        %dma_wait3A_476 = tpu.memref_slice %arg11[%dma_wait3A_463, %dma_wait3A_474, %dma_wait3A_475] : memref<5x40x128xf32, #tpu.memory_space<vmem>> -> memref<1x40x128xf32, #tpu.memory_space<vmem>>
        %dma_wait3A_477 = tpu.memref_squeeze %dma_wait3A_476 : memref<1x40x128xf32, #tpu.memory_space<vmem>> -> memref<40x128xf32, #tpu.memory_space<vmem>>
        tpu.wait_dma2 semaphore(%arg14 : memref<!tpu.dma_semaphore, #tpu.memory_space<semaphore_mem>>) src(%dma_wait3A_477 : memref<40x128xf32, #tpu.memory_space<vmem>>) dst(%dma_wait3A_473 : memref<40x128xf32, #tpu.memory_space<vmem_shared>>)
      } else {
      }
      %add3A_219 = arith.addi %mul3A_108, %mul3A_214 : i32
      %dma_start3A = tpu.memref_slice %arg3[%add3A_219] : memref<320000xi32, #tpu.memory_space<hbm>> -> memref<40xi32, #tpu.memory_space<hbm>>
      %dma_start3A_220 = tpu.memref_slice %arg3[%add3A_219] : memref<320000xi32, #tpu.memory_space<hbm>> -> memref<40xi32, #tpu.memory_space<hbm>>
      tpu.enqueue_dma source(%dma_start3A_220 : memref<40xi32, #tpu.memory_space<hbm>>) target(%arg6 : memref<40xi32, #tpu.memory_space<vmem>>) target_semaphore(%arg13 : memref<!tpu.dma_semaphore, #tpu.memory_space<semaphore_mem>>)
      %add3A_221 = arith.addi %mul3A_108, %mul3A_214 : i32
      %dma_start3A_222 = arith.constant 0 : i32
      %dma_start3A_223 = arith.constant 0 : i32
      %dma_start3A_224 = arith.constant 0 : i32
      %dma_start3A_225 = tpu.memref_slice %arg11[%dma_start3A_222, %dma_start3A_223, %dma_start3A_224] : memref<5x40x128xf32, #tpu.memory_space<vmem>> -> memref<1x40x128xf32, #tpu.memory_space<vmem>>
      %dma_start3A_226 = tpu.memref_squeeze %dma_start3A_225 : memref<1x40x128xf32, #tpu.memory_space<vmem>> -> memref<40x128xf32, #tpu.memory_space<vmem>>
      %dma_start3A_227 = arith.constant 128 : i32
      %dma_start3A_228 = tpu.memref_slice %arg2[%add3A_221, %dma_start3A_227] : memref<320000x256xf32, #tpu.memory_space<hbm>> -> memref<40x128xf32, #tpu.memory_space<hbm>>
      %dma_start3A_229 = arith.constant 0 : i32
      %dma_start3A_230 = arith.constant 0 : i32
      %dma_start3A_231 = tpu.memref_slice %arg11[%dma_start3A_222, %dma_start3A_229, %dma_start3A_230] : memref<5x40x128xf32, #tpu.memory_space<vmem>> -> memref<1x40x128xf32, #tpu.memory_space<vmem>>
      %dma_start3A_232 = tpu.memref_squeeze %dma_start3A_231 : memref<1x40x128xf32, #tpu.memory_space<vmem>> -> memref<40x128xf32, #tpu.memory_space<vmem>>
      %dma_start3A_233 = arith.constant 128 : i32
      %dma_start3A_234 = tpu.memref_slice %arg2[%add3A_221, %dma_start3A_233] : memref<320000x256xf32, #tpu.memory_space<hbm>> -> memref<40x128xf32, #tpu.memory_space<hbm>>
      tpu.enqueue_dma source(%dma_start3A_234 : memref<40x128xf32, #tpu.memory_space<hbm>>) target(%dma_start3A_232 : memref<40x128xf32, #tpu.memory_space<vmem>>) target_semaphore(%arg13 : memref<!tpu.dma_semaphore, #tpu.memory_space<semaphore_mem>>)
      %mul3A_235 = arith.constant 5 : i32
      %mul3A_236 = arith.muli %scan3A_207, %mul3A_235 : i32
      %add3A_237 = arith.constant 1 : i32
      %add3A_238 = arith.addi %mul3A_236, %add3A_237 : i32
      %mul3A_239 = arith.constant 40 : i32
      %mul3A_240 = arith.muli %add3A_238, %mul3A_239 : i32
      %gt3A_241 = arith.constant 0 : i32
      %gt3A_242 = arith.cmpi sgt, %scan3A_207, %gt3A_241 : i32
      %convert_element_type3A_243 = arith.extui %gt3A_242 : i1 to i32
      %cond3A_244 = arith.constant 0 : i32
      %cond3A_245 = arith.cmpi ne, %convert_element_type3A_243, %cond3A_244 : i32
      scf.if %cond3A_245 {
        %dma_wait3A_463 = arith.constant 1 : i32
        %dma_wait3A_464 = arith.constant 0 : i32
        %dma_wait3A_465 = arith.constant 0 : i32
        %dma_wait3A_466 = tpu.memref_slice %arg11[%dma_wait3A_463, %dma_wait3A_464, %dma_wait3A_465] : memref<5x40x128xf32, #tpu.memory_space<vmem>> -> memref<1x40x128xf32, #tpu.memory_space<vmem>>
        %dma_wait3A_467 = tpu.memref_squeeze %dma_wait3A_466 : memref<1x40x128xf32, #tpu.memory_space<vmem>> -> memref<40x128xf32, #tpu.memory_space<vmem>>
        %dma_wait3A_468 = arith.constant 0 : i32
        %dma_wait3A_469 = arith.constant 0 : i32
        %dma_wait3A_470 = tpu.memref_slice %arg12[%dma_wait3A_468, %dma_wait3A_469] : memref<10000x128xf32, #tpu.memory_space<vmem_shared>> -> memref<40x128xf32, #tpu.memory_space<vmem_shared>>
        %dma_wait3A_471 = arith.constant 0 : i32
        %dma_wait3A_472 = arith.constant 0 : i32
        %dma_wait3A_473 = tpu.memref_slice %arg12[%dma_wait3A_471, %dma_wait3A_472] : memref<10000x128xf32, #tpu.memory_space<vmem_shared>> -> memref<40x128xf32, #tpu.memory_space<vmem_shared>>
        %dma_wait3A_474 = arith.constant 0 : i32
        %dma_wait3A_475 = arith.constant 0 : i32
        %dma_wait3A_476 = tpu.memref_slice %arg11[%dma_wait3A_463, %dma_wait3A_474, %dma_wait3A_475] : memref<5x40x128xf32, #tpu.memory_space<vmem>> -> memref<1x40x128xf32, #tpu.memory_space<vmem>>
        %dma_wait3A_477 = tpu.memref_squeeze %dma_wait3A_476 : memref<1x40x128xf32, #tpu.memory_space<vmem>> -> memref<40x128xf32, #tpu.memory_space<vmem>>
        tpu.wait_dma2 semaphore(%arg14 : memref<!tpu.dma_semaphore, #tpu.memory_space<semaphore_mem>>) src(%dma_wait3A_477 : memref<40x128xf32, #tpu.memory_space<vmem>>) dst(%dma_wait3A_473 : memref<40x128xf32, #tpu.memory_space<vmem_shared>>)
      } else {
      }
      %add3A_246 = arith.addi %mul3A_108, %mul3A_240 : i32
      %dma_start3A_247 = tpu.memref_slice %arg3[%add3A_246] : memref<320000xi32, #tpu.memory_space<hbm>> -> memref<40xi32, #tpu.memory_space<hbm>>
      %dma_start3A_248 = tpu.memref_slice %arg3[%add3A_246] : memref<320000xi32, #tpu.memory_space<hbm>> -> memref<40xi32, #tpu.memory_space<hbm>>
      tpu.enqueue_dma source(%dma_start3A_248 : memref<40xi32, #tpu.memory_space<hbm>>) target(%arg7 : memref<40xi32, #tpu.memory_space<vmem>>) target_semaphore(%arg13 : memref<!tpu.dma_semaphore, #tpu.memory_space<semaphore_mem>>)
      %add3A_249 = arith.addi %mul3A_108, %mul3A_240 : i32
      %dma_start3A_250 = arith.constant 1 : i32
      %dma_start3A_251 = arith.constant 0 : i32
      %dma_start3A_252 = arith.constant 0 : i32
      %dma_start3A_253 = tpu.memref_slice %arg11[%dma_start3A_250, %dma_start3A_251, %dma_start3A_252] : memref<5x40x128xf32, #tpu.memory_space<vmem>> -> memref<1x40x128xf32, #tpu.memory_space<vmem>>
      %dma_start3A_254 = tpu.memref_squeeze %dma_start3A_253 : memref<1x40x128xf32, #tpu.memory_space<vmem>> -> memref<40x128xf32, #tpu.memory_space<vmem>>
      %dma_start3A_255 = arith.constant 128 : i32
      %dma_start3A_256 = tpu.memref_slice %arg2[%add3A_249, %dma_start3A_255] : memref<320000x256xf32, #tpu.memory_space<hbm>> -> memref<40x128xf32, #tpu.memory_space<hbm>>
      %dma_start3A_257 = arith.constant 0 : i32
      %dma_start3A_258 = arith.constant 0 : i32
      %dma_start3A_259 = tpu.memref_slice %arg11[%dma_start3A_250, %dma_start3A_257, %dma_start3A_258] : memref<5x40x128xf32, #tpu.memory_space<vmem>> -> memref<1x40x128xf32, #tpu.memory_space<vmem>>
      %dma_start3A_260 = tpu.memref_squeeze %dma_start3A_259 : memref<1x40x128xf32, #tpu.memory_space<vmem>> -> memref<40x128xf32, #tpu.memory_space<vmem>>
      %dma_start3A_261 = arith.constant 128 : i32
      %dma_start3A_262 = tpu.memref_slice %arg2[%add3A_249, %dma_start3A_261] : memref<320000x256xf32, #tpu.memory_space<hbm>> -> memref<40x128xf32, #tpu.memory_space<hbm>>
      tpu.enqueue_dma source(%dma_start3A_262 : memref<40x128xf32, #tpu.memory_space<hbm>>) target(%dma_start3A_260 : memref<40x128xf32, #tpu.memory_space<vmem>>) target_semaphore(%arg13 : memref<!tpu.dma_semaphore, #tpu.memory_space<semaphore_mem>>)
      %mul3A_263 = arith.constant 5 : i32
      %mul3A_264 = arith.muli %scan3A_207, %mul3A_263 : i32
      %add3A_265 = arith.constant 2 : i32
      %add3A_266 = arith.addi %mul3A_264, %add3A_265 : i32
      %mul3A_267 = arith.constant 40 : i32
      %mul3A_268 = arith.muli %add3A_266, %mul3A_267 : i32
      %gt3A_269 = arith.constant 0 : i32
      %gt3A_270 = arith.cmpi sgt, %scan3A_207, %gt3A_269 : i32
      %convert_element_type3A_271 = arith.extui %gt3A_270 : i1 to i32
      %cond3A_272 = arith.constant 0 : i32
      %cond3A_273 = arith.cmpi ne, %convert_element_type3A_271, %cond3A_272 : i32
      scf.if %cond3A_273 {
        %dma_wait3A_463 = arith.constant 2 : i32
        %dma_wait3A_464 = arith.constant 0 : i32
        %dma_wait3A_465 = arith.constant 0 : i32
        %dma_wait3A_466 = tpu.memref_slice %arg11[%dma_wait3A_463, %dma_wait3A_464, %dma_wait3A_465] : memref<5x40x128xf32, #tpu.memory_space<vmem>> -> memref<1x40x128xf32, #tpu.memory_space<vmem>>
        %dma_wait3A_467 = tpu.memref_squeeze %dma_wait3A_466 : memref<1x40x128xf32, #tpu.memory_space<vmem>> -> memref<40x128xf32, #tpu.memory_space<vmem>>
        %dma_wait3A_468 = arith.constant 0 : i32
        %dma_wait3A_469 = arith.constant 0 : i32
        %dma_wait3A_470 = tpu.memref_slice %arg12[%dma_wait3A_468, %dma_wait3A_469] : memref<10000x128xf32, #tpu.memory_space<vmem_shared>> -> memref<40x128xf32, #tpu.memory_space<vmem_shared>>
        %dma_wait3A_471 = arith.constant 0 : i32
        %dma_wait3A_472 = arith.constant 0 : i32
        %dma_wait3A_473 = tpu.memref_slice %arg12[%dma_wait3A_471, %dma_wait3A_472] : memref<10000x128xf32, #tpu.memory_space<vmem_shared>> -> memref<40x128xf32, #tpu.memory_space<vmem_shared>>
        %dma_wait3A_474 = arith.constant 0 : i32
        %dma_wait3A_475 = arith.constant 0 : i32
        %dma_wait3A_476 = tpu.memref_slice %arg11[%dma_wait3A_463, %dma_wait3A_474, %dma_wait3A_475] : memref<5x40x128xf32, #tpu.memory_space<vmem>> -> memref<1x40x128xf32, #tpu.memory_space<vmem>>
        %dma_wait3A_477 = tpu.memref_squeeze %dma_wait3A_476 : memref<1x40x128xf32, #tpu.memory_space<vmem>> -> memref<40x128xf32, #tpu.memory_space<vmem>>
        tpu.wait_dma2 semaphore(%arg14 : memref<!tpu.dma_semaphore, #tpu.memory_space<semaphore_mem>>) src(%dma_wait3A_477 : memref<40x128xf32, #tpu.memory_space<vmem>>) dst(%dma_wait3A_473 : memref<40x128xf32, #tpu.memory_space<vmem_shared>>)
      } else {
      }
      %add3A_274 = arith.addi %mul3A_108, %mul3A_268 : i32
      %dma_start3A_275 = tpu.memref_slice %arg3[%add3A_274] : memref<320000xi32, #tpu.memory_space<hbm>> -> memref<40xi32, #tpu.memory_space<hbm>>
      %dma_start3A_276 = tpu.memref_slice %arg3[%add3A_274] : memref<320000xi32, #tpu.memory_space<hbm>> -> memref<40xi32, #tpu.memory_space<hbm>>
      tpu.enqueue_dma source(%dma_start3A_276 : memref<40xi32, #tpu.memory_space<hbm>>) target(%arg8 : memref<40xi32, #tpu.memory_space<vmem>>) target_semaphore(%arg13 : memref<!tpu.dma_semaphore, #tpu.memory_space<semaphore_mem>>)
      %add3A_277 = arith.addi %mul3A_108, %mul3A_268 : i32
      %dma_start3A_278 = arith.constant 2 : i32
      %dma_start3A_279 = arith.constant 0 : i32
      %dma_start3A_280 = arith.constant 0 : i32
      %dma_start3A_281 = tpu.memref_slice %arg11[%dma_start3A_278, %dma_start3A_279, %dma_start3A_280] : memref<5x40x128xf32, #tpu.memory_space<vmem>> -> memref<1x40x128xf32, #tpu.memory_space<vmem>>
      %dma_start3A_282 = tpu.memref_squeeze %dma_start3A_281 : memref<1x40x128xf32, #tpu.memory_space<vmem>> -> memref<40x128xf32, #tpu.memory_space<vmem>>
      %dma_start3A_283 = arith.constant 128 : i32
      %dma_start3A_284 = tpu.memref_slice %arg2[%add3A_277, %dma_start3A_283] : memref<320000x256xf32, #tpu.memory_space<hbm>> -> memref<40x128xf32, #tpu.memory_space<hbm>>
      %dma_start3A_285 = arith.constant 0 : i32
      %dma_start3A_286 = arith.constant 0 : i32
      %dma_start3A_287 = tpu.memref_slice %arg11[%dma_start3A_278, %dma_start3A_285, %dma_start3A_286] : memref<5x40x128xf32, #tpu.memory_space<vmem>> -> memref<1x40x128xf32, #tpu.memory_space<vmem>>
      %dma_start3A_288 = tpu.memref_squeeze %dma_start3A_287 : memref<1x40x128xf32, #tpu.memory_space<vmem>> -> memref<40x128xf32, #tpu.memory_space<vmem>>
      %dma_start3A_289 = arith.constant 128 : i32
      %dma_start3A_290 = tpu.memref_slice %arg2[%add3A_277, %dma_start3A_289] : memref<320000x256xf32, #tpu.memory_space<hbm>> -> memref<40x128xf32, #tpu.memory_space<hbm>>
      tpu.enqueue_dma source(%dma_start3A_290 : memref<40x128xf32, #tpu.memory_space<hbm>>) target(%dma_start3A_288 : memref<40x128xf32, #tpu.memory_space<vmem>>) target_semaphore(%arg13 : memref<!tpu.dma_semaphore, #tpu.memory_space<semaphore_mem>>)
      %mul3A_291 = arith.constant 5 : i32
      %mul3A_292 = arith.muli %scan3A_207, %mul3A_291 : i32
      %add3A_293 = arith.constant 3 : i32
      %add3A_294 = arith.addi %mul3A_292, %add3A_293 : i32
      %mul3A_295 = arith.constant 40 : i32
      %mul3A_296 = arith.muli %add3A_294, %mul3A_295 : i32
      %gt3A_297 = arith.constant 0 : i32
      %gt3A_298 = arith.cmpi sgt, %scan3A_207, %gt3A_297 : i32
      %convert_element_type3A_299 = arith.extui %gt3A_298 : i1 to i32
      %cond3A_300 = arith.constant 0 : i32
      %cond3A_301 = arith.cmpi ne, %convert_element_type3A_299, %cond3A_300 : i32
      scf.if %cond3A_301 {
        %dma_wait3A_463 = arith.constant 3 : i32
        %dma_wait3A_464 = arith.constant 0 : i32
        %dma_wait3A_465 = arith.constant 0 : i32
        %dma_wait3A_466 = tpu.memref_slice %arg11[%dma_wait3A_463, %dma_wait3A_464, %dma_wait3A_465] : memref<5x40x128xf32, #tpu.memory_space<vmem>> -> memref<1x40x128xf32, #tpu.memory_space<vmem>>
        %dma_wait3A_467 = tpu.memref_squeeze %dma_wait3A_466 : memref<1x40x128xf32, #tpu.memory_space<vmem>> -> memref<40x128xf32, #tpu.memory_space<vmem>>
        %dma_wait3A_468 = arith.constant 0 : i32
        %dma_wait3A_469 = arith.constant 0 : i32
        %dma_wait3A_470 = tpu.memref_slice %arg12[%dma_wait3A_468, %dma_wait3A_469] : memref<10000x128xf32, #tpu.memory_space<vmem_shared>> -> memref<40x128xf32, #tpu.memory_space<vmem_shared>>
        %dma_wait3A_471 = arith.constant 0 : i32
        %dma_wait3A_472 = arith.constant 0 : i32
        %dma_wait3A_473 = tpu.memref_slice %arg12[%dma_wait3A_471, %dma_wait3A_472] : memref<10000x128xf32, #tpu.memory_space<vmem_shared>> -> memref<40x128xf32, #tpu.memory_space<vmem_shared>>
        %dma_wait3A_474 = arith.constant 0 : i32
        %dma_wait3A_475 = arith.constant 0 : i32
        %dma_wait3A_476 = tpu.memref_slice %arg11[%dma_wait3A_463, %dma_wait3A_474, %dma_wait3A_475] : memref<5x40x128xf32, #tpu.memory_space<vmem>> -> memref<1x40x128xf32, #tpu.memory_space<vmem>>
        %dma_wait3A_477 = tpu.memref_squeeze %dma_wait3A_476 : memref<1x40x128xf32, #tpu.memory_space<vmem>> -> memref<40x128xf32, #tpu.memory_space<vmem>>
        tpu.wait_dma2 semaphore(%arg14 : memref<!tpu.dma_semaphore, #tpu.memory_space<semaphore_mem>>) src(%dma_wait3A_477 : memref<40x128xf32, #tpu.memory_space<vmem>>) dst(%dma_wait3A_473 : memref<40x128xf32, #tpu.memory_space<vmem_shared>>)
      } else {
      }
      %add3A_302 = arith.addi %mul3A_108, %mul3A_296 : i32
      %dma_start3A_303 = tpu.memref_slice %arg3[%add3A_302] : memref<320000xi32, #tpu.memory_space<hbm>> -> memref<40xi32, #tpu.memory_space<hbm>>
      %dma_start3A_304 = tpu.memref_slice %arg3[%add3A_302] : memref<320000xi32, #tpu.memory_space<hbm>> -> memref<40xi32, #tpu.memory_space<hbm>>
      tpu.enqueue_dma source(%dma_start3A_304 : memref<40xi32, #tpu.memory_space<hbm>>) target(%arg9 : memref<40xi32, #tpu.memory_space<vmem>>) target_semaphore(%arg13 : memref<!tpu.dma_semaphore, #tpu.memory_space<semaphore_mem>>)
      %add3A_305 = arith.addi %mul3A_108, %mul3A_296 : i32
      %dma_start3A_306 = arith.constant 3 : i32
      %dma_start3A_307 = arith.constant 0 : i32
      %dma_start3A_308 = arith.constant 0 : i32
      %dma_start3A_309 = tpu.memref_slice %arg11[%dma_start3A_306, %dma_start3A_307, %dma_start3A_308] : memref<5x40x128xf32, #tpu.memory_space<vmem>> -> memref<1x40x128xf32, #tpu.memory_space<vmem>>
      %dma_start3A_310 = tpu.memref_squeeze %dma_start3A_309 : memref<1x40x128xf32, #tpu.memory_space<vmem>> -> memref<40x128xf32, #tpu.memory_space<vmem>>
      %dma_start3A_311 = arith.constant 128 : i32
      %dma_start3A_312 = tpu.memref_slice %arg2[%add3A_305, %dma_start3A_311] : memref<320000x256xf32, #tpu.memory_space<hbm>> -> memref<40x128xf32, #tpu.memory_space<hbm>>
      %dma_start3A_313 = arith.constant 0 : i32
      %dma_start3A_314 = arith.constant 0 : i32
      %dma_start3A_315 = tpu.memref_slice %arg11[%dma_start3A_306, %dma_start3A_313, %dma_start3A_314] : memref<5x40x128xf32, #tpu.memory_space<vmem>> -> memref<1x40x128xf32, #tpu.memory_space<vmem>>
      %dma_start3A_316 = tpu.memref_squeeze %dma_start3A_315 : memref<1x40x128xf32, #tpu.memory_space<vmem>> -> memref<40x128xf32, #tpu.memory_space<vmem>>
      %dma_start3A_317 = arith.constant 128 : i32
      %dma_start3A_318 = tpu.memref_slice %arg2[%add3A_305, %dma_start3A_317] : memref<320000x256xf32, #tpu.memory_space<hbm>> -> memref<40x128xf32, #tpu.memory_space<hbm>>
      tpu.enqueue_dma source(%dma_start3A_318 : memref<40x128xf32, #tpu.memory_space<hbm>>) target(%dma_start3A_316 : memref<40x128xf32, #tpu.memory_space<vmem>>) target_semaphore(%arg13 : memref<!tpu.dma_semaphore, #tpu.memory_space<semaphore_mem>>)
      %mul3A_319 = arith.constant 5 : i32
      %mul3A_320 = arith.muli %scan3A_207, %mul3A_319 : i32
      %add3A_321 = arith.constant 4 : i32
      %add3A_322 = arith.addi %mul3A_320, %add3A_321 : i32
      %mul3A_323 = arith.constant 40 : i32
      %mul3A_324 = arith.muli %add3A_322, %mul3A_323 : i32
      %gt3A_325 = arith.constant 0 : i32
      %gt3A_326 = arith.cmpi sgt, %scan3A_207, %gt3A_325 : i32
      %convert_element_type3A_327 = arith.extui %gt3A_326 : i1 to i32
      %cond3A_328 = arith.constant 0 : i32
      %cond3A_329 = arith.cmpi ne, %convert_element_type3A_327, %cond3A_328 : i32
      scf.if %cond3A_329 {
        %dma_wait3A_463 = arith.constant 4 : i32
        %dma_wait3A_464 = arith.constant 0 : i32
        %dma_wait3A_465 = arith.constant 0 : i32
        %dma_wait3A_466 = tpu.memref_slice %arg11[%dma_wait3A_463, %dma_wait3A_464, %dma_wait3A_465] : memref<5x40x128xf32, #tpu.memory_space<vmem>> -> memref<1x40x128xf32, #tpu.memory_space<vmem>>
        %dma_wait3A_467 = tpu.memref_squeeze %dma_wait3A_466 : memref<1x40x128xf32, #tpu.memory_space<vmem>> -> memref<40x128xf32, #tpu.memory_space<vmem>>
        %dma_wait3A_468 = arith.constant 0 : i32
        %dma_wait3A_469 = arith.constant 0 : i32
        %dma_wait3A_470 = tpu.memref_slice %arg12[%dma_wait3A_468, %dma_wait3A_469] : memref<10000x128xf32, #tpu.memory_space<vmem_shared>> -> memref<40x128xf32, #tpu.memory_space<vmem_shared>>
        %dma_wait3A_471 = arith.constant 0 : i32
        %dma_wait3A_472 = arith.constant 0 : i32
        %dma_wait3A_473 = tpu.memref_slice %arg12[%dma_wait3A_471, %dma_wait3A_472] : memref<10000x128xf32, #tpu.memory_space<vmem_shared>> -> memref<40x128xf32, #tpu.memory_space<vmem_shared>>
        %dma_wait3A_474 = arith.constant 0 : i32
        %dma_wait3A_475 = arith.constant 0 : i32
        %dma_wait3A_476 = tpu.memref_slice %arg11[%dma_wait3A_463, %dma_wait3A_474, %dma_wait3A_475] : memref<5x40x128xf32, #tpu.memory_space<vmem>> -> memref<1x40x128xf32, #tpu.memory_space<vmem>>
        %dma_wait3A_477 = tpu.memref_squeeze %dma_wait3A_476 : memref<1x40x128xf32, #tpu.memory_space<vmem>> -> memref<40x128xf32, #tpu.memory_space<vmem>>
        tpu.wait_dma2 semaphore(%arg14 : memref<!tpu.dma_semaphore, #tpu.memory_space<semaphore_mem>>) src(%dma_wait3A_477 : memref<40x128xf32, #tpu.memory_space<vmem>>) dst(%dma_wait3A_473 : memref<40x128xf32, #tpu.memory_space<vmem_shared>>)
      } else {
      }
      %add3A_330 = arith.addi %mul3A_108, %mul3A_324 : i32
      %dma_start3A_331 = tpu.memref_slice %arg3[%add3A_330] : memref<320000xi32, #tpu.memory_space<hbm>> -> memref<40xi32, #tpu.memory_space<hbm>>
      %dma_start3A_332 = tpu.memref_slice %arg3[%add3A_330] : memref<320000xi32, #tpu.memory_space<hbm>> -> memref<40xi32, #tpu.memory_space<hbm>>
      tpu.enqueue_dma source(%dma_start3A_332 : memref<40xi32, #tpu.memory_space<hbm>>) target(%arg10 : memref<40xi32, #tpu.memory_space<vmem>>) target_semaphore(%arg13 : memref<!tpu.dma_semaphore, #tpu.memory_space<semaphore_mem>>)
      %add3A_333 = arith.addi %mul3A_108, %mul3A_324 : i32
      %dma_start3A_334 = arith.constant 4 : i32
      %dma_start3A_335 = arith.constant 0 : i32
      %dma_start3A_336 = arith.constant 0 : i32
      %dma_start3A_337 = tpu.memref_slice %arg11[%dma_start3A_334, %dma_start3A_335, %dma_start3A_336] : memref<5x40x128xf32, #tpu.memory_space<vmem>> -> memref<1x40x128xf32, #tpu.memory_space<vmem>>
      %dma_start3A_338 = tpu.memref_squeeze %dma_start3A_337 : memref<1x40x128xf32, #tpu.memory_space<vmem>> -> memref<40x128xf32, #tpu.memory_space<vmem>>
      %dma_start3A_339 = arith.constant 128 : i32
      %dma_start3A_340 = tpu.memref_slice %arg2[%add3A_333, %dma_start3A_339] : memref<320000x256xf32, #tpu.memory_space<hbm>> -> memref<40x128xf32, #tpu.memory_space<hbm>>
      %dma_start3A_341 = arith.constant 0 : i32
      %dma_start3A_342 = arith.constant 0 : i32
      %dma_start3A_343 = tpu.memref_slice %arg11[%dma_start3A_334, %dma_start3A_341, %dma_start3A_342] : memref<5x40x128xf32, #tpu.memory_space<vmem>> -> memref<1x40x128xf32, #tpu.memory_space<vmem>>
      %dma_start3A_344 = tpu.memref_squeeze %dma_start3A_343 : memref<1x40x128xf32, #tpu.memory_space<vmem>> -> memref<40x128xf32, #tpu.memory_space<vmem>>
      %dma_start3A_345 = arith.constant 128 : i32
      %dma_start3A_346 = tpu.memref_slice %arg2[%add3A_333, %dma_start3A_345] : memref<320000x256xf32, #tpu.memory_space<hbm>> -> memref<40x128xf32, #tpu.memory_space<hbm>>
      tpu.enqueue_dma source(%dma_start3A_346 : memref<40x128xf32, #tpu.memory_space<hbm>>) target(%dma_start3A_344 : memref<40x128xf32, #tpu.memory_space<vmem>>) target_semaphore(%arg13 : memref<!tpu.dma_semaphore, #tpu.memory_space<semaphore_mem>>)
      %dma_wait3A_347 = tpu.memref_slice %arg3[%add3A_219] : memref<320000xi32, #tpu.memory_space<hbm>> -> memref<40xi32, #tpu.memory_space<hbm>>
      %dma_wait3A_348 = tpu.memref_slice %arg3[%add3A_219] : memref<320000xi32, #tpu.memory_space<hbm>> -> memref<40xi32, #tpu.memory_space<hbm>>
      tpu.wait_dma2 semaphore(%arg13 : memref<!tpu.dma_semaphore, #tpu.memory_space<semaphore_mem>>) src(%dma_wait3A_348 : memref<40xi32, #tpu.memory_space<hbm>>) dst(%arg6 : memref<40xi32, #tpu.memory_space<vmem>>)
      %dma_wait3A_349 = arith.constant 0 : i32
      %dma_wait3A_350 = arith.constant 0 : i32
      %dma_wait3A_351 = arith.constant 0 : i32
      %dma_wait3A_352 = tpu.memref_slice %arg11[%dma_wait3A_349, %dma_wait3A_350, %dma_wait3A_351] : memref<5x40x128xf32, #tpu.memory_space<vmem>> -> memref<1x40x128xf32, #tpu.memory_space<vmem>>
      %dma_wait3A_353 = tpu.memref_squeeze %dma_wait3A_352 : memref<1x40x128xf32, #tpu.memory_space<vmem>> -> memref<40x128xf32, #tpu.memory_space<vmem>>
      %dma_wait3A_354 = arith.constant 128 : i32
      %dma_wait3A_355 = tpu.memref_slice %arg2[%add3A_221, %dma_wait3A_354] : memref<320000x256xf32, #tpu.memory_space<hbm>> -> memref<40x128xf32, #tpu.memory_space<hbm>>
      %dma_wait3A_356 = arith.constant 0 : i32
      %dma_wait3A_357 = arith.constant 0 : i32
      %dma_wait3A_358 = tpu.memref_slice %arg11[%dma_wait3A_349, %dma_wait3A_356, %dma_wait3A_357] : memref<5x40x128xf32, #tpu.memory_space<vmem>> -> memref<1x40x128xf32, #tpu.memory_space<vmem>>
      %dma_wait3A_359 = tpu.memref_squeeze %dma_wait3A_358 : memref<1x40x128xf32, #tpu.memory_space<vmem>> -> memref<40x128xf32, #tpu.memory_space<vmem>>
      %dma_wait3A_360 = arith.constant 128 : i32
      %dma_wait3A_361 = tpu.memref_slice %arg2[%add3A_221, %dma_wait3A_360] : memref<320000x256xf32, #tpu.memory_space<hbm>> -> memref<40x128xf32, #tpu.memory_space<hbm>>
      tpu.wait_dma2 semaphore(%arg13 : memref<!tpu.dma_semaphore, #tpu.memory_space<semaphore_mem>>) src(%dma_wait3A_361 : memref<40x128xf32, #tpu.memory_space<hbm>>) dst(%dma_wait3A_359 : memref<40x128xf32, #tpu.memory_space<vmem>>)
      %dma_start3A_362 = arith.constant 0 : i32
      %dma_start3A_363 = arith.constant 0 : i32
      %dma_start3A_364 = arith.constant 0 : i32
      %dma_start3A_365 = tpu.memref_slice %arg11[%dma_start3A_362, %dma_start3A_363, %dma_start3A_364] : memref<5x40x128xf32, #tpu.memory_space<vmem>> -> memref<1x40x128xf32, #tpu.memory_space<vmem>>
      %dma_start3A_366 = tpu.memref_squeeze %dma_start3A_365 : memref<1x40x128xf32, #tpu.memory_space<vmem>> -> memref<40x128xf32, #tpu.memory_space<vmem>>
      %dma_start3A_367 = arith.constant 0 : i32
      %dma_start3A_368 = arith.constant 0 : i32
      %dma_start3A_369 = tpu.memref_slice %arg12[%dma_start3A_367, %dma_start3A_368] : memref<10000x128xf32, #tpu.memory_space<vmem_shared>> -> memref<10000x128xf32, #tpu.memory_space<vmem_shared>>
      tpu.enqueue_indirect_dma source(%dma_start3A_366 : memref<40x128xf32, #tpu.memory_space<vmem>>) target(%dma_start3A_369 : memref<10000x128xf32, #tpu.memory_space<vmem_shared>>) offsets(%arg6 : memref<40xi32, #tpu.memory_space<vmem>>) semaphore(%arg14 : memref<!tpu.dma_semaphore, #tpu.memory_space<semaphore_mem>>) {add = true}
      %dma_wait3A_370 = tpu.memref_slice %arg3[%add3A_246] : memref<320000xi32, #tpu.memory_space<hbm>> -> memref<40xi32, #tpu.memory_space<hbm>>
      %dma_wait3A_371 = tpu.memref_slice %arg3[%add3A_246] : memref<320000xi32, #tpu.memory_space<hbm>> -> memref<40xi32, #tpu.memory_space<hbm>>
      tpu.wait_dma2 semaphore(%arg13 : memref<!tpu.dma_semaphore, #tpu.memory_space<semaphore_mem>>) src(%dma_wait3A_371 : memref<40xi32, #tpu.memory_space<hbm>>) dst(%arg7 : memref<40xi32, #tpu.memory_space<vmem>>)
      %dma_wait3A_372 = arith.constant 1 : i32
      %dma_wait3A_373 = arith.constant 0 : i32
      %dma_wait3A_374 = arith.constant 0 : i32
      %dma_wait3A_375 = tpu.memref_slice %arg11[%dma_wait3A_372, %dma_wait3A_373, %dma_wait3A_374] : memref<5x40x128xf32, #tpu.memory_space<vmem>> -> memref<1x40x128xf32, #tpu.memory_space<vmem>>
      %dma_wait3A_376 = tpu.memref_squeeze %dma_wait3A_375 : memref<1x40x128xf32, #tpu.memory_space<vmem>> -> memref<40x128xf32, #tpu.memory_space<vmem>>
      %dma_wait3A_377 = arith.constant 128 : i32
      %dma_wait3A_378 = tpu.memref_slice %arg2[%add3A_249, %dma_wait3A_377] : memref<320000x256xf32, #tpu.memory_space<hbm>> -> memref<40x128xf32, #tpu.memory_space<hbm>>
      %dma_wait3A_379 = arith.constant 0 : i32
      %dma_wait3A_380 = arith.constant 0 : i32
      %dma_wait3A_381 = tpu.memref_slice %arg11[%dma_wait3A_372, %dma_wait3A_379, %dma_wait3A_380] : memref<5x40x128xf32, #tpu.memory_space<vmem>> -> memref<1x40x128xf32, #tpu.memory_space<vmem>>
      %dma_wait3A_382 = tpu.memref_squeeze %dma_wait3A_381 : memref<1x40x128xf32, #tpu.memory_space<vmem>> -> memref<40x128xf32, #tpu.memory_space<vmem>>
      %dma_wait3A_383 = arith.constant 128 : i32
      %dma_wait3A_384 = tpu.memref_slice %arg2[%add3A_249, %dma_wait3A_383] : memref<320000x256xf32, #tpu.memory_space<hbm>> -> memref<40x128xf32, #tpu.memory_space<hbm>>
      tpu.wait_dma2 semaphore(%arg13 : memref<!tpu.dma_semaphore, #tpu.memory_space<semaphore_mem>>) src(%dma_wait3A_384 : memref<40x128xf32, #tpu.memory_space<hbm>>) dst(%dma_wait3A_382 : memref<40x128xf32, #tpu.memory_space<vmem>>)
      %dma_start3A_385 = arith.constant 1 : i32
      %dma_start3A_386 = arith.constant 0 : i32
      %dma_start3A_387 = arith.constant 0 : i32
      %dma_start3A_388 = tpu.memref_slice %arg11[%dma_start3A_385, %dma_start3A_386, %dma_start3A_387] : memref<5x40x128xf32, #tpu.memory_space<vmem>> -> memref<1x40x128xf32, #tpu.memory_space<vmem>>
      %dma_start3A_389 = tpu.memref_squeeze %dma_start3A_388 : memref<1x40x128xf32, #tpu.memory_space<vmem>> -> memref<40x128xf32, #tpu.memory_space<vmem>>
      %dma_start3A_390 = arith.constant 0 : i32
      %dma_start3A_391 = arith.constant 0 : i32
      %dma_start3A_392 = tpu.memref_slice %arg12[%dma_start3A_390, %dma_start3A_391] : memref<10000x128xf32, #tpu.memory_space<vmem_shared>> -> memref<10000x128xf32, #tpu.memory_space<vmem_shared>>
      tpu.enqueue_indirect_dma source(%dma_start3A_389 : memref<40x128xf32, #tpu.memory_space<vmem>>) target(%dma_start3A_392 : memref<10000x128xf32, #tpu.memory_space<vmem_shared>>) offsets(%arg7 : memref<40xi32, #tpu.memory_space<vmem>>) semaphore(%arg14 : memref<!tpu.dma_semaphore, #tpu.memory_space<semaphore_mem>>) {add = true}
      %dma_wait3A_393 = tpu.memref_slice %arg3[%add3A_274] : memref<320000xi32, #tpu.memory_space<hbm>> -> memref<40xi32, #tpu.memory_space<hbm>>
      %dma_wait3A_394 = tpu.memref_slice %arg3[%add3A_274] : memref<320000xi32, #tpu.memory_space<hbm>> -> memref<40xi32, #tpu.memory_space<hbm>>
      tpu.wait_dma2 semaphore(%arg13 : memref<!tpu.dma_semaphore, #tpu.memory_space<semaphore_mem>>) src(%dma_wait3A_394 : memref<40xi32, #tpu.memory_space<hbm>>) dst(%arg8 : memref<40xi32, #tpu.memory_space<vmem>>)
      %dma_wait3A_395 = arith.constant 2 : i32
      %dma_wait3A_396 = arith.constant 0 : i32
      %dma_wait3A_397 = arith.constant 0 : i32
      %dma_wait3A_398 = tpu.memref_slice %arg11[%dma_wait3A_395, %dma_wait3A_396, %dma_wait3A_397] : memref<5x40x128xf32, #tpu.memory_space<vmem>> -> memref<1x40x128xf32, #tpu.memory_space<vmem>>
      %dma_wait3A_399 = tpu.memref_squeeze %dma_wait3A_398 : memref<1x40x128xf32, #tpu.memory_space<vmem>> -> memref<40x128xf32, #tpu.memory_space<vmem>>
      %dma_wait3A_400 = arith.constant 128 : i32
      %dma_wait3A_401 = tpu.memref_slice %arg2[%add3A_277, %dma_wait3A_400] : memref<320000x256xf32, #tpu.memory_space<hbm>> -> memref<40x128xf32, #tpu.memory_space<hbm>>
      %dma_wait3A_402 = arith.constant 0 : i32
      %dma_wait3A_403 = arith.constant 0 : i32
      %dma_wait3A_404 = tpu.memref_slice %arg11[%dma_wait3A_395, %dma_wait3A_402, %dma_wait3A_403] : memref<5x40x128xf32, #tpu.memory_space<vmem>> -> memref<1x40x128xf32, #tpu.memory_space<vmem>>
      %dma_wait3A_405 = tpu.memref_squeeze %dma_wait3A_404 : memref<1x40x128xf32, #tpu.memory_space<vmem>> -> memref<40x128xf32, #tpu.memory_space<vmem>>
      %dma_wait3A_406 = arith.constant 128 : i32
      %dma_wait3A_407 = tpu.memref_slice %arg2[%add3A_277, %dma_wait3A_406] : memref<320000x256xf32, #tpu.memory_space<hbm>> -> memref<40x128xf32, #tpu.memory_space<hbm>>
      tpu.wait_dma2 semaphore(%arg13 : memref<!tpu.dma_semaphore, #tpu.memory_space<semaphore_mem>>) src(%dma_wait3A_407 : memref<40x128xf32, #tpu.memory_space<hbm>>) dst(%dma_wait3A_405 : memref<40x128xf32, #tpu.memory_space<vmem>>)
      %dma_start3A_408 = arith.constant 2 : i32
      %dma_start3A_409 = arith.constant 0 : i32
      %dma_start3A_410 = arith.constant 0 : i32
      %dma_start3A_411 = tpu.memref_slice %arg11[%dma_start3A_408, %dma_start3A_409, %dma_start3A_410] : memref<5x40x128xf32, #tpu.memory_space<vmem>> -> memref<1x40x128xf32, #tpu.memory_space<vmem>>
      %dma_start3A_412 = tpu.memref_squeeze %dma_start3A_411 : memref<1x40x128xf32, #tpu.memory_space<vmem>> -> memref<40x128xf32, #tpu.memory_space<vmem>>
      %dma_start3A_413 = arith.constant 0 : i32
      %dma_start3A_414 = arith.constant 0 : i32
      %dma_start3A_415 = tpu.memref_slice %arg12[%dma_start3A_413, %dma_start3A_414] : memref<10000x128xf32, #tpu.memory_space<vmem_shared>> -> memref<10000x128xf32, #tpu.memory_space<vmem_shared>>
      tpu.enqueue_indirect_dma source(%dma_start3A_412 : memref<40x128xf32, #tpu.memory_space<vmem>>) target(%dma_start3A_415 : memref<10000x128xf32, #tpu.memory_space<vmem_shared>>) offsets(%arg8 : memref<40xi32, #tpu.memory_space<vmem>>) semaphore(%arg14 : memref<!tpu.dma_semaphore, #tpu.memory_space<semaphore_mem>>) {add = true}
      %dma_wait3A_416 = tpu.memref_slice %arg3[%add3A_302] : memref<320000xi32, #tpu.memory_space<hbm>> -> memref<40xi32, #tpu.memory_space<hbm>>
      %dma_wait3A_417 = tpu.memref_slice %arg3[%add3A_302] : memref<320000xi32, #tpu.memory_space<hbm>> -> memref<40xi32, #tpu.memory_space<hbm>>
      tpu.wait_dma2 semaphore(%arg13 : memref<!tpu.dma_semaphore, #tpu.memory_space<semaphore_mem>>) src(%dma_wait3A_417 : memref<40xi32, #tpu.memory_space<hbm>>) dst(%arg9 : memref<40xi32, #tpu.memory_space<vmem>>)
      %dma_wait3A_418 = arith.constant 3 : i32
      %dma_wait3A_419 = arith.constant 0 : i32
      %dma_wait3A_420 = arith.constant 0 : i32
      %dma_wait3A_421 = tpu.memref_slice %arg11[%dma_wait3A_418, %dma_wait3A_419, %dma_wait3A_420] : memref<5x40x128xf32, #tpu.memory_space<vmem>> -> memref<1x40x128xf32, #tpu.memory_space<vmem>>
      %dma_wait3A_422 = tpu.memref_squeeze %dma_wait3A_421 : memref<1x40x128xf32, #tpu.memory_space<vmem>> -> memref<40x128xf32, #tpu.memory_space<vmem>>
      %dma_wait3A_423 = arith.constant 128 : i32
      %dma_wait3A_424 = tpu.memref_slice %arg2[%add3A_305, %dma_wait3A_423] : memref<320000x256xf32, #tpu.memory_space<hbm>> -> memref<40x128xf32, #tpu.memory_space<hbm>>
      %dma_wait3A_425 = arith.constant 0 : i32
      %dma_wait3A_426 = arith.constant 0 : i32
      %dma_wait3A_427 = tpu.memref_slice %arg11[%dma_wait3A_418, %dma_wait3A_425, %dma_wait3A_426] : memref<5x40x128xf32, #tpu.memory_space<vmem>> -> memref<1x40x128xf32, #tpu.memory_space<vmem>>
      %dma_wait3A_428 = tpu.memref_squeeze %dma_wait3A_427 : memref<1x40x128xf32, #tpu.memory_space<vmem>> -> memref<40x128xf32, #tpu.memory_space<vmem>>
      %dma_wait3A_429 = arith.constant 128 : i32
      %dma_wait3A_430 = tpu.memref_slice %arg2[%add3A_305, %dma_wait3A_429] : memref<320000x256xf32, #tpu.memory_space<hbm>> -> memref<40x128xf32, #tpu.memory_space<hbm>>
      tpu.wait_dma2 semaphore(%arg13 : memref<!tpu.dma_semaphore, #tpu.memory_space<semaphore_mem>>) src(%dma_wait3A_430 : memref<40x128xf32, #tpu.memory_space<hbm>>) dst(%dma_wait3A_428 : memref<40x128xf32, #tpu.memory_space<vmem>>)
      %dma_start3A_431 = arith.constant 3 : i32
      %dma_start3A_432 = arith.constant 0 : i32
      %dma_start3A_433 = arith.constant 0 : i32
      %dma_start3A_434 = tpu.memref_slice %arg11[%dma_start3A_431, %dma_start3A_432, %dma_start3A_433] : memref<5x40x128xf32, #tpu.memory_space<vmem>> -> memref<1x40x128xf32, #tpu.memory_space<vmem>>
      %dma_start3A_435 = tpu.memref_squeeze %dma_start3A_434 : memref<1x40x128xf32, #tpu.memory_space<vmem>> -> memref<40x128xf32, #tpu.memory_space<vmem>>
      %dma_start3A_436 = arith.constant 0 : i32
      %dma_start3A_437 = arith.constant 0 : i32
      %dma_start3A_438 = tpu.memref_slice %arg12[%dma_start3A_436, %dma_start3A_437] : memref<10000x128xf32, #tpu.memory_space<vmem_shared>> -> memref<10000x128xf32, #tpu.memory_space<vmem_shared>>
      tpu.enqueue_indirect_dma source(%dma_start3A_435 : memref<40x128xf32, #tpu.memory_space<vmem>>) target(%dma_start3A_438 : memref<10000x128xf32, #tpu.memory_space<vmem_shared>>) offsets(%arg9 : memref<40xi32, #tpu.memory_space<vmem>>) semaphore(%arg14 : memref<!tpu.dma_semaphore, #tpu.memory_space<semaphore_mem>>) {add = true}
      %dma_wait3A_439 = tpu.memref_slice %arg3[%add3A_330] : memref<320000xi32, #tpu.memory_space<hbm>> -> memref<40xi32, #tpu.memory_space<hbm>>
      %dma_wait3A_440 = tpu.memref_slice %arg3[%add3A_330] : memref<320000xi32, #tpu.memory_space<hbm>> -> memref<40xi32, #tpu.memory_space<hbm>>
      tpu.wait_dma2 semaphore(%arg13 : memref<!tpu.dma_semaphore, #tpu.memory_space<semaphore_mem>>) src(%dma_wait3A_440 : memref<40xi32, #tpu.memory_space<hbm>>) dst(%arg10 : memref<40xi32, #tpu.memory_space<vmem>>)
      %dma_wait3A_441 = arith.constant 4 : i32
      %dma_wait3A_442 = arith.constant 0 : i32
      %dma_wait3A_443 = arith.constant 0 : i32
      %dma_wait3A_444 = tpu.memref_slice %arg11[%dma_wait3A_441, %dma_wait3A_442, %dma_wait3A_443] : memref<5x40x128xf32, #tpu.memory_space<vmem>> -> memref<1x40x128xf32, #tpu.memory_space<vmem>>
      %dma_wait3A_445 = tpu.memref_squeeze %dma_wait3A_444 : memref<1x40x128xf32, #tpu.memory_space<vmem>> -> memref<40x128xf32, #tpu.memory_space<vmem>>
      %dma_wait3A_446 = arith.constant 128 : i32
      %dma_wait3A_447 = tpu.memref_slice %arg2[%add3A_333, %dma_wait3A_446] : memref<320000x256xf32, #tpu.memory_space<hbm>> -> memref<40x128xf32, #tpu.memory_space<hbm>>
      %dma_wait3A_448 = arith.constant 0 : i32
      %dma_wait3A_449 = arith.constant 0 : i32
      %dma_wait3A_450 = tpu.memref_slice %arg11[%dma_wait3A_441, %dma_wait3A_448, %dma_wait3A_449] : memref<5x40x128xf32, #tpu.memory_space<vmem>> -> memref<1x40x128xf32, #tpu.memory_space<vmem>>
      %dma_wait3A_451 = tpu.memref_squeeze %dma_wait3A_450 : memref<1x40x128xf32, #tpu.memory_space<vmem>> -> memref<40x128xf32, #tpu.memory_space<vmem>>
      %dma_wait3A_452 = arith.constant 128 : i32
      %dma_wait3A_453 = tpu.memref_slice %arg2[%add3A_333, %dma_wait3A_452] : memref<320000x256xf32, #tpu.memory_space<hbm>> -> memref<40x128xf32, #tpu.memory_space<hbm>>
      tpu.wait_dma2 semaphore(%arg13 : memref<!tpu.dma_semaphore, #tpu.memory_space<semaphore_mem>>) src(%dma_wait3A_453 : memref<40x128xf32, #tpu.memory_space<hbm>>) dst(%dma_wait3A_451 : memref<40x128xf32, #tpu.memory_space<vmem>>)
      %dma_start3A_454 = arith.constant 4 : i32
      %dma_start3A_455 = arith.constant 0 : i32
      %dma_start3A_456 = arith.constant 0 : i32
      %dma_start3A_457 = tpu.memref_slice %arg11[%dma_start3A_454, %dma_start3A_455, %dma_start3A_456] : memref<5x40x128xf32, #tpu.memory_space<vmem>> -> memref<1x40x128xf32, #tpu.memory_space<vmem>>
      %dma_start3A_458 = tpu.memref_squeeze %dma_start3A_457 : memref<1x40x128xf32, #tpu.memory_space<vmem>> -> memref<40x128xf32, #tpu.memory_space<vmem>>
      %dma_start3A_459 = arith.constant 0 : i32
      %dma_start3A_460 = arith.constant 0 : i32
      %dma_start3A_461 = tpu.memref_slice %arg12[%dma_start3A_459, %dma_start3A_460] : memref<10000x128xf32, #tpu.memory_space<vmem_shared>> -> memref<10000x128xf32, #tpu.memory_space<vmem_shared>>
      tpu.enqueue_indirect_dma source(%dma_start3A_458 : memref<40x128xf32, #tpu.memory_space<vmem>>) target(%dma_start3A_461 : memref<10000x128xf32, #tpu.memory_space<vmem_shared>>) offsets(%arg10 : memref<40xi32, #tpu.memory_space<vmem>>) semaphore(%arg14 : memref<!tpu.dma_semaphore, #tpu.memory_space<semaphore_mem>>) {add = true}
      %scan3A_462 = arith.constant 0 : i32
      scf.yield %scan3A_462 : i32
    }
    %scan3A_115 = arith.constant 50 : i32
    %dma_wait3A_116 = arith.constant 0 : i32
    %dma_wait3A_117 = arith.constant 0 : i32
    %dma_wait3A_118 = arith.constant 0 : i32
    %dma_wait3A_119 = tpu.memref_slice %arg11[%dma_wait3A_116, %dma_wait3A_117, %dma_wait3A_118] : memref<5x40x128xf32, #tpu.memory_space<vmem>> -> memref<1x40x128xf32, #tpu.memory_space<vmem>>
    %dma_wait3A_120 = tpu.memref_squeeze %dma_wait3A_119 : memref<1x40x128xf32, #tpu.memory_space<vmem>> -> memref<40x128xf32, #tpu.memory_space<vmem>>
    %dma_wait3A_121 = arith.constant 0 : i32
    %dma_wait3A_122 = arith.constant 0 : i32
    %dma_wait3A_123 = tpu.memref_slice %arg12[%dma_wait3A_121, %dma_wait3A_122] : memref<10000x128xf32, #tpu.memory_space<vmem_shared>> -> memref<40x128xf32, #tpu.memory_space<vmem_shared>>
    %dma_wait3A_124 = arith.constant 0 : i32
    %dma_wait3A_125 = arith.constant 0 : i32
    %dma_wait3A_126 = tpu.memref_slice %arg12[%dma_wait3A_124, %dma_wait3A_125] : memref<10000x128xf32, #tpu.memory_space<vmem_shared>> -> memref<40x128xf32, #tpu.memory_space<vmem_shared>>
    %dma_wait3A_127 = arith.constant 0 : i32
    %dma_wait3A_128 = arith.constant 0 : i32
    %dma_wait3A_129 = tpu.memref_slice %arg11[%dma_wait3A_116, %dma_wait3A_127, %dma_wait3A_128] : memref<5x40x128xf32, #tpu.memory_space<vmem>> -> memref<1x40x128xf32, #tpu.memory_space<vmem>>
    %dma_wait3A_130 = tpu.memref_squeeze %dma_wait3A_129 : memref<1x40x128xf32, #tpu.memory_space<vmem>> -> memref<40x128xf32, #tpu.memory_space<vmem>>
    tpu.wait_dma2 semaphore(%arg14 : memref<!tpu.dma_semaphore, #tpu.memory_space<semaphore_mem>>) src(%dma_wait3A_130 : memref<40x128xf32, #tpu.memory_space<vmem>>) dst(%dma_wait3A_126 : memref<40x128xf32, #tpu.memory_space<vmem_shared>>)
    %dma_wait3A_131 = arith.constant 1 : i32
    %dma_wait3A_132 = arith.constant 0 : i32
    %dma_wait3A_133 = arith.constant 0 : i32
    %dma_wait3A_134 = tpu.memref_slice %arg11[%dma_wait3A_131, %dma_wait3A_132, %dma_wait3A_133] : memref<5x40x128xf32, #tpu.memory_space<vmem>> -> memref<1x40x128xf32, #tpu.memory_space<vmem>>
    %dma_wait3A_135 = tpu.memref_squeeze %dma_wait3A_134 : memref<1x40x128xf32, #tpu.memory_space<vmem>> -> memref<40x128xf32, #tpu.memory_space<vmem>>
    %dma_wait3A_136 = arith.constant 0 : i32
    %dma_wait3A_137 = arith.constant 0 : i32
    %dma_wait3A_138 = tpu.memref_slice %arg12[%dma_wait3A_136, %dma_wait3A_137] : memref<10000x128xf32, #tpu.memory_space<vmem_shared>> -> memref<40x128xf32, #tpu.memory_space<vmem_shared>>
    %dma_wait3A_139 = arith.constant 0 : i32
    %dma_wait3A_140 = arith.constant 0 : i32
    %dma_wait3A_141 = tpu.memref_slice %arg12[%dma_wait3A_139, %dma_wait3A_140] : memref<10000x128xf32, #tpu.memory_space<vmem_shared>> -> memref<40x128xf32, #tpu.memory_space<vmem_shared>>
    %dma_wait3A_142 = arith.constant 0 : i32
    %dma_wait3A_143 = arith.constant 0 : i32
    %dma_wait3A_144 = tpu.memref_slice %arg11[%dma_wait3A_131, %dma_wait3A_142, %dma_wait3A_143] : memref<5x40x128xf32, #tpu.memory_space<vmem>> -> memref<1x40x128xf32, #tpu.memory_space<vmem>>
    %dma_wait3A_145 = tpu.memref_squeeze %dma_wait3A_144 : memref<1x40x128xf32, #tpu.memory_space<vmem>> -> memref<40x128xf32, #tpu.memory_space<vmem>>
    tpu.wait_dma2 semaphore(%arg14 : memref<!tpu.dma_semaphore, #tpu.memory_space<semaphore_mem>>) src(%dma_wait3A_145 : memref<40x128xf32, #tpu.memory_space<vmem>>) dst(%dma_wait3A_141 : memref<40x128xf32, #tpu.memory_space<vmem_shared>>)
    %dma_wait3A_146 = arith.constant 2 : i32
    %dma_wait3A_147 = arith.constant 0 : i32
    %dma_wait3A_148 = arith.constant 0 : i32
    %dma_wait3A_149 = tpu.memref_slice %arg11[%dma_wait3A_146, %dma_wait3A_147, %dma_wait3A_148] : memref<5x40x128xf32, #tpu.memory_space<vmem>> -> memref<1x40x128xf32, #tpu.memory_space<vmem>>
    %dma_wait3A_150 = tpu.memref_squeeze %dma_wait3A_149 : memref<1x40x128xf32, #tpu.memory_space<vmem>> -> memref<40x128xf32, #tpu.memory_space<vmem>>
    %dma_wait3A_151 = arith.constant 0 : i32
    %dma_wait3A_152 = arith.constant 0 : i32
    %dma_wait3A_153 = tpu.memref_slice %arg12[%dma_wait3A_151, %dma_wait3A_152] : memref<10000x128xf32, #tpu.memory_space<vmem_shared>> -> memref<40x128xf32, #tpu.memory_space<vmem_shared>>
    %dma_wait3A_154 = arith.constant 0 : i32
    %dma_wait3A_155 = arith.constant 0 : i32
    %dma_wait3A_156 = tpu.memref_slice %arg12[%dma_wait3A_154, %dma_wait3A_155] : memref<10000x128xf32, #tpu.memory_space<vmem_shared>> -> memref<40x128xf32, #tpu.memory_space<vmem_shared>>
    %dma_wait3A_157 = arith.constant 0 : i32
    %dma_wait3A_158 = arith.constant 0 : i32
    %dma_wait3A_159 = tpu.memref_slice %arg11[%dma_wait3A_146, %dma_wait3A_157, %dma_wait3A_158] : memref<5x40x128xf32, #tpu.memory_space<vmem>> -> memref<1x40x128xf32, #tpu.memory_space<vmem>>
    %dma_wait3A_160 = tpu.memref_squeeze %dma_wait3A_159 : memref<1x40x128xf32, #tpu.memory_space<vmem>> -> memref<40x128xf32, #tpu.memory_space<vmem>>
    tpu.wait_dma2 semaphore(%arg14 : memref<!tpu.dma_semaphore, #tpu.memory_space<semaphore_mem>>) src(%dma_wait3A_160 : memref<40x128xf32, #tpu.memory_space<vmem>>) dst(%dma_wait3A_156 : memref<40x128xf32, #tpu.memory_space<vmem_shared>>)
    %dma_wait3A_161 = arith.constant 3 : i32
    %dma_wait3A_162 = arith.constant 0 : i32
    %dma_wait3A_163 = arith.constant 0 : i32
    %dma_wait3A_164 = tpu.memref_slice %arg11[%dma_wait3A_161, %dma_wait3A_162, %dma_wait3A_163] : memref<5x40x128xf32, #tpu.memory_space<vmem>> -> memref<1x40x128xf32, #tpu.memory_space<vmem>>
    %dma_wait3A_165 = tpu.memref_squeeze %dma_wait3A_164 : memref<1x40x128xf32, #tpu.memory_space<vmem>> -> memref<40x128xf32, #tpu.memory_space<vmem>>
    %dma_wait3A_166 = arith.constant 0 : i32
    %dma_wait3A_167 = arith.constant 0 : i32
    %dma_wait3A_168 = tpu.memref_slice %arg12[%dma_wait3A_166, %dma_wait3A_167] : memref<10000x128xf32, #tpu.memory_space<vmem_shared>> -> memref<40x128xf32, #tpu.memory_space<vmem_shared>>
    %dma_wait3A_169 = arith.constant 0 : i32
    %dma_wait3A_170 = arith.constant 0 : i32
    %dma_wait3A_171 = tpu.memref_slice %arg12[%dma_wait3A_169, %dma_wait3A_170] : memref<10000x128xf32, #tpu.memory_space<vmem_shared>> -> memref<40x128xf32, #tpu.memory_space<vmem_shared>>
    %dma_wait3A_172 = arith.constant 0 : i32
    %dma_wait3A_173 = arith.constant 0 : i32
    %dma_wait3A_174 = tpu.memref_slice %arg11[%dma_wait3A_161, %dma_wait3A_172, %dma_wait3A_173] : memref<5x40x128xf32, #tpu.memory_space<vmem>> -> memref<1x40x128xf32, #tpu.memory_space<vmem>>
    %dma_wait3A_175 = tpu.memref_squeeze %dma_wait3A_174 : memref<1x40x128xf32, #tpu.memory_space<vmem>> -> memref<40x128xf32, #tpu.memory_space<vmem>>
    tpu.wait_dma2 semaphore(%arg14 : memref<!tpu.dma_semaphore, #tpu.memory_space<semaphore_mem>>) src(%dma_wait3A_175 : memref<40x128xf32, #tpu.memory_space<vmem>>) dst(%dma_wait3A_171 : memref<40x128xf32, #tpu.memory_space<vmem_shared>>)
    %dma_wait3A_176 = arith.constant 4 : i32
    %dma_wait3A_177 = arith.constant 0 : i32
    %dma_wait3A_178 = arith.constant 0 : i32
    %dma_wait3A_179 = tpu.memref_slice %arg11[%dma_wait3A_176, %dma_wait3A_177, %dma_wait3A_178] : memref<5x40x128xf32, #tpu.memory_space<vmem>> -> memref<1x40x128xf32, #tpu.memory_space<vmem>>
    %dma_wait3A_180 = tpu.memref_squeeze %dma_wait3A_179 : memref<1x40x128xf32, #tpu.memory_space<vmem>> -> memref<40x128xf32, #tpu.memory_space<vmem>>
    %dma_wait3A_181 = arith.constant 0 : i32
    %dma_wait3A_182 = arith.constant 0 : i32
    %dma_wait3A_183 = tpu.memref_slice %arg12[%dma_wait3A_181, %dma_wait3A_182] : memref<10000x128xf32, #tpu.memory_space<vmem_shared>> -> memref<40x128xf32, #tpu.memory_space<vmem_shared>>
    %dma_wait3A_184 = arith.constant 0 : i32
    %dma_wait3A_185 = arith.constant 0 : i32
    %dma_wait3A_186 = tpu.memref_slice %arg12[%dma_wait3A_184, %dma_wait3A_185] : memref<10000x128xf32, #tpu.memory_space<vmem_shared>> -> memref<40x128xf32, #tpu.memory_space<vmem_shared>>
    %dma_wait3A_187 = arith.constant 0 : i32
    %dma_wait3A_188 = arith.constant 0 : i32
    %dma_wait3A_189 = tpu.memref_slice %arg11[%dma_wait3A_176, %dma_wait3A_187, %dma_wait3A_188] : memref<5x40x128xf32, #tpu.memory_space<vmem>> -> memref<1x40x128xf32, #tpu.memory_space<vmem>>
    %dma_wait3A_190 = tpu.memref_squeeze %dma_wait3A_189 : memref<1x40x128xf32, #tpu.memory_space<vmem>> -> memref<40x128xf32, #tpu.memory_space<vmem>>
    tpu.wait_dma2 semaphore(%arg14 : memref<!tpu.dma_semaphore, #tpu.memory_space<semaphore_mem>>) src(%dma_wait3A_190 : memref<40x128xf32, #tpu.memory_space<vmem>>) dst(%dma_wait3A_186 : memref<40x128xf32, #tpu.memory_space<vmem_shared>>)
    %barrier3A_191 = arith.constant 0 : index
    tpu.barrier barrier_id(%barrier3A_191)
    %mul3A_192 = arith.constant 2 : i32
    %mul3A_193 = arith.muli %arg0, %mul3A_192 : i32
    %add3A_194 = arith.constant 1 : i32
    %add3A_195 = arith.addi %mul3A_193, %add3A_194 : i32
    %mul3A_196 = arith.constant 10000 : i32
    %mul3A_197 = arith.muli %add3A_195, %mul3A_196 : i32
    %mul3A_198 = arith.constant 624 : i32
    %mul3A_199 = arith.muli %arg1, %mul3A_198 : i32
    %add3A_200 = arith.addi %mul3A_197, %mul3A_199 : i32
    "tpu.region"() ({
      %run_scoped3A = tpu.sem_alloc : memref<!tpu.dma_semaphore, #tpu.memory_space<semaphore_mem>>
      %dma_start3A = arith.constant 0 : i32
      %dma_start3A_207 = tpu.memref_slice %arg5[%add3A_200, %dma_start3A] : memref<40000x128xf32, #tpu.memory_space<hbm>> -> memref<624x128xf32, #tpu.memory_space<hbm>>
      %dma_start3A_208 = arith.constant 0 : i32
      %dma_start3A_209 = tpu.memref_slice %arg12[%mul3A_199, %dma_start3A_208] : memref<10000x128xf32, #tpu.memory_space<vmem_shared>> -> memref<624x128xf32, #tpu.memory_space<vmem_shared>>
      tpu.enqueue_dma source(%dma_start3A_209 : memref<624x128xf32, #tpu.memory_space<vmem_shared>>) target(%dma_start3A_207 : memref<624x128xf32, #tpu.memory_space<hbm>>) target_semaphore(%run_scoped3A : memref<!tpu.dma_semaphore, #tpu.memory_space<semaphore_mem>>)
      %dma_wait3A_210 = arith.constant 0 : i32
      %dma_wait3A_211 = tpu.memref_slice %arg5[%add3A_200, %dma_wait3A_210] : memref<40000x128xf32, #tpu.memory_space<hbm>> -> memref<624x128xf32, #tpu.memory_space<hbm>>
      %dma_wait3A_212 = arith.constant 0 : i32
      %dma_wait3A_213 = tpu.memref_slice %arg12[%mul3A_199, %dma_wait3A_212] : memref<10000x128xf32, #tpu.memory_space<vmem_shared>> -> memref<624x128xf32, #tpu.memory_space<vmem_shared>>
      tpu.wait_dma2 semaphore(%run_scoped3A : memref<!tpu.dma_semaphore, #tpu.memory_space<semaphore_mem>>) src(%dma_wait3A_213 : memref<624x128xf32, #tpu.memory_space<vmem_shared>>) dst(%dma_wait3A_211 : memref<624x128xf32, #tpu.memory_space<hbm>>)
      tpu.yield
    }) : () -> ()
    %eq3A_201 = arith.constant 15 : i32
    %eq3A_202 = arith.cmpi eq, %arg1, %eq3A_201 : i32
    %convert_element_type3A_203 = arith.extui %eq3A_202 : i1 to i32
    %cond3A_204 = arith.constant 0 : i32
    %cond3A_205 = arith.cmpi ne, %convert_element_type3A_203, %cond3A_204 : i32
    scf.if %cond3A_205 {
      %add3A_207 = arith.constant 9984 : i32
      %add3A_208 = arith.addi %mul3A_197, %add3A_207 : i32
      "tpu.region"() ({
        %run_scoped3A = tpu.sem_alloc : memref<!tpu.dma_semaphore, #tpu.memory_space<semaphore_mem>>
        %dma_start3A = arith.constant 0 : i32
        %dma_start3A_209 = tpu.memref_slice %arg5[%add3A_208, %dma_start3A] : memref<40000x128xf32, #tpu.memory_space<hbm>> -> memref<16x128xf32, #tpu.memory_space<hbm>>
        %dma_start3A_210 = arith.constant 9984 : i32
        %dma_start3A_211 = arith.constant 0 : i32
        %dma_start3A_212 = tpu.memref_slice %arg12[%dma_start3A_210, %dma_start3A_211] : memref<10000x128xf32, #tpu.memory_space<vmem_shared>> -> memref<16x128xf32, #tpu.memory_space<vmem_shared>>
        tpu.enqueue_dma source(%dma_start3A_212 : memref<16x128xf32, #tpu.memory_space<vmem_shared>>) target(%dma_start3A_209 : memref<16x128xf32, #tpu.memory_space<hbm>>) target_semaphore(%run_scoped3A : memref<!tpu.dma_semaphore, #tpu.memory_space<semaphore_mem>>)
        %dma_wait3A_213 = arith.constant 0 : i32
        %dma_wait3A_214 = tpu.memref_slice %arg5[%add3A_208, %dma_wait3A_213] : memref<40000x128xf32, #tpu.memory_space<hbm>> -> memref<16x128xf32, #tpu.memory_space<hbm>>
        %dma_wait3A_215 = arith.constant 9984 : i32
        %dma_wait3A_216 = arith.constant 0 : i32
        %dma_wait3A_217 = tpu.memref_slice %arg12[%dma_wait3A_215, %dma_wait3A_216] : memref<10000x128xf32, #tpu.memory_space<vmem_shared>> -> memref<16x128xf32, #tpu.memory_space<vmem_shared>>
        tpu.wait_dma2 semaphore(%run_scoped3A : memref<!tpu.dma_semaphore, #tpu.memory_space<semaphore_mem>>) src(%dma_wait3A_217 : memref<16x128xf32, #tpu.memory_space<vmem_shared>>) dst(%dma_wait3A_214 : memref<16x128xf32, #tpu.memory_space<hbm>>)
        tpu.yield
      }) : () -> ()
    } else {
    }
    %barrier3A_206 = arith.constant 0 : index
    tpu.barrier barrier_id(%barrier3A_206)
    return
  }
}

module attributes {stable_mosaic.version = 14 : i64} {
  func.func @_proj_body(%arg0: i32, %arg1: memref<1000x128xf32, #tpu.memory_space<vmem>>, %arg2: memref<128x384xf32, #tpu.memory_space<vmem>>, %arg3: memref<1x384xf32, #tpu.memory_space<vmem>>, %arg4: memref<1000x128xf32, #tpu.memory_space<vmem>>, %arg5: memref<1000x256xf32, #tpu.memory_space<vmem>>) attributes {dimension_semantics = [#tpu.dimension_semantics<arbitrary>], iteration_bounds = array<i64: 10>, scalar_prefetch = 0 : i64, scratch_operands = 0 : i64, tpu.core_type = #tpu.core_type<tc>, window_params = [{transform_indices = @transform_0, window_bounds = array<i64: 1000, 128>}, {pipeline_mode = #tpu.pipeline_mode<synchronous>, transform_indices = @transform_1, window_bounds = array<i64: 128, 384>}, {pipeline_mode = #tpu.pipeline_mode<synchronous>, transform_indices = @transform_2, window_bounds = array<i64: 1, 384>}, {transform_indices = @transform_3, window_bounds = array<i64: 1000, 128>}, {transform_indices = @transform_4, window_bounds = array<i64: 1000, 256>}]} {
    %get3A = arith.constant 0 : index
    %get3A_0 = arith.constant 0 : index
    %get3A_1 = vector.load %arg1[%get3A, %get3A_0] : memref<1000x128xf32, #tpu.memory_space<vmem>>, vector<1000x128xf32>
    %get3A_2 = arith.constant 0 : index
    %get3A_3 = arith.constant 0 : index
    %get3A_4 = vector.load %arg2[%get3A_2, %get3A_3] : memref<128x384xf32, #tpu.memory_space<vmem>>, vector<128x384xf32>
    %dot_general3A = arith.constant dense<0.000000e+00> : vector<1000x384xf32>
    %dot_general3A_5 = tpu.matmul %get3A_1, %get3A_4, %dot_general3A {dimension_numbers = #tpu.dot_dimension_numbers<[1], [0], [0], [1], [0, 0, 1, 1], [], []>, transpose_lhs_hint = false} : vector<1000x128xf32>, vector<128x384xf32>, vector<1000x384xf32> -> vector<1000x384xf32>
    %get3A_6 = arith.constant 0 : index
    %get3A_7 = arith.constant 0 : index
    %get3A_8 = vector.load %arg3[%get3A_6, %get3A_7] : memref<1x384xf32, #tpu.memory_space<vmem>>, vector<1x384xf32>
    %add3A = vector.broadcast %get3A_8 : vector<1x384xf32> to vector<1000x384xf32>
    %add3A_9 = arith.addf %dot_general3A_5, %add3A : vector<1000x384xf32>
    %slice3A = vector.extract_strided_slice %add3A_9 {offsets = [0, 0], sizes = [1000, 128], strides = [1, 1]} : vector<1000x384xf32> to vector<1000x128xf32>
    %swap3A = arith.constant 0 : index
    %swap3A_10 = arith.constant 0 : index
    %swap3A_11 = vector.load %arg4[%swap3A, %swap3A_10] : memref<1000x128xf32, #tpu.memory_space<vmem>>, vector<1000x128xf32>
    tpu.vector_store %arg4[%swap3A, %swap3A_10], %slice3A {strides = array<i32>} : memref<1000x128xf32, #tpu.memory_space<vmem>>, vector<1000x128xf32>,
    %slice3A_12 = vector.extract_strided_slice %add3A_9 {offsets = [0, 128], sizes = [1000, 256], strides = [1, 1]} : vector<1000x384xf32> to vector<1000x256xf32>
    %swap3A_13 = arith.constant 0 : index
    %swap3A_14 = arith.constant 0 : index
    %swap3A_15 = vector.load %arg5[%swap3A_13, %swap3A_14] : memref<1000x256xf32, #tpu.memory_space<vmem>>, vector<1000x256xf32>
    tpu.vector_store %arg5[%swap3A_13, %swap3A_14], %slice3A_12 {strides = array<i32>} : memref<1000x256xf32, #tpu.memory_space<vmem>>, vector<1000x256xf32>,
    return
  }
  func.func @transform_0(%arg0: i32) -> (i32, i32) {
    %c0_i32 = arith.constant 0 : i32
    %c0_i32_0 = arith.constant 0 : i32
    return %arg0, %c0_i32 : i32, i32
  }
  func.func @transform_1(%arg0: i32) -> (i32, i32) {
    %c0_i32 = arith.constant 0 : i32
    %c0_i32_0 = arith.constant 0 : i32
    %c0_i32_1 = arith.constant 0 : i32
    return %c0_i32, %c0_i32_0 : i32, i32
  }
  func.func @transform_2(%arg0: i32) -> (i32, i32) {
    %c0_i32 = arith.constant 0 : i32
    %c0_i32_0 = arith.constant 0 : i32
    %c0_i32_1 = arith.constant 0 : i32
    return %c0_i32, %c0_i32_0 : i32, i32
  }
  func.func @transform_3(%arg0: i32) -> (i32, i32) {
    %c0_i32 = arith.constant 0 : i32
    %c0_i32_0 = arith.constant 0 : i32
    return %arg0, %c0_i32 : i32, i32
  }
  func.func @transform_4(%arg0: i32) -> (i32, i32) {
    %c0_i32 = arith.constant 0 : i32
    %c0_i32_0 = arith.constant 0 : i32
    return %arg0, %c0_i32 : i32, i32
  }
}

module attributes {stable_mosaic.version = 14 : i64} {
  func.func @_edge_body(%arg0: i32, %arg1: memref<2000x128xf32, #tpu.memory_space<vmem>>, %arg2: memref<2000x256xf32, #tpu.memory_space<vmem>>, %arg3: memref<2000x128xf32, #tpu.memory_space<vmem>>, %arg4: memref<128x256xf32, #tpu.memory_space<vmem>>, %arg5: memref<1x256xf32, #tpu.memory_space<vmem>>, %arg6: memref<2000x256xf32, #tpu.memory_space<vmem>>) attributes {dimension_semantics = [#tpu.dimension_semantics<arbitrary>], iteration_bounds = array<i64: 160>, scalar_prefetch = 0 : i64, scratch_operands = 0 : i64, tpu.core_type = #tpu.core_type<tc>, window_params = [{transform_indices = @transform_0, window_bounds = array<i64: 2000, 128>}, {transform_indices = @transform_1, window_bounds = array<i64: 2000, 256>}, {transform_indices = @transform_2, window_bounds = array<i64: 2000, 128>}, {pipeline_mode = #tpu.pipeline_mode<synchronous>, transform_indices = @transform_3, window_bounds = array<i64: 128, 256>}, {pipeline_mode = #tpu.pipeline_mode<synchronous>, transform_indices = @transform_4, window_bounds = array<i64: 1, 256>}, {transform_indices = @transform_5, window_bounds = array<i64: 2000, 256>}]} {
    %get3A = arith.constant 0 : index
    %get3A_0 = arith.constant 0 : index
    %get3A_1 = vector.load %arg1[%get3A, %get3A_0] : memref<2000x128xf32, #tpu.memory_space<vmem>>, vector<2000x128xf32>
    %get3A_2 = arith.constant 0 : index
    %get3A_3 = arith.constant 0 : index
    %get3A_4 = vector.load %arg2[%get3A_2, %get3A_3] : memref<2000x256xf32, #tpu.memory_space<vmem>>, vector<2000x256xf32>
    %get3A_5 = arith.constant 0 : index
    %get3A_6 = arith.constant 0 : index
    %get3A_7 = vector.load %arg3[%get3A_5, %get3A_6] : memref<2000x128xf32, #tpu.memory_space<vmem>>, vector<2000x128xf32>
    %get3A_8 = arith.constant 0 : index
    %get3A_9 = arith.constant 0 : index
    %get3A_10 = vector.load %arg4[%get3A_8, %get3A_9] : memref<128x256xf32, #tpu.memory_space<vmem>>, vector<128x256xf32>
    %dot_general3A = arith.constant dense<0.000000e+00> : vector<2000x256xf32>
    %dot_general3A_11 = tpu.matmul %get3A_7, %get3A_10, %dot_general3A {dimension_numbers = #tpu.dot_dimension_numbers<[1], [0], [0], [1], [0, 0, 1, 1], [], []>, transpose_lhs_hint = false} : vector<2000x128xf32>, vector<128x256xf32>, vector<2000x256xf32> -> vector<2000x256xf32>
    %get3A_12 = arith.constant 0 : index
    %get3A_13 = arith.constant 0 : index
    %get3A_14 = vector.load %arg5[%get3A_12, %get3A_13] : memref<1x256xf32, #tpu.memory_space<vmem>>, vector<1x256xf32>
    %add3A = vector.broadcast %get3A_14 : vector<1x256xf32> to vector<2000x256xf32>
    %add3A_15 = arith.addf %dot_general3A_11, %add3A : vector<2000x256xf32>
    %slice3A = vector.extract_strided_slice %get3A_4 {offsets = [0, 0], sizes = [2000, 128], strides = [1, 1]} : vector<2000x256xf32> to vector<2000x128xf32>
    %slice3A_16 = vector.extract_strided_slice %add3A_15 {offsets = [0, 0], sizes = [2000, 128], strides = [1, 1]} : vector<2000x256xf32> to vector<2000x128xf32>
    %add3A_17 = arith.addf %slice3A, %slice3A_16 : vector<2000x128xf32>
    %slice3A_18 = vector.extract_strided_slice %get3A_4 {offsets = [0, 128], sizes = [2000, 128], strides = [1, 1]} : vector<2000x256xf32> to vector<2000x128xf32>
    %slice3A_19 = vector.extract_strided_slice %add3A_15 {offsets = [0, 128], sizes = [2000, 128], strides = [1, 1]} : vector<2000x256xf32> to vector<2000x128xf32>
    %add3A_20 = arith.addf %slice3A_18, %slice3A_19 : vector<2000x128xf32>
    %mul3A = arith.mulf %get3A_1, %add3A_17 : vector<2000x128xf32>
    %iota3A = tpu.iota {dimensions = array<i32: 0>} : vector<128x8xi32>
    %iota3A_21 = tpu.iota {dimensions = array<i32: 1>} : vector<128x8xi32>
    %jit3A = arith.constant 16 : i32
    %div3A = vector.broadcast %jit3A : i32 to vector<128x8xi32>
    %div3A_22 = arith.divsi %iota3A, %div3A : vector<128x8xi32>
    %sign3A = arith.constant 0 : i32
    %sign3A_23 = vector.broadcast %sign3A : i32 to vector<128x8xi32>
    %sign3A_24 = arith.cmpi sgt, %iota3A, %sign3A_23 : vector<128x8xi32>
    %sign3A_25 = arith.extui %sign3A_24 : vector<128x8xi1> to vector<128x8xi32>
    %sign3A_26 = arith.constant 0 : i32
    %sign3A_27 = vector.broadcast %sign3A_26 : i32 to vector<128x8xi32>
    %sign3A_28 = arith.cmpi slt, %iota3A, %sign3A_27 : vector<128x8xi32>
    %sign3A_29 = arith.extui %sign3A_28 : vector<128x8xi1> to vector<128x8xi32>
    %sign3A_30 = arith.subi %sign3A_25, %sign3A_29 : vector<128x8xi32>
    %sign3A_31 = arith.constant 0 : i32
    %sign3A_32 = arith.cmpi sgt, %jit3A, %sign3A_31 : i32
    %sign3A_33 = arith.extui %sign3A_32 : i1 to i32
    %sign3A_34 = arith.constant 0 : i32
    %sign3A_35 = arith.cmpi slt, %jit3A, %sign3A_34 : i32
    %sign3A_36 = arith.extui %sign3A_35 : i1 to i32
    %sign3A_37 = arith.subi %sign3A_33, %sign3A_36 : i32
    %ne3A = vector.broadcast %sign3A_37 : i32 to vector<128x8xi32>
    %ne3A_38 = arith.cmpi ne, %sign3A_30, %ne3A : vector<128x8xi32>
    %rem3A = vector.broadcast %jit3A : i32 to vector<128x8xi32>
    %rem3A_39 = arith.remsi %iota3A, %rem3A : vector<128x8xi32>
    %ne3A_40 = arith.constant 0 : i32
    %ne3A_41 = vector.broadcast %ne3A_40 : i32 to vector<128x8xi32>
    %ne3A_42 = arith.cmpi ne, %rem3A_39, %ne3A_41 : vector<128x8xi32>
    %and3A = arith.andi %ne3A_38, %ne3A_42 : vector<128x8xi1>
    %sub3A = arith.constant 1 : i32
    %sub3A_43 = vector.broadcast %sub3A : i32 to vector<128x8xi32>
    %sub3A_44 = arith.subi %div3A_22, %sub3A_43 : vector<128x8xi32>
    %select_n3A = arith.select %and3A, %sub3A_44, %div3A_22 : vector<128x8xi1>, vector<128x8xi32>
    %eq3A = arith.cmpi eq, %select_n3A, %iota3A_21 : vector<128x8xi32>
    %convert_element_type3A = arith.extui %eq3A : vector<128x8xi1> to vector<128x8xi32>
    %convert_element_type3A_45 = arith.sitofp %convert_element_type3A : vector<128x8xi32> to vector<128x8xf32>
    %dot_general3A_46 = arith.constant dense<0.000000e+00> : vector<2000x8xf32>
    %dot_general3A_47 = tpu.matmul %mul3A, %convert_element_type3A_45, %dot_general3A_46 {dimension_numbers = #tpu.dot_dimension_numbers<[1], [0], [0], [1], [0, 0, 1, 1], [], []>, transpose_lhs_hint = false} : vector<2000x128xf32>, vector<128x8xf32>, vector<2000x8xf32> -> vector<2000x8xf32>
    %mul3A_48 = arith.constant 2.500000e-01 : f32
    %mul3A_49 = vector.broadcast %mul3A_48 : f32 to vector<2000x8xf32>
    %mul3A_50 = arith.mulf %dot_general3A_47, %mul3A_49 : vector<2000x8xf32>
    %exp3A = math.exp %mul3A_50 : vector<2000x8xf32>
    %transpose3A = tpu.transpose %convert_element_type3A_45, [1, 0] : vector<128x8xf32> -> vector<8x128xf32>
    %dot_general3A_51 = arith.constant dense<0.000000e+00> : vector<2000x128xf32>
    %dot_general3A_52 = tpu.matmul %exp3A, %transpose3A, %dot_general3A_51 {dimension_numbers = #tpu.dot_dimension_numbers<[1], [0], [0], [1], [0, 0, 1, 1], [], []>, transpose_lhs_hint = false} : vector<2000x8xf32>, vector<8x128xf32>, vector<2000x128xf32> -> vector<2000x128xf32>
    %mul3A_53 = arith.mulf %dot_general3A_52, %add3A_20 : vector<2000x128xf32>
    %concatenate3A = tpu.concatenate %mul3A_53, %dot_general3A_52 in 1 : vector<2000x128xf32>, vector<2000x128xf32> -> vector<2000x256xf32>
    %swap3A = arith.constant 0 : index
    %swap3A_54 = arith.constant 0 : index
    %swap3A_55 = vector.load %arg6[%swap3A, %swap3A_54] : memref<2000x256xf32, #tpu.memory_space<vmem>>, vector<2000x256xf32>
    tpu.vector_store %arg6[%swap3A, %swap3A_54], %concatenate3A {strides = array<i32>} : memref<2000x256xf32, #tpu.memory_space<vmem>>, vector<2000x256xf32>,
    return
  }
  func.func @transform_0(%arg0: i32) -> (i32, i32) {
    %c0_i32 = arith.constant 0 : i32
    %c0_i32_0 = arith.constant 0 : i32
    return %arg0, %c0_i32 : i32, i32
  }
  func.func @transform_1(%arg0: i32) -> (i32, i32) {
    %c0_i32 = arith.constant 0 : i32
    %c0_i32_0 = arith.constant 0 : i32
    return %arg0, %c0_i32 : i32, i32
  }
  func.func @transform_2(%arg0: i32) -> (i32, i32) {
    %c0_i32 = arith.constant 0 : i32
    %c0_i32_0 = arith.constant 0 : i32
    return %arg0, %c0_i32 : i32, i32
  }
  func.func @transform_3(%arg0: i32) -> (i32, i32) {
    %c0_i32 = arith.constant 0 : i32
    %c0_i32_0 = arith.constant 0 : i32
    %c0_i32_1 = arith.constant 0 : i32
    return %c0_i32, %c0_i32_0 : i32, i32
  }
  func.func @transform_4(%arg0: i32) -> (i32, i32) {
    %c0_i32 = arith.constant 0 : i32
    %c0_i32_0 = arith.constant 0 : i32
    %c0_i32_1 = arith.constant 0 : i32
    return %c0_i32, %c0_i32_0 : i32, i32
  }
  func.func @transform_5(%arg0: i32) -> (i32, i32) {
    %c0_i32 = arith.constant 0 : i32
    %c0_i32_0 = arith.constant 0 : i32
    return %arg0, %c0_i32 : i32, i32
  }
}

module attributes {stable_mosaic.version = 14 : i64} {
  func.func @_final_body(%arg0: i32, %arg1: memref<2x2x1000x128xf32, #tpu.memory_space<vmem>>, %arg2: memref<1000x128xf32, #tpu.memory_space<vmem>>) attributes {dimension_semantics = [#tpu.dimension_semantics<arbitrary>], iteration_bounds = array<i64: 10>, scalar_prefetch = 0 : i64, scratch_operands = 0 : i64, tpu.core_type = #tpu.core_type<tc>, window_params = [{transform_indices = @transform_0, window_bounds = array<i64: 2, 2, 1000, 128>}, {transform_indices = @transform_1, window_bounds = array<i64: 1000, 128>}]} {
    %get3A = arith.constant 0 : index
    %get3A_0 = arith.constant 0 : index
    %get3A_1 = arith.constant 0 : index
    %get3A_2 = arith.constant 0 : index
    %get3A_3 = vector.load %arg1[%get3A, %get3A_0, %get3A_1, %get3A_2] : memref<2x2x1000x128xf32, #tpu.memory_space<vmem>>, vector<1x1x1000x128xf32>
    %get3A_4 = vector.shape_cast %get3A_3 : vector<1x1x1000x128xf32> to vector<1000x128xf32>
    %get3A_5 = arith.constant 1 : index
    %get3A_6 = arith.constant 0 : index
    %get3A_7 = arith.constant 0 : index
    %get3A_8 = arith.constant 0 : index
    %get3A_9 = vector.load %arg1[%get3A_5, %get3A_6, %get3A_7, %get3A_8] : memref<2x2x1000x128xf32, #tpu.memory_space<vmem>>, vector<1x1x1000x128xf32>
    %get3A_10 = vector.shape_cast %get3A_9 : vector<1x1x1000x128xf32> to vector<1000x128xf32>
    %add3A = arith.addf %get3A_4, %get3A_10 : vector<1000x128xf32>
    %get3A_11 = arith.constant 0 : index
    %get3A_12 = arith.constant 1 : index
    %get3A_13 = arith.constant 0 : index
    %get3A_14 = arith.constant 0 : index
    %get3A_15 = vector.load %arg1[%get3A_11, %get3A_12, %get3A_13, %get3A_14] : memref<2x2x1000x128xf32, #tpu.memory_space<vmem>>, vector<1x1x1000x128xf32>
    %get3A_16 = vector.shape_cast %get3A_15 : vector<1x1x1000x128xf32> to vector<1000x128xf32>
    %get3A_17 = arith.constant 1 : index
    %get3A_18 = arith.constant 1 : index
    %get3A_19 = arith.constant 0 : index
    %get3A_20 = arith.constant 0 : index
    %get3A_21 = vector.load %arg1[%get3A_17, %get3A_18, %get3A_19, %get3A_20] : memref<2x2x1000x128xf32, #tpu.memory_space<vmem>>, vector<1x1x1000x128xf32>
    %get3A_22 = vector.shape_cast %get3A_21 : vector<1x1x1000x128xf32> to vector<1000x128xf32>
    %add3A_23 = arith.addf %get3A_16, %get3A_22 : vector<1000x128xf32>
    %gt3A = arith.constant 0.000000e+00 : f32
    %gt3A_24 = vector.broadcast %gt3A : f32 to vector<1000x128xf32>
    %gt3A_25 = arith.cmpf ogt, %add3A_23, %gt3A_24 : vector<1000x128xf32>
    %div3A = arith.divf %add3A, %add3A_23 : vector<1000x128xf32>
    %jit3A = arith.constant 0.000000e+00 : f32
    %broadcast_in_dim3A = vector.broadcast %jit3A : f32 to vector<1000x128xf32>
    %select_n3A = arith.select %gt3A_25, %div3A, %broadcast_in_dim3A : vector<1000x128xi1>, vector<1000x128xf32>
    %swap3A = arith.constant 0 : index
    %swap3A_26 = arith.constant 0 : index
    %swap3A_27 = vector.load %arg2[%swap3A, %swap3A_26] : memref<1000x128xf32, #tpu.memory_space<vmem>>, vector<1000x128xf32>
    tpu.vector_store %arg2[%swap3A, %swap3A_26], %select_n3A {strides = array<i32>} : memref<1000x128xf32, #tpu.memory_space<vmem>>, vector<1000x128xf32>,
    return
  }
  func.func @transform_0(%arg0: i32) -> (i32, i32, i32, i32) {
    %c0_i32 = arith.constant 0 : i32
    %c0_i32_0 = arith.constant 0 : i32
    %c0_i32_1 = arith.constant 0 : i32
    %c0_i32_2 = arith.constant 0 : i32
    return %c0_i32, %c0_i32_0, %arg0, %c0_i32_1 : i32, i32, i32, i32
  }
  func.func @transform_1(%arg0: i32) -> (i32, i32) {
    %c0_i32 = arith.constant 0 : i32
    %c0_i32_0 = arith.constant 0 : i32
    return %arg0, %c0_i32 : i32, i32
  }
}

</mosaic_0001>

<sc_bundles>
// kernel: kernel.10.cloned.1.call-start
scs
__scs_entry_jumppad:
0x0: {  	(pc) =	sbr.rel $0x88, $3  }
0x1: {  	(tag) =	ssettag $0x0;
	lr =	simm.s32 $0x1  }
0x2: {  	[smem:$0x3F95] =	sst lr;
	_ =	strace $0xD0000000  }
0x3: {  	_ = 	snop  }
0x4: {  	_ = 	snop  }
0x5: {  	_ = 	snop  }
0x6: {  	_ = 	snop  }
0x7: {  	_ = 	snop  }
__scs_overlays_trampoline_lowered:
0x8: {  	[smem:$0x3FA4] =	sst s0  }
0x9: {  	[smem:$0x3FA5] =	sst s1  }
0xa: {  	[smem:$0x3FA6] =	sst s2  }
0xb: {  	[smem:$0x3FA7] =	sst s3  }
0xc: {  	[smem:$0x3FA8] =	sst s4  }
0xd: {  	[smem:$0x3FA9] =	sst s5  }
0xe: {  	[smem:$0x3FAA] =	sst s6  }
0xf: {  	[smem:$0x3FAB] =	sst s7  }
0x10: {  	[smem:$0x3FAC] =	sst s8  }
0x11: {  	[smem:$0x3FAD] =	sst s9;
	s0 =	simm.s32 @!p0 $0x0  }
0x12: {  	s1 =	sld [smem:$0x3F93];
	s0 =	simm.s32 @p0 $0x1  }
0x13: {  	[smem:$0x3FAE] =	sst s0;
	s0 =	simm.s32 @!p1 $0x0  }
0x14: {  	s2 =	sld [smem:$0x3F92];
	s0 =	simm.s32 @p1 $0x1  }
0x15: {  	[smem:$0x3FAF] =	sst s0;
	s0 =	simm.s32 @!p2 $0x0  }
0x16: {  	s3 =	sld [smem:$0x3FDB];
	s0 =	simm.s32 @p2 $0x1  }
0x17: {  	s4 =	simm.s32 $0x1BF5;
	[smem:$0x3FB1] =	sst s0  }
0x18: {  	s0 =	sld [smem:$0x3F94];
	_ =	swait.ge [sflag:s4], $0x0  }
0x19: {  	s7 =	sld [smem:$0x3F95]  }
0x1a: {  	s8 =	sadd.s32 $0xFFFFE003, lr  }
0x1b: {  	s9 =	sadd.s32 $0xFFFFFEF7, lr;
	s5 =	simm.s32 $0xFFFFFFFF;
	p2 =	slt.u32 s8, $0xFFFFF086  }
0x1c: {  	p1 =	slt.u32 s9, $0xF7A;
	s5 =	simm.s32 @!p2 $0x0  }
0x1d: {  	s5 =	simm.s32 @p1 $0x1;
	p0 =	seq.s32 s7, s2  }
0x1e: {  	s7 =	smul.u32 @!p0 $0xF7A, s2;
	p2 =	seq.s32 @!p0 s5, $0x0  }
0x1f: {  	s9 =	smul.u32 $0xF7A, s1;
	s8 =	simm.s32 @!p0 $0x1BF5;
	p2 =	por !p2, p0  }
0x20: {  	[sflag:s8] =	ssyncset.s32 @!p0 $0xFFFFF086;
	s6 =	sadd.s32 @!p0 s3, s7;
	s7 =	simm.s32 @!p0 $0x108  }
0x21: {  	s3 =	sadd.s32 s3, s9;
	s6 =	sadd.s32 @!p0 $0x88, s6;
	s7 =	simm.s32 @p2 $0x1082  }
0x22: {  	[simem:s7], [sflag:s8] =	dma.local @!p0 [hbm:s6], $0xF7A  }
0x23: {  	s9 =	sor.u32 $0xD0000000, s2;
	s6 =	simm.s32 $0x108;
	_ =	swait.ge @!p0 [sflag:s8], $0x0  }
0x24: {  	s3 =	sadd.s32 $0x88, s3;
	s6 =	simm.s32 @!p1 $0x1082;
	[sflag:s4] =	ssyncset.s32 $0xFFFFF086  }
0x25: {  	[simem:s6], [sflag:s4] =	dma.local [hbm:s3], $0xF7A  }
0x26: {  	[smem:$0x3F95] =	sst s1;
	(tag) =	ssettag s2;
	_ =	strace s9  }
0x27: {  	s1 =	sld [smem:$0x3FA5]  }
0x28: {  	s2 =	sld [smem:$0x3FA6]  }
0x29: {  	s4 =	sld [smem:$0x3FA8]  }
0x2a: {  	p0 =	seq.s32 s5, $0x0;
	s5 =	sld [smem:$0x3FA9]  }
0x2b: {  	s6 =	sld [smem:$0x3FAA]  }
0x2c: {  	s7 =	sld [smem:$0x3FAB]  }
0x2d: {  	s3 =	simm.s32 $0x108;
	s8 =	sld [smem:$0x3FAC]  }
0x2e: {  	s3 =	simm.s32 @!p0 $0x1082;
	s9 =	sld [smem:$0x3FAD]  }
0x2f: {  	lr =	sadd.s32 s0, s3;
	s0 =	sld [smem:$0x3FA4]  }
0x30: {  	s3 =	sld [smem:$0x3FA7]  }
0x31: {  	[smem:$0x3FB0] =	sst s10  }
0x32: {  	s10 =	sld [smem:$0x3FAE];
	_ =	sdelay $0x3  }
0x33: {  	p0 =	seq.s32 s10, $0x1;
	s10 =	sld [smem:$0x3FB0];
	_ =	sdelay $0x3  }
0x34: {  	[smem:$0x3FB0] =	sst s10  }
0x35: {  	s10 =	sld [smem:$0x3FAF];
	_ =	sdelay $0x3  }
0x36: {  	p1 =	seq.s32 s10, $0x1;
	s10 =	sld [smem:$0x3FB0];
	_ =	sdelay $0x3  }
0x37: {  	[smem:$0x3FB0] =	sst s10  }
0x38: {  	s10 =	sld [smem:$0x3FB1]  }
0x39: {  	_ = 	snop;
	(pc) =	sbr.ind lr, $3  }
0x3a: {  	_ = 	snop  }
0x3b: {  	_ = 	snop  }
0x3c: {  	p2 =	seq.s32 s10, $0x1;
	s10 =	sld [smem:$0x3FB0]  }
0x3d: {  	_ =	shalt  }
0x3e: {  	_ =	shalt  }
0x3f: {  	_ =	shalt  }
0x40: {  	_ =	shalt  }
0x41: {  	_ =	shalt  }
0x42: {  	_ =	shalt  }
0x43: {  	_ =	shalt  }
0x44: {  	_ =	shalt  }
0x45: {  	_ =	shalt  }
0x46: {  	_ =	shalt  }
0x47: {  	_ =	shalt  }
0x48: {  	_ =	shalt  }
0x49: {  	_ =	shalt  }
0x4a: {  	_ =	shalt  }
0x4b: {  	_ =	shalt  }
0x4c: {  	_ =	shalt  }
0x4d: {  	_ =	shalt  }
0x4e: {  	_ =	shalt  }
0x4f: {  	_ =	shalt  }
0x50: {  	_ =	shalt  }
0x51: {  	_ =	shalt  }
0x52: {  	_ =	shalt  }
0x53: {  	_ =	shalt  }
0x54: {  	_ =	shalt  }
0x55: {  	_ =	shalt  }
0x56: {  	_ =	shalt  }
0x57: {  	_ =	shalt  }
0x58: {  	_ =	shalt  }
0x59: {  	_ =	shalt  }
0x5a: {  	_ =	shalt  }
0x5b: {  	_ =	shalt  }
0x5c: {  	_ =	shalt  }
0x5d: {  	_ =	shalt  }
0x5e: {  	_ =	shalt  }
0x5f: {  	_ =	shalt  }
0x60: {  	_ =	shalt  }
0x61: {  	_ =	shalt  }
0x62: {  	_ =	shalt  }
0x63: {  	_ =	shalt  }
0x64: {  	_ =	shalt  }
0x65: {  	_ =	shalt  }
0x66: {  	_ =	shalt  }
0x67: {  	_ =	shalt  }
0x68: {  	_ =	shalt  }
0x69: {  	_ =	shalt  }
0x6a: {  	_ =	shalt  }
0x6b: {  	_ =	shalt  }
0x6c: {  	_ =	shalt  }
0x6d: {  	_ =	shalt  }
0x6e: {  	_ =	shalt  }
0x6f: {  	_ =	shalt  }
0x70: {  	_ =	shalt  }
0x71: {  	_ =	shalt  }
0x72: {  	_ =	shalt  }
0x73: {  	_ =	shalt  }
0x74: {  	_ =	shalt  }
0x75: {  	_ =	shalt  }
0x76: {  	_ =	shalt  }
0x77: {  	_ =	shalt  }
0x78: {  	_ =	shalt  }
0x79: {  	_ =	shalt  }
0x7a: {  	_ =	shalt  }
0x7b: {  	_ =	shalt  }
0x7c: {  	_ =	shalt  }
0x7d: {  	_ =	shalt  }
0x7e: {  	_ =	shalt  }
0x7f: {  	_ =	shalt  }
0x80: {  	_ =	shalt  }
0x81: {  	_ =	shalt  }
0x82: {  	_ =	shalt  }
0x83: {  	_ =	shalt  }
0x84: {  	_ =	shalt  }
0x85: {  	_ =	shalt  }
0x86: {  	_ =	shalt  }
0x87: {  	_ =	shalt  }
.Lfunc_end0:
.L_simem_size_0:
called_computation.1_lowered:
.L_overlay_start_0:
0x88: {  	s2 =	sld [smem:$0x3FD9]  }
0x89: {  	s3 =	sld [smem:$0x3FFE];
	_ =	sdelay $0x1  }
0x8a: {  	s1 =	srdreg.scid  }
0x8b: {  	s0 =	sand.u32 $0x1, s1  }
0x8c: {  	s17 =	sshll.u32 s0, $0xA;
	s2 =	sadd.s32 s3, s2  }
0x8d: {  	s2 =	sadd.s32 s2, s17  }
0x8e: {  	[smem:$0x3FBC] =	sst s2  }
0x8f: {  	_ = 	snop  }
0x90: {  	s2 =	sld [smem:$0x3FC7]  }
0x91: {  	s18 =	sld [smem:$0x3FD0];
	(tm) =	ssettm $0x1  }
0x92: {  	s4 =	sld [smem:$0x3FFB];
	_ =	sdelay $0x3  }
0x93: {  	_ =	strace s4  }
0x94: {  	s4 =	sld [smem:$0x3FFC];
	_ =	sdelay $0x3  }
0x95: {  	_ =	strace s4  }
0x96: {  	s4 =	sld [smem:$0x3FFD];
	_ =	sdelay $0x3  }
0x97: {  	_ =	strace s4  }
0x98: {  	_ =	strace $0x8FFFFFFF  }
0x99: {  	s19 =	sld [smem:$0x3FDB];
	_ =	sdelay $0x1  }
0x9a: {  	s5 =	simm.s32 $_scs_section_size  }
0x9b: {  	s6 =	simm.s32 $_size__tile_overlayer_lowered;
	s7 =	simm.s32 $_tile_overlayer_lowered  }
0x9c: {  	s22 =	simm.s32 $0x1BFF;
	s21 =	sshll.u32 s7, $0x1;
	s4 =	sadd.s32 s5, s19  }
0x9d: {  	s8 =	simm.s32 $0x0;
	s20 =	sshll.u32 s6, $0x1;
	s6 =	sadd.s32 s21, s4  }
0x9e: {  	[timem:s8], [sflag:s22] =	dma.local [hbm:s6], s20  }
0x9f: {  	_ =	swait.ge [sflag:s22], s20  }
0xa0: {  	s5 =	ssub.s32 $0x0, s20;
	[sflag:s22] =	ssyncset.done $0x0  }
0xa1: {  	[sflag:s22] =	ssyncadd.s32 s5;
	_ =	sdelay $0x1  }
0xa2: {  	s23 =	simm.s32 $0x1B8B  }
0xa3: {  	_ =	swait.ge [sflag:s23], $0x1  }
0xa4: {  	[sflag:s23] =	ssyncset.done $0x0  }
0xa5: {  	s25 =	simm.s32 $0x1B8E;
	s24 =	sld [smem:$0x3FFE];
	[sflag:s23] =	ssyncadd.s32 $0xFFFFFFFF  }
0xa6: {  	s26 =	simm.s32 $execute0_lowered;
	[smem:$0x3FD2] =	sst s25  }
0xa7: {  	s6 =	sshll.u32 s26, $0x1;
	_ =	strace $0x80000049;
	[dreg:$0x1] =	wrdreg $0xFFFFFFFF  }
0xa8: {  	s28 =	simm.s32 $_size_execute0_lowered;
	s4 =	sadd.s32 s4, s6;
	[dreg:$0x0] =	wrdreg $0x0  }
0xa9: {  	s6 =	sshll.u32 s28, $0x1;
	[dreg:$0x2] =	wrdreg s4  }
0xaa: {  	[dreg:$0x3] =	wrdreg s6  }
0xab: {  	[dreg:$0x4] =	wrdreg $0xC0  }
0xac: {  	_ =	task [dreg:s8], $0x5FFFF  }
0xad: {  	[dreg:$0x1] =	wrdreg $0xFFFFFFFF  }
0xae: {  	[dreg:$0x0] =	wrdreg $0x60  }
0xaf: {  	[dreg:$0x2] =	wrdreg s24  }
0xb0: {  	[dreg:$0x3] =	wrdreg s2  }
0xb1: {  	[dreg:$0x4] =	wrdreg s18  }
0xb2: {  	[dreg:$0x5] =	wrdreg $0x66800  }
0xb3: {  	[dreg:$0x6] =	wrdreg $0x9  }
0xb4: {  	_ =	task.clear_ibuf [dreg:s8], $0x7FFFF;
	_ =	strace $0x90000049  }
0xb5: {  	s29 =	simm.s32 $0x9;
	_ =	strace $0x8000004B  }
0xb6: {  	_ =	swait.ge [sflag:s29], $0x1  }
0xb7: {  	[sflag:s29] =	ssyncadd.s32 $0xFFFFFFFF  }
0xb8: {  	_ =	strace $0x9000004B  }
0xb9: {  	_ =	sfence  }
0xba: {  	s30 =	sld [smem:$0x0];
	_ =	sdelay $0x2  }
0xbb: {  	s31 =	sshll.u32 s1, $0xD;
	s1 =	sshrl.u32 s1, $0x2  }
0xbc: {  	s3 =	sand.u32 $0x4000, s31;
	s1 =	sadd.s32 s1, s30  }
0xbd: {  	s0 =	sor.u32 s3, s0;
	s1 =	sshll.u32 s1, $0x11  }
0xbe: {  	s0 =	sor.u32 s1, s0  }
0xbf: {  	s0 =	sadd.s32 $0x8F2B, s0  }
0xc0: {  	[sflag:s0] =	ssyncadd.remote.s32 $0x1  }
0xc1: {  	_ =	sfence.sel $0xFFFF  }
0xc2: {  	[dreg:$0x0] =	wrdreg $0xFFFFFFFF;
	(pc) =	sbr.abs _section_cstart, $3  }
0xc3: {  	[dreg:$0x1] =	wrdreg $0xFFFFFFFF  }
0xc4: {  	_ =	task.clear_ibuf [dreg:s8], $0x2FFFF;
	_ =	strace $0x9FFFFFFF  }
0xc5: {  	(tm) =	ssettm $0x7FFFFFFF  }
tec
execute0_lowered:
.L_overlay_start_1:
0x0: {  	(tag) =	ssettag $0x1  }
0x1: {  	s0 =	rddreg [dreg:$0x0]  }
0x2: {  	s1 =	rddreg [dreg:$0x1]  }
0x3: {  	s15 =	rddreg [dreg:$0x2]  }
0x4: {  	s2 =	rddreg [dreg:$0x3];
	s11 =	stileid.u32  }
0x5: {  	s5 =	srdreg.scid;
	s3 =	smul.u32 $0x9C400, s11  }
0x6: {  	s4 =	simm.s32 $0x0;
	s28 =	simm.s32 $0x3E80;
	s6 =	smul.u32 $0x270, s11  }
0x7: {  	s29 =	simm.s32 $0x200;
	s30 =	simm.s32 $0x5280;
	s8 =	smul.u32 $0x4E000, s11  }
0x8: {  	s31 =	simm.s32 $0x1;
	s5 =	sand.u32 $0x1, s5;
	s23 =	smul.u32 $0x4E20, s11  }
0x9: {  	[smem:$0x7FF] =	sst s4;
	s12 =	sadd.s32 $0x138000, s2;
	s10 =	smul.u32 $0x4E20, s5  }
0xa: {  	p0 =	sne.s32 s11, $0x0;
	p1 =	sne.s32 s11, $0xF;
	s22 =	smul.u32 $0x271000, s5  }
0xb: {  	s7 =	ssub.s32 $0x2, s5;
	_ =	strace $0x8000004A;
	s26 =	smul.u32 $0x2710, s5  }
0xc: {  	[dreg:$0x7] =	wrdreg s12;
	s5 =	smul.u32 $0x4E200, s5;
	p2 =	sne.s32 @p1 s11, $0x0  }
0xd: {  	s9 =	sshrl.u32 s7, $0x1;
	s3 =	sadd.s32 s3, s0;
	s0 =	sadd.s32 $0x1E00, s0  }
0xe: {  	s8 =	sshrl.u32 s8, $0x2;
	p2 =	por p2, !p1;
	s7 =	ssub.s32 s7, s9  }
0xf: {  	s6 =	sadd.s32 s6, s10;
	s8 =	sadd.s32 s8, s2;
	s25 =	sshrl.u32 s22, $0x3  }
0x10: {  	s14 =	sadd.s32 s26, s23;
	s17 =	sadd.s32 s5, s3;
	s5 =	simm.s32 $0x0  }
0x11: {  	[dreg:$0x5] =	wrdreg s8;
	s6 =	sshll.u32 s6, $0x4;
	s18 =	sadd.s32 $0xA0, s14  }
0x12: {  	s19 =	smax.u32 s7, $0x1;
	s12 =	sadd.s32 $0xEF6000, s17;
	s21 =	sadd.s32 $0x78, s14  }
0x13: {  	s22 =	sadd.s32 $0x50, s14;
	s23 =	sadd.s32 $0x28, s14;
	s26 =	sshrl.u32 s14, $0x3  }
0x14: {  	s24 =	sadd.s32 s0, s6;
	s0 =	sadd.s32 s0, s25;
	[dreg:$0xb] =	wrdreg s19  }
0x15: {  	s20 =	sshrl.u32 s18, $0x3;
	s3 =	sshrl.u32 s22, $0x3;
	s25 =	sshrl.u32 s23, $0x3  }
0x16: {  	s19 =	simm.s32 $0x400;
	s6 =	sadd.s32 $0x27000, s0;
	[dreg:$0x6] =	wrdreg s24  }
0x17: {  	s22 =	simm.s32 $0x80;
	s13 =	sadd.s32 $0x27100, s24;
	[dreg:$0x8] =	wrdreg s6  }
0x18: {  	s23 =	simm.s32 $0x1680;
	s0 =	sadd.s32 $0x4E100, s0;
	[dreg:$0x9] =	wrdreg s13  }
0x19: {  	s16 =	sadd.s32 s20, s1;
	s24 =	sadd.s32 s3, s1;
	[dreg:$0xa] =	wrdreg s0  }
0x1a: {  	s20 =	simm.s32 $0x800;
	s0 =	sshrl.u32 s21, $0x3;
	[dreg:$0xe] =	wrdreg s24  }
0x1b: {  	[dreg:$0xc] =	wrdreg s16;
	s17 =	sadd.s32 s0, s1;
	s0 =	sadd.s32 s25, s1  }
0x1c: {  	s3 =	simm.s32 $0x2;
	s21 =	simm.s32 $0x280;
	[dreg:$0xf] =	wrdreg s0  }
0x1d: {  	s24 =	simm.s32 $0x100;
	s0 =	sadd.s32 s26, s1;
	[dreg:$0xd] =	wrdreg s17  }
0x1e: {  	s25 =	simm.s32 $0x2A80;
	[dreg:$0x10] =	wrdreg s0;
	s0 =	sshrl.u32 @!p0 s2, $0x3  }
0x1f: {  	s26 =	simm.s32 $0x180;
	[dreg:$0x11] =	wrdreg s0;
	s0 =	simm.s32 $0x28  }
.LBB2_1:
0x20: {  	s1 =	simm.s32 @!p0 $0x1C03;
	s6 =	rddreg [dreg:$0x11]  }
0x21: {  	[spmem:s6], [sflag:s1] =	dma.local @!p0 [hbm:s15], $0x27100  }
0x22: {  	s1 =	simm.s32 @!p0 $0x3  }
0x23: {  	_ =	swait.ge @!p0 [sflag:s1], $0x27100  }
0x24: {  	[sflag:s1] =	ssyncset.done @!p0 $0x0  }
0x25: {  	p3 =	por $0x1, $0x1;
	[sflag:s1] =	ssyncadd.s32 @!p0 $0xFFFD8F00  }
0x26: {  	s1 =	simm.s32 @!p3 $0x2;
	[bflag:$0x0] =	sbarrier.arrive $0xFFFF  }
0x27: {  	_ =	swait.ge @!p3 [sflag:s1], $0x1400  }
0x28: {  	[sflag:s1] =	ssyncset.done @!p3 $0x0  }
0x29: {  	s14 =	rddreg [dreg:$0x10];
	[sflag:s1] =	ssyncadd.s32 @!p3 $0xFFFFEC00  }
0x2a: {  	[tilespmem:s4], [sflag:$0x1] =	stream.linear.gather [hbm4b:s14+s4], $0x28, $0x38;
	[tilespmem:$0x19F00] =	vst v63  }
0x2b: {  	s9 =	sadd.s32 $0x0, s12  }
0x2c: {  	[tilespmem:s21], [sflag:$0x1] =	stream.strided.gather [hbm4b:s9+s19], $0x1400, s20, s19, $0x38;
	[tilespmem:$0x19F00] =	vst v63  }
0x2d: {  	_ =	swait.ge @!p3 [sflag:s1], $0x1400  }
0x2e: {  	[sflag:s1] =	ssyncset.done @!p3 $0x0  }
0x2f: {  	s8 =	rddreg [dreg:$0xf];
	[sflag:s1] =	ssyncadd.s32 @!p3 $0xFFFFEC00  }
0x30: {  	[tilespmem:s22], [sflag:$0x1] =	stream.linear.gather [hbm4b:s8+s4], $0x28, $0x38;
	[tilespmem:$0x19F00] =	vst v63  }
0x31: {  	s7 =	sadd.s32 $0x500, s9  }
0x32: {  	[tilespmem:s23], [sflag:$0x1] =	stream.strided.gather [hbm4b:s7+s19], $0x1400, s20, s19, $0x38;
	[tilespmem:$0x19F00] =	vst v63  }
0x33: {  	_ =	swait.ge @!p3 [sflag:s1], $0x1400  }
0x34: {  	[sflag:s1] =	ssyncset.done @!p3 $0x0  }
0x35: {  	s13 =	rddreg [dreg:$0xe];
	[sflag:s1] =	ssyncadd.s32 @!p3 $0xFFFFEC00  }
0x36: {  	[tilespmem:s24], [sflag:$0x1] =	stream.linear.gather [hbm4b:s13+s4], $0x28, $0x38;
	[tilespmem:$0x19F00] =	vst v63  }
0x37: {  	s10 =	sadd.s32 $0xA00, s9  }
0x38: {  	[tilespmem:s25], [sflag:$0x1] =	stream.strided.gather [hbm4b:s10+s19], $0x1400, s20, s19, $0x38;
	[tilespmem:$0x19F00] =	vst v63  }
0x39: {  	_ =	swait.ge @!p3 [sflag:s1], $0x1400  }
0x3a: {  	[sflag:s1] =	ssyncset.done @!p3 $0x0  }
0x3b: {  	[sflag:s1] =	ssyncadd.s32 @!p3 $0xFFFFEC00  }
0x3c: {  	[tilespmem:s26], [sflag:$0x1] =	stream.linear.gather [hbm4b:s17+s4], $0x28, $0x38;
	[tilespmem:$0x19F00] =	vst v63  }
0x3d: {  	s11 =	sadd.s32 $0xF00, s9  }
0x3e: {  	[tilespmem:s28], [sflag:$0x1] =	stream.strided.gather [hbm4b:s11+s19], $0x1400, s20, s19, $0x38;
	[tilespmem:$0x19F00] =	vst v63  }
0x3f: {  	_ =	swait.ge @!p3 [sflag:s1], $0x1400  }
0x40: {  	[sflag:s1] =	ssyncset.done @!p3 $0x0  }
0x41: {  	[sflag:s1] =	ssyncadd.s32 @!p3 $0xFFFFEC00  }
0x42: {  	[tilespmem:s29], [sflag:$0x1] =	stream.linear.gather [hbm4b:s16+s4], $0x28, $0x38;
	[tilespmem:$0x19F00] =	vst v63  }
0x43: {  	s18 =	sadd.s32 $0x1400, s9  }
0x44: {  	[tilespmem:s30], [sflag:$0x1] =	stream.strided.gather [hbm4b:s18+s19], $0x1400, s20, s19, $0x38;
	[tilespmem:$0x19F00] =	vst v63  }
0x45: {  	_ =	swait.ge [sflag:s31], $0x28  }
0x46: {  	[sflag:s31] =	ssyncset.done $0x0  }
0x47: {  	[sflag:s31] =	ssyncadd.s32 $0xFFFFFFD8  }
0x48: {  	_ =	swait.ge [sflag:s31], $0x1400  }
0x49: {  	[sflag:s31] =	ssyncset.done $0x0  }
0x4a: {  	[sflag:s31] =	ssyncadd.s32 $0xFFFFEC00  }
0x4b: {  	[spmem:s2] =	stream.indirect.scatter.add.f32 [tilespmem:s21], [sflag:$0x2], $0x80, s4, s0, $0xb8;
	[tilespmem:$0x19F00] =	vst v63  }
0x4c: {  	_ =	swait.ge [sflag:s31], $0x28  }
0x4d: {  	[sflag:s31] =	ssyncset.done $0x0  }
0x4e: {  	[sflag:s31] =	ssyncadd.s32 $0xFFFFFFD8  }
0x4f: {  	_ =	swait.ge [sflag:s31], $0x1400  }
0x50: {  	[sflag:s31] =	ssyncset.done $0x0  }
0x51: {  	[sflag:s31] =	ssyncadd.s32 $0xFFFFEC00  }
0x52: {  	[spmem:s2] =	stream.indirect.scatter.add.f32 [tilespmem:s23], [sflag:$0x2], $0x80, s22, s0, $0xb8;
	[tilespmem:$0x19F00] =	vst v63  }
0x53: {  	_ =	swait.ge [sflag:s31], $0x28  }
0x54: {  	[sflag:s31] =	ssyncset.done $0x0  }
0x55: {  	[sflag:s31] =	ssyncadd.s32 $0xFFFFFFD8  }
0x56: {  	_ =	swait.ge [sflag:s31], $0x1400  }
0x57: {  	[sflag:s31] =	ssyncset.done $0x0  }
0x58: {  	[sflag:s31] =	ssyncadd.s32 $0xFFFFEC00  }
0x59: {  	[spmem:s2] =	stream.indirect.scatter.add.f32 [tilespmem:s25], [sflag:$0x2], $0x80, s24, s0, $0xb8;
	[tilespmem:$0x19F00] =	vst v63  }
0x5a: {  	_ =	swait.ge [sflag:s31], $0x28  }
0x5b: {  	[sflag:s31] =	ssyncset.done $0x0  }
0x5c: {  	[sflag:s31] =	ssyncadd.s32 $0xFFFFFFD8  }
0x5d: {  	_ =	swait.ge [sflag:s31], $0x1400  }
0x5e: {  	[sflag:s31] =	ssyncset.done $0x0  }
0x5f: {  	[sflag:s31] =	ssyncadd.s32 $0xFFFFEC00  }
0x60: {  	[spmem:s2] =	stream.indirect.scatter.add.f32 [tilespmem:s28], [sflag:$0x2], $0x80, s26, s0, $0xb8;
	[tilespmem:$0x19F00] =	vst v63  }
0x61: {  	_ =	swait.ge [sflag:s31], $0x28  }
0x62: {  	p4 =	por $0x0, $0x0;
	s9 =	sadd.s32 $0x19, s8;
	[sflag:s31] =	ssyncset.done $0x0  }
0x63: {  	s8 =	sadd.s32 $0x19, s17;
	s7 =	sadd.s32 $0x19, s16;
	[sflag:s31] =	ssyncadd.s32 $0xFFFFFFD8  }
0x64: {  	s6 =	sadd.s32 $0x19, s13;
	s10 =	simm.s32 $0x1900;
	_ =	swait.ge [sflag:s31], $0x1400  }
0x65: {  	s11 =	simm.s32 $0x3200;
	s1 =	sadd.s32 $0x19, s14;
	[sflag:s31] =	ssyncset.done $0x0  }
.LBB2_2:
0x66: {  	s13 =	simm.s32 @!p4 $0x2  }
0x67: {  	[sflag:s31] =	ssyncadd.s32 $0xFFFFEC00;
	s14 =	smov.u32 s11;
	s11 =	sadd.s32 $0x1900, s11  }
0x68: {  	[spmem:s2] =	stream.indirect.scatter.add.f32 [tilespmem:s30], [sflag:$0x2], $0x80, s29, s0, $0xb8;
	[tilespmem:$0x19F00] =	vst v63  }
0x69: {  	p3 =	sne.s32 s11, $0x4E200;
	_ =	swait.ge @!p4 [sflag:s13], $0x1400  }
0x6a: {  	[sflag:s13] =	ssyncset.done @!p4 $0x0  }
0x6b: {  	[sflag:s13] =	ssyncadd.s32 @!p4 $0xFFFFEC00  }
0x6c: {  	[tilespmem:s4], [sflag:$0x1] =	stream.linear.gather [hbm4b:s1+s4], $0x28, $0x38;
	[tilespmem:$0x19F00] =	vst v63  }
0x6d: {  	s18 =	sadd.s32 s10, s12;
	s10 =	smov.u32 s14  }
0x6e: {  	[tilespmem:s21], [sflag:$0x1] =	stream.strided.gather [hbm4b:s18+s19], $0x1400, s20, s19, $0x38;
	[tilespmem:$0x19F00] =	vst v63  }
0x6f: {  	_ =	swait.ge @!p4 [sflag:s13], $0x1400  }
0x70: {  	[sflag:s13] =	ssyncset.done @!p4 $0x0  }
0x71: {  	[sflag:s13] =	ssyncadd.s32 @!p4 $0xFFFFEC00  }
0x72: {  	[tilespmem:s22], [sflag:$0x1] =	stream.linear.gather [hbm4b:s9+s4], $0x28, $0x38;
	[tilespmem:$0x19F00] =	vst v63  }
0x73: {  	s14 =	sadd.s32 $0x500, s18  }
0x74: {  	[tilespmem:s23], [sflag:$0x1] =	stream.strided.gather [hbm4b:s14+s19], $0x1400, s20, s19, $0x38;
	[tilespmem:$0x19F00] =	vst v63  }
0x75: {  	_ =	swait.ge @!p4 [sflag:s13], $0x1400  }
0x76: {  	[sflag:s13] =	ssyncset.done @!p4 $0x0  }
0x77: {  	[sflag:s13] =	ssyncadd.s32 @!p4 $0xFFFFEC00  }
0x78: {  	[tilespmem:s24], [sflag:$0x1] =	stream.linear.gather [hbm4b:s6+s4], $0x28, $0x38;
	[tilespmem:$0x19F00] =	vst v63  }
0x79: {  	s14 =	sadd.s32 $0xA00, s18  }
0x7a: {  	[tilespmem:s25], [sflag:$0x1] =	stream.strided.gather [hbm4b:s14+s19], $0x1400, s20, s19, $0x38;
	[tilespmem:$0x19F00] =	vst v63  }
0x7b: {  	_ =	swait.ge @!p4 [sflag:s13], $0x1400  }
0x7c: {  	[sflag:s13] =	ssyncset.done @!p4 $0x0  }
0x7d: {  	[sflag:s13] =	ssyncadd.s32 @!p4 $0xFFFFEC00  }
0x7e: {  	[tilespmem:s26], [sflag:$0x1] =	stream.linear.gather [hbm4b:s8+s4], $0x28, $0x38;
	[tilespmem:$0x19F00] =	vst v63  }
0x7f: {  	s14 =	sadd.s32 $0xF00, s18  }
0x80: {  	[tilespmem:s28], [sflag:$0x1] =	stream.strided.gather [hbm4b:s14+s19], $0x1400, s20, s19, $0x38;
	[tilespmem:$0x19F00] =	vst v63  }
0x81: {  	_ =	swait.ge @!p4 [sflag:s13], $0x1400  }
0x82: {  	[sflag:s13] =	ssyncset.done @!p4 $0x0  }
0x83: {  	[sflag:s13] =	ssyncadd.s32 @!p4 $0xFFFFEC00  }
0x84: {  	[tilespmem:s29], [sflag:$0x1] =	stream.linear.gather [hbm4b:s7+s4], $0x28, $0x38;
	[tilespmem:$0x19F00] =	vst v63  }
0x85: {  	s13 =	sadd.s32 $0x1400, s18  }
0x86: {  	[tilespmem:s30], [sflag:$0x1] =	stream.strided.gather [hbm4b:s13+s19], $0x1400, s20, s19, $0x38;
	[tilespmem:$0x19F00] =	vst v63  }
0x87: {  	_ =	swait.ge [sflag:s31], $0x28  }
0x88: {  	[sflag:s31] =	ssyncset.done $0x0  }
0x89: {  	[sflag:s31] =	ssyncadd.s32 $0xFFFFFFD8  }
0x8a: {  	_ =	swait.ge [sflag:s31], $0x1400  }
0x8b: {  	[sflag:s31] =	ssyncset.done $0x0  }
0x8c: {  	[sflag:s31] =	ssyncadd.s32 $0xFFFFEC00  }
0x8d: {  	[spmem:s2] =	stream.indirect.scatter.add.f32 [tilespmem:s21], [sflag:$0x2], $0x80, s4, s0, $0xb8;
	[tilespmem:$0x19F00] =	vst v63  }
0x8e: {  	_ =	swait.ge [sflag:s31], $0x28  }
0x8f: {  	[sflag:s31] =	ssyncset.done $0x0  }
0x90: {  	[sflag:s31] =	ssyncadd.s32 $0xFFFFFFD8  }
0x91: {  	_ =	swait.ge [sflag:s31], $0x1400  }
0x92: {  	[sflag:s31] =	ssyncset.done $0x0  }
0x93: {  	[sflag:s31] =	ssyncadd.s32 $0xFFFFEC00  }
0x94: {  	[spmem:s2] =	stream.indirect.scatter.add.f32 [tilespmem:s23], [sflag:$0x2], $0x80, s22, s0, $0xb8;
	[tilespmem:$0x19F00] =	vst v63  }
0x95: {  	_ =	swait.ge [sflag:s31], $0x28  }
0x96: {  	[sflag:s31] =	ssyncset.done $0x0  }
0x97: {  	[sflag:s31] =	ssyncadd.s32 $0xFFFFFFD8  }
0x98: {  	_ =	swait.ge [sflag:s31], $0x1400  }
0x99: {  	[sflag:s31] =	ssyncset.done $0x0  }
0x9a: {  	[sflag:s31] =	ssyncadd.s32 $0xFFFFEC00  }
0x9b: {  	[spmem:s2] =	stream.indirect.scatter.add.f32 [tilespmem:s25], [sflag:$0x2], $0x80, s24, s0, $0xb8;
	[tilespmem:$0x19F00] =	vst v63  }
0x9c: {  	_ =	swait.ge [sflag:s31], $0x28  }
0x9d: {  	[sflag:s31] =	ssyncset.done $0x0  }
0x9e: {  	[sflag:s31] =	ssyncadd.s32 $0xFFFFFFD8  }
0x9f: {  	_ =	swait.ge [sflag:s31], $0x1400  }
0xa0: {  	[sflag:s31] =	ssyncset.done $0x0  }
0xa1: {  	[sflag:s31] =	ssyncadd.s32 $0xFFFFEC00  }
0xa2: {  	[spmem:s2] =	stream.indirect.scatter.add.f32 [tilespmem:s28], [sflag:$0x2], $0x80, s26, s0, $0xb8;
	[tilespmem:$0x19F00] =	vst v63  }
.Ltmp0:
0xa3: {  	_ =	swait.ge [sflag:s31], $0x28;
	(pc) =	sbr.rel @p3 .LBB2_2-.Ltmp0, $4  }
0xa4: {  	[sflag:s31] =	ssyncset.done $0x0  }
0xa5: {  	s1 =	sadd.s32 $0x19, s1;
	s9 =	sadd.s32 $0x19, s9;
	[sflag:s31] =	ssyncadd.s32 $0xFFFFFFD8  }
0xa6: {  	s6 =	sadd.s32 $0x19, s6;
	s8 =	sadd.s32 $0x19, s8;
	_ =	swait.ge [sflag:s31], $0x1400  }
0xa7: {  	p4 =	seq.s32 s10, $0x0;
	s7 =	sadd.s32 $0x19, s7;
	[sflag:s31] =	ssyncset.done $0x0  }
0xa8: {  	s11 =	simm.s32 @!p4 $0x2;
	[sflag:s31] =	ssyncadd.s32 $0xFFFFEC00  }
0xa9: {  	[spmem:s2] =	stream.indirect.scatter.add.f32 [tilespmem:s30], [sflag:$0x2], $0x80, s29, s0, $0xb8;
	[tilespmem:$0x19F00] =	vst v63  }
0xaa: {  	_ =	swait.ge @!p4 [sflag:s11], $0x1400  }
0xab: {  	[sflag:s11] =	ssyncset.done @!p4 $0x0  }
0xac: {  	[sflag:s11] =	ssyncadd.s32 @!p4 $0xFFFFEC00  }
0xad: {  	[tilespmem:s4], [sflag:$0x1] =	stream.linear.gather [hbm4b:s1+s4], $0x28, $0x38;
	[tilespmem:$0x19F00] =	vst v63  }
0xae: {  	s13 =	sadd.s32 s10, s12  }
0xaf: {  	[tilespmem:s21], [sflag:$0x1] =	stream.strided.gather [hbm4b:s13+s19], $0x1400, s20, s19, $0x38;
	[tilespmem:$0x19F00] =	vst v63  }
0xb0: {  	_ =	swait.ge @!p4 [sflag:s11], $0x1400  }
0xb1: {  	[sflag:s11] =	ssyncset.done @!p4 $0x0  }
0xb2: {  	[sflag:s11] =	ssyncadd.s32 @!p4 $0xFFFFEC00  }
0xb3: {  	[tilespmem:s22], [sflag:$0x1] =	stream.linear.gather [hbm4b:s9+s4], $0x28, $0x38;
	[tilespmem:$0x19F00] =	vst v63  }
0xb4: {  	s14 =	sadd.s32 $0x500, s13  }
0xb5: {  	[tilespmem:s23], [sflag:$0x1] =	stream.strided.gather [hbm4b:s14+s19], $0x1400, s20, s19, $0x38;
	[tilespmem:$0x19F00] =	vst v63  }
0xb6: {  	_ =	swait.ge @!p4 [sflag:s11], $0x1400  }
0xb7: {  	[sflag:s11] =	ssyncset.done @!p4 $0x0  }
0xb8: {  	[sflag:s11] =	ssyncadd.s32 @!p4 $0xFFFFEC00  }
0xb9: {  	[tilespmem:s24], [sflag:$0x1] =	stream.linear.gather [hbm4b:s6+s4], $0x28, $0x38;
	[tilespmem:$0x19F00] =	vst v63  }
0xba: {  	s18 =	sadd.s32 $0xA00, s13  }
0xbb: {  	[tilespmem:s25], [sflag:$0x1] =	stream.strided.gather [hbm4b:s18+s19], $0x1400, s20, s19, $0x38;
	[tilespmem:$0x19F00] =	vst v63  }
0xbc: {  	_ =	swait.ge @!p4 [sflag:s11], $0x1400  }
0xbd: {  	[sflag:s11] =	ssyncset.done @!p4 $0x0  }
0xbe: {  	[sflag:s11] =	ssyncadd.s32 @!p4 $0xFFFFEC00  }
0xbf: {  	[tilespmem:s26], [sflag:$0x1] =	stream.linear.gather [hbm4b:s8+s4], $0x28, $0x38;
	[tilespmem:$0x19F00] =	vst v63  }
0xc0: {  	s8 =	sadd.s32 $0xF00, s13  }
0xc1: {  	[tilespmem:s28], [sflag:$0x1] =	stream.strided.gather [hbm4b:s8+s19], $0x1400, s20, s19, $0x38;
	[tilespmem:$0x19F00] =	vst v63  }
0xc2: {  	_ =	swait.ge @!p4 [sflag:s11], $0x1400  }
0xc3: {  	[sflag:s11] =	ssyncset.done @!p4 $0x0  }
0xc4: {  	[sflag:s11] =	ssyncadd.s32 @!p4 $0xFFFFEC00  }
0xc5: {  	[tilespmem:s29], [sflag:$0x1] =	stream.linear.gather [hbm4b:s7+s4], $0x28, $0x38;
	[tilespmem:$0x19F00] =	vst v63  }
0xc6: {  	s1 =	sadd.s32 $0x1400, s13  }
0xc7: {  	[tilespmem:s30], [sflag:$0x1] =	stream.strided.gather [hbm4b:s1+s19], $0x1400, s20, s19, $0x38;
	[tilespmem:$0x19F00] =	vst v63  }
0xc8: {  	_ =	swait.ge [sflag:s31], $0x28  }
0xc9: {  	[sflag:s31] =	ssyncset.done $0x0  }
0xca: {  	[sflag:s31] =	ssyncadd.s32 $0xFFFFFFD8  }
0xcb: {  	_ =	swait.ge [sflag:s31], $0x1400  }
0xcc: {  	[sflag:s31] =	ssyncset.done $0x0  }
0xcd: {  	[sflag:s31] =	ssyncadd.s32 $0xFFFFEC00  }
0xce: {  	[spmem:s2] =	stream.indirect.scatter.add.f32 [tilespmem:s21], [sflag:$0x2], $0x80, s4, s0, $0xb8;
	[tilespmem:$0x19F00] =	vst v63  }
0xcf: {  	_ =	swait.ge [sflag:s31], $0x28  }
0xd0: {  	[sflag:s31] =	ssyncset.done $0x0  }
0xd1: {  	[sflag:s31] =	ssyncadd.s32 $0xFFFFFFD8  }
0xd2: {  	_ =	swait.ge [sflag:s31], $0x1400  }
0xd3: {  	[sflag:s31] =	ssyncset.done $0x0  }
0xd4: {  	[sflag:s31] =	ssyncadd.s32 $0xFFFFEC00  }
0xd5: {  	[spmem:s2] =	stream.indirect.scatter.add.f32 [tilespmem:s23], [sflag:$0x2], $0x80, s22, s0, $0xb8;
	[tilespmem:$0x19F00] =	vst v63  }
0xd6: {  	_ =	swait.ge [sflag:s31], $0x28  }
0xd7: {  	[sflag:s31] =	ssyncset.done $0x0  }
0xd8: {  	[sflag:s31] =	ssyncadd.s32 $0xFFFFFFD8  }
0xd9: {  	_ =	swait.ge [sflag:s31], $0x1400  }
0xda: {  	[sflag:s31] =	ssyncset.done $0x0  }
0xdb: {  	[sflag:s31] =	ssyncadd.s32 $0xFFFFEC00  }
0xdc: {  	[spmem:s2] =	stream.indirect.scatter.add.f32 [tilespmem:s25], [sflag:$0x2], $0x80, s24, s0, $0xb8;
	[tilespmem:$0x19F00] =	vst v63  }
0xdd: {  	_ =	swait.ge [sflag:s31], $0x28  }
0xde: {  	[sflag:s31] =	ssyncset.done $0x0  }
0xdf: {  	[sflag:s31] =	ssyncadd.s32 $0xFFFFFFD8  }
0xe0: {  	_ =	swait.ge [sflag:s31], $0x1400  }
0xe1: {  	[sflag:s31] =	ssyncset.done $0x0  }
0xe2: {  	[sflag:s31] =	ssyncadd.s32 $0xFFFFEC00  }
0xe3: {  	[spmem:s2] =	stream.indirect.scatter.add.f32 [tilespmem:s28], [sflag:$0x2], $0x80, s26, s0, $0xb8;
	[tilespmem:$0x19F00] =	vst v63  }
0xe4: {  	_ =	swait.ge [sflag:s31], $0x28  }
0xe5: {  	[sflag:s31] =	ssyncset.done $0x0  }
0xe6: {  	[sflag:s31] =	ssyncadd.s32 $0xFFFFFFD8  }
0xe7: {  	_ =	swait.ge [sflag:s31], $0x1400  }
0xe8: {  	[sflag:s31] =	ssyncset.done $0x0  }
0xe9: {  	[sflag:s31] =	ssyncadd.s32 $0xFFFFEC00  }
0xea: {  	[spmem:s2] =	stream.indirect.scatter.add.f32 [tilespmem:s30], [sflag:$0x2], $0x80, s29, s0, $0xb8;
	[tilespmem:$0x19F00] =	vst v63  }
0xeb: {  	_ =	swait.ge [sflag:s3], $0x1400  }
0xec: {  	[sflag:s3] =	ssyncset.done $0x0  }
0xed: {  	[sflag:s3] =	ssyncadd.s32 $0xFFFFEC00  }
0xee: {  	_ =	swait.ge [sflag:s3], $0x1400  }
0xef: {  	[sflag:s3] =	ssyncset.done $0x0  }
0xf0: {  	[sflag:s3] =	ssyncadd.s32 $0xFFFFEC00  }
0xf1: {  	_ =	swait.ge [sflag:s3], $0x1400  }
0xf2: {  	[sflag:s3] =	ssyncset.done $0x0  }
0xf3: {  	[sflag:s3] =	ssyncadd.s32 $0xFFFFEC00  }
0xf4: {  	_ =	swait.ge [sflag:s3], $0x1400  }
0xf5: {  	[sflag:s3] =	ssyncset.done $0x0  }
0xf6: {  	[sflag:s3] =	ssyncadd.s32 $0xFFFFEC00  }
0xf7: {  	_ =	swait.ge [sflag:s3], $0x1400  }
0xf8: {  	[sflag:s3] =	ssyncset.done $0x0  }
0xf9: {  	[sflag:s3] =	ssyncadd.s32 $0xFFFFEC00  }
0xfa: {  	s9 =	stileid.u32;
	[bflag:$0x0] =	sbarrier.arrive $0xFFFF  }
0xfb: {  	s13 =	simm.s32 $0x3;
	s1 =	sshll.u32 s9, $0x6;
	s10 =	rddreg [dreg:$0x5]  }
0xfc: {  	s7 =	sor.u32 $0x1C03, s1;
	s11 =	rddreg [dreg:$0x6];
	s8 =	sshrl.u32 s10, $0x3  }
0xfd: {  	[hbm:s11], [sflag:s7] =	dma.local [spmem:s8], $0x2700  }
0xfe: {  	_ =	swait.ge [sflag:s13], $0x2700  }
0xff: {  	[sflag:s13] =	ssyncset.done $0x0  }
0x100: {  	[sflag:s13] =	ssyncadd.s32 $0xFFFFD900  }
0x101: {  	s1 =	sshrl.u32 @!p2 s2, $0x3;
	[bflag:$0x0] =	sbarrier.arrive @p1 $0xFFFF  }
0x102: {  	[spmem:s1], [sflag:s7] =	dma.local @!p2 [hbm:s15], $0x27100  }
0x103: {  	s1 =	simm.s32 @!p2 $0x3  }
0x104: {  	_ =	swait.ge @!p2 [sflag:s1], $0x27100  }
0x105: {  	[sflag:s1] =	ssyncset.done @!p2 $0x0  }
0x106: {  	[sflag:s1] =	ssyncadd.s32 @!p2 $0xFFFD8F00;
	s1 =	rddreg [dreg:$0x7]  }
0x107: {  	s9 =	sshrl.u32 @!p1 s1, $0x3;
	s1 =	rddreg [dreg:$0x8]  }
0x108: {  	[hbm:s1], [sflag:s7] =	dma.local @!p1 [spmem:s9], $0x100  }
0x109: {  	s1 =	simm.s32 @!p1 $0x3  }
0x10a: {  	_ =	swait.ge @!p1 [sflag:s1], $0x100  }
0x10b: {  	[sflag:s1] =	ssyncset.done @!p1 $0x0  }
0x10c: {  	[sflag:s1] =	ssyncadd.s32 @!p1 $0xFFFFFF00  }
0x10d: {  	p3 =	por $0x1, $0x1;
	[bflag:$0x0] =	sbarrier.arrive @!p1 $0xFFFF  }
0x10e: {  	s1 =	simm.s32 @!p3 $0x2;
	[bflag:$0x0] =	sbarrier.arrive $0xFFFF  }
0x10f: {  	_ =	swait.ge @!p3 [sflag:s1], $0x1400  }
0x110: {  	[sflag:s1] =	ssyncset.done @!p3 $0x0  }
0x111: {  	s6 =	sadd.s32 $0x0, s12;
	s13 =	rddreg [dreg:$0x10];
	[sflag:s1] =	ssyncadd.s32 @!p3 $0xFFFFEC00  }
0x112: {  	[tilespmem:s4], [sflag:$0x1] =	stream.linear.gather [hbm4b:s13+s4], $0x28, $0x38;
	[tilespmem:$0x19F00] =	vst v63  }
0x113: {  	s14 =	sadd.s32 $0x80, s6  }
0x114: {  	[tilespmem:s21], [sflag:$0x1] =	stream.strided.gather [hbm4b:s14+s19], $0x1400, s20, s19, $0x38;
	[tilespmem:$0x19F00] =	vst v63  }
0x115: {  	_ =	swait.ge @!p3 [sflag:s1], $0x1400  }
0x116: {  	[sflag:s1] =	ssyncset.done @!p3 $0x0  }
0x117: {  	s11 =	rddreg [dreg:$0xf];
	[sflag:s1] =	ssyncadd.s32 @!p3 $0xFFFFEC00  }
0x118: {  	[tilespmem:s22], [sflag:$0x1] =	stream.linear.gather [hbm4b:s11+s4], $0x28, $0x38;
	[tilespmem:$0x19F00] =	vst v63  }
0x119: {  	s15 =	sadd.s32 $0x580, s6  }
0x11a: {  	[tilespmem:s23], [sflag:$0x1] =	stream.strided.gather [hbm4b:s15+s19], $0x1400, s20, s19, $0x38;
	[tilespmem:$0x19F00] =	vst v63  }
0x11b: {  	_ =	swait.ge @!p3 [sflag:s1], $0x1400  }
0x11c: {  	[sflag:s1] =	ssyncset.done @!p3 $0x0  }
0x11d: {  	s15 =	rddreg [dreg:$0xe];
	[sflag:s1] =	ssyncadd.s32 @!p3 $0xFFFFEC00  }
0x11e: {  	[tilespmem:s24], [sflag:$0x1] =	stream.linear.gather [hbm4b:s15+s4], $0x28, $0x38;
	[tilespmem:$0x19F00] =	vst v63  }
0x11f: {  	s18 =	sadd.s32 $0xA80, s6  }
0x120: {  	[tilespmem:s25], [sflag:$0x1] =	stream.strided.gather [hbm4b:s18+s19], $0x1400, s20, s19, $0x38;
	[tilespmem:$0x19F00] =	vst v63  }
0x121: {  	_ =	swait.ge @!p3 [sflag:s1], $0x1400  }
0x122: {  	[sflag:s1] =	ssyncset.done @!p3 $0x0  }
0x123: {  	[sflag:s1] =	ssyncadd.s32 @!p3 $0xFFFFEC00  }
0x124: {  	[tilespmem:s26], [sflag:$0x1] =	stream.linear.gather [hbm4b:s17+s4], $0x28, $0x38;
	[tilespmem:$0x19F00] =	vst v63  }
0x125: {  	s14 =	sadd.s32 $0xF80, s6  }
0x126: {  	[tilespmem:s28], [sflag:$0x1] =	stream.strided.gather [hbm4b:s14+s19], $0x1400, s20, s19, $0x38;
	[tilespmem:$0x19F00] =	vst v63  }
0x127: {  	_ =	swait.ge @!p3 [sflag:s1], $0x1400  }
0x128: {  	[sflag:s1] =	ssyncset.done @!p3 $0x0  }
0x129: {  	[sflag:s1] =	ssyncadd.s32 @!p3 $0xFFFFEC00  }
0x12a: {  	[tilespmem:s29], [sflag:$0x1] =	stream.linear.gather [hbm4b:s16+s4], $0x28, $0x38;
	[tilespmem:$0x19F00] =	vst v63  }
0x12b: {  	s18 =	sadd.s32 $0x1480, s6  }
0x12c: {  	[tilespmem:s30], [sflag:$0x1] =	stream.strided.gather [hbm4b:s18+s19], $0x1400, s20, s19, $0x38;
	[tilespmem:$0x19F00] =	vst v63  }
0x12d: {  	_ =	swait.ge [sflag:s31], $0x28  }
0x12e: {  	[sflag:s31] =	ssyncset.done $0x0  }
0x12f: {  	[sflag:s31] =	ssyncadd.s32 $0xFFFFFFD8  }
0x130: {  	_ =	swait.ge [sflag:s31], $0x1400  }
0x131: {  	[sflag:s31] =	ssyncset.done $0x0  }
0x132: {  	[sflag:s31] =	ssyncadd.s32 $0xFFFFEC00  }
0x133: {  	[spmem:s2] =	stream.indirect.scatter.add.f32 [tilespmem:s21], [sflag:$0x2], $0x80, s4, s0, $0xb8;
	[tilespmem:$0x19F00] =	vst v63  }
0x134: {  	_ =	swait.ge [sflag:s31], $0x28  }
0x135: {  	[sflag:s31] =	ssyncset.done $0x0  }
0x136: {  	[sflag:s31] =	ssyncadd.s32 $0xFFFFFFD8  }
0x137: {  	_ =	swait.ge [sflag:s31], $0x1400  }
0x138: {  	[sflag:s31] =	ssyncset.done $0x0  }
0x139: {  	[sflag:s31] =	ssyncadd.s32 $0xFFFFEC00  }
0x13a: {  	[spmem:s2] =	stream.indirect.scatter.add.f32 [tilespmem:s23], [sflag:$0x2], $0x80, s22, s0, $0xb8;
	[tilespmem:$0x19F00] =	vst v63  }
0x13b: {  	_ =	swait.ge [sflag:s31], $0x28  }
0x13c: {  	[sflag:s31] =	ssyncset.done $0x0  }
0x13d: {  	[sflag:s31] =	ssyncadd.s32 $0xFFFFFFD8  }
0x13e: {  	_ =	swait.ge [sflag:s31], $0x1400  }
0x13f: {  	[sflag:s31] =	ssyncset.done $0x0  }
0x140: {  	[sflag:s31] =	ssyncadd.s32 $0xFFFFEC00  }
0x141: {  	[spmem:s2] =	stream.indirect.scatter.add.f32 [tilespmem:s25], [sflag:$0x2], $0x80, s24, s0, $0xb8;
	[tilespmem:$0x19F00] =	vst v63  }
0x142: {  	_ =	swait.ge [sflag:s31], $0x28  }
0x143: {  	[sflag:s31] =	ssyncset.done $0x0  }
0x144: {  	[sflag:s31] =	ssyncadd.s32 $0xFFFFFFD8  }
0x145: {  	_ =	swait.ge [sflag:s31], $0x1400  }
0x146: {  	[sflag:s31] =	ssyncset.done $0x0  }
0x147: {  	[sflag:s31] =	ssyncadd.s32 $0xFFFFEC00  }
0x148: {  	[spmem:s2] =	stream.indirect.scatter.add.f32 [tilespmem:s28], [sflag:$0x2], $0x80, s26, s0, $0xb8;
	[tilespmem:$0x19F00] =	vst v63  }
0x149: {  	_ =	swait.ge [sflag:s31], $0x28  }
0x14a: {  	p4 =	por $0x0, $0x0;
	s10 =	sadd.s32 $0x19, s16;
	[sflag:s31] =	ssyncset.done $0x0  }
0x14b: {  	s13 =	sadd.s32 $0x19, s13;
	s6 =	sadd.s32 $0x19, s15;
	[sflag:s31] =	ssyncadd.s32 $0xFFFFFFD8  }
0x14c: {  	s14 =	simm.s32 $0x3200;
	s1 =	simm.s32 $0x1900;
	_ =	swait.ge [sflag:s31], $0x1400  }
0x14d: {  	s18 =	sadd.s32 $0x19, s11;
	s11 =	sadd.s32 $0x19, s17;
	[sflag:s31] =	ssyncset.done $0x0  }
.LBB2_4:
0x14e: {  	s15 =	simm.s32 @!p4 $0x2  }
0x14f: {  	[sflag:s31] =	ssyncadd.s32 $0xFFFFEC00;
	s16 =	smov.u32 s14;
	s14 =	sadd.s32 $0x1900, s14  }
0x150: {  	[spmem:s2] =	stream.indirect.scatter.add.f32 [tilespmem:s30], [sflag:$0x2], $0x80, s29, s0, $0xb8;
	[tilespmem:$0x19F00] =	vst v63  }
0x151: {  	p3 =	sne.s32 s14, $0x4E200;
	_ =	swait.ge @!p4 [sflag:s15], $0x1400  }
0x152: {  	[sflag:s15] =	ssyncset.done @!p4 $0x0  }
0x153: {  	s17 =	sadd.s32 s1, s12;
	s1 =	smov.u32 s16;
	[sflag:s15] =	ssyncadd.s32 @!p4 $0xFFFFEC00  }
0x154: {  	[tilespmem:s4], [sflag:$0x1] =	stream.linear.gather [hbm4b:s13+s4], $0x28, $0x38;
	[tilespmem:$0x19F00] =	vst v63  }
0x155: {  	s16 =	sadd.s32 $0x80, s17  }
0x156: {  	[tilespmem:s21], [sflag:$0x1] =	stream.strided.gather [hbm4b:s16+s19], $0x1400, s20, s19, $0x38;
	[tilespmem:$0x19F00] =	vst v63  }
0x157: {  	_ =	swait.ge @!p4 [sflag:s15], $0x1400  }
0x158: {  	[sflag:s15] =	ssyncset.done @!p4 $0x0  }
0x159: {  	[sflag:s15] =	ssyncadd.s32 @!p4 $0xFFFFEC00  }
0x15a: {  	[tilespmem:s22], [sflag:$0x1] =	stream.linear.gather [hbm4b:s18+s4], $0x28, $0x38;
	[tilespmem:$0x19F00] =	vst v63  }
0x15b: {  	s16 =	sadd.s32 $0x580, s17  }
0x15c: {  	[tilespmem:s23], [sflag:$0x1] =	stream.strided.gather [hbm4b:s16+s19], $0x1400, s20, s19, $0x38;
	[tilespmem:$0x19F00] =	vst v63  }
0x15d: {  	_ =	swait.ge @!p4 [sflag:s15], $0x1400  }
0x15e: {  	[sflag:s15] =	ssyncset.done @!p4 $0x0  }
0x15f: {  	[sflag:s15] =	ssyncadd.s32 @!p4 $0xFFFFEC00  }
0x160: {  	[tilespmem:s24], [sflag:$0x1] =	stream.linear.gather [hbm4b:s6+s4], $0x28, $0x38;
	[tilespmem:$0x19F00] =	vst v63  }
0x161: {  	s16 =	sadd.s32 $0xA80, s17  }
0x162: {  	[tilespmem:s25], [sflag:$0x1] =	stream.strided.gather [hbm4b:s16+s19], $0x1400, s20, s19, $0x38;
	[tilespmem:$0x19F00] =	vst v63  }
0x163: {  	_ =	swait.ge @!p4 [sflag:s15], $0x1400  }
0x164: {  	[sflag:s15] =	ssyncset.done @!p4 $0x0  }
0x165: {  	[sflag:s15] =	ssyncadd.s32 @!p4 $0xFFFFEC00  }
0x166: {  	[tilespmem:s26], [sflag:$0x1] =	stream.linear.gather [hbm4b:s11+s4], $0x28, $0x38;
	[tilespmem:$0x19F00] =	vst v63  }
0x167: {  	s16 =	sadd.s32 $0xF80, s17  }
0x168: {  	[tilespmem:s28], [sflag:$0x1] =	stream.strided.gather [hbm4b:s16+s19], $0x1400, s20, s19, $0x38;
	[tilespmem:$0x19F00] =	vst v63  }
0x169: {  	_ =	swait.ge @!p4 [sflag:s15], $0x1400  }
0x16a: {  	[sflag:s15] =	ssyncset.done @!p4 $0x0  }
0x16b: {  	[sflag:s15] =	ssyncadd.s32 @!p4 $0xFFFFEC00  }
0x16c: {  	[tilespmem:s29], [sflag:$0x1] =	stream.linear.gather [hbm4b:s10+s4], $0x28, $0x38;
	[tilespmem:$0x19F00] =	vst v63  }
0x16d: {  	s15 =	sadd.s32 $0x1480, s17  }
0x16e: {  	[tilespmem:s30], [sflag:$0x1] =	stream.strided.gather [hbm4b:s15+s19], $0x1400, s20, s19, $0x38;
	[tilespmem:$0x19F00] =	vst v63  }
0x16f: {  	_ =	swait.ge [sflag:s31], $0x28  }
0x170: {  	[sflag:s31] =	ssyncset.done $0x0  }
0x171: {  	[sflag:s31] =	ssyncadd.s32 $0xFFFFFFD8  }
0x172: {  	_ =	swait.ge [sflag:s31], $0x1400  }
0x173: {  	[sflag:s31] =	ssyncset.done $0x0  }
0x174: {  	[sflag:s31] =	ssyncadd.s32 $0xFFFFEC00  }
0x175: {  	[spmem:s2] =	stream.indirect.scatter.add.f32 [tilespmem:s21], [sflag:$0x2], $0x80, s4, s0, $0xb8;
	[tilespmem:$0x19F00] =	vst v63  }
0x176: {  	_ =	swait.ge [sflag:s31], $0x28  }
0x177: {  	[sflag:s31] =	ssyncset.done $0x0  }
0x178: {  	[sflag:s31] =	ssyncadd.s32 $0xFFFFFFD8  }
0x179: {  	_ =	swait.ge [sflag:s31], $0x1400  }
0x17a: {  	[sflag:s31] =	ssyncset.done $0x0  }
0x17b: {  	[sflag:s31] =	ssyncadd.s32 $0xFFFFEC00  }
0x17c: {  	[spmem:s2] =	stream.indirect.scatter.add.f32 [tilespmem:s23], [sflag:$0x2], $0x80, s22, s0, $0xb8;
	[tilespmem:$0x19F00] =	vst v63  }
0x17d: {  	_ =	swait.ge [sflag:s31], $0x28  }
0x17e: {  	[sflag:s31] =	ssyncset.done $0x0  }
0x17f: {  	[sflag:s31] =	ssyncadd.s32 $0xFFFFFFD8  }
0x180: {  	_ =	swait.ge [sflag:s31], $0x1400  }
0x181: {  	[sflag:s31] =	ssyncset.done $0x0  }
0x182: {  	[sflag:s31] =	ssyncadd.s32 $0xFFFFEC00  }
0x183: {  	[spmem:s2] =	stream.indirect.scatter.add.f32 [tilespmem:s25], [sflag:$0x2], $0x80, s24, s0, $0xb8;
	[tilespmem:$0x19F00] =	vst v63  }
0x184: {  	_ =	swait.ge [sflag:s31], $0x28  }
0x185: {  	[sflag:s31] =	ssyncset.done $0x0  }
0x186: {  	[sflag:s31] =	ssyncadd.s32 $0xFFFFFFD8  }
0x187: {  	_ =	swait.ge [sflag:s31], $0x1400  }
0x188: {  	[sflag:s31] =	ssyncset.done $0x0  }
0x189: {  	[sflag:s31] =	ssyncadd.s32 $0xFFFFEC00  }
0x18a: {  	[spmem:s2] =	stream.indirect.scatter.add.f32 [tilespmem:s28], [sflag:$0x2], $0x80, s26, s0, $0xb8;
	[tilespmem:$0x19F00] =	vst v63  }
.Ltmp1:
0x18b: {  	_ =	swait.ge [sflag:s31], $0x28;
	(pc) =	sbr.rel @p3 .LBB2_4-.Ltmp1, $4  }
0x18c: {  	[sflag:s31] =	ssyncset.done $0x0  }
0x18d: {  	s13 =	sadd.s32 $0x19, s13;
	s18 =	sadd.s32 $0x19, s18;
	[sflag:s31] =	ssyncadd.s32 $0xFFFFFFD8  }
0x18e: {  	s6 =	sadd.s32 $0x19, s6;
	s11 =	sadd.s32 $0x19, s11;
	_ =	swait.ge [sflag:s31], $0x1400  }
0x18f: {  	p4 =	seq.s32 s1, $0x0;
	s10 =	sadd.s32 $0x19, s10;
	[sflag:s31] =	ssyncset.done $0x0  }
0x190: {  	s14 =	simm.s32 @!p4 $0x2;
	[sflag:s31] =	ssyncadd.s32 $0xFFFFEC00  }
0x191: {  	[spmem:s2] =	stream.indirect.scatter.add.f32 [tilespmem:s30], [sflag:$0x2], $0x80, s29, s0, $0xb8;
	[tilespmem:$0x19F00] =	vst v63  }
0x192: {  	_ =	swait.ge @!p4 [sflag:s14], $0x1400  }
0x193: {  	[sflag:s14] =	ssyncset.done @!p4 $0x0  }
0x194: {  	s1 =	sadd.s32 s1, s12;
	[sflag:s14] =	ssyncadd.s32 @!p4 $0xFFFFEC00  }
0x195: {  	[tilespmem:s4], [sflag:$0x1] =	stream.linear.gather [hbm4b:s13+s4], $0x28, $0x38;
	[tilespmem:$0x19F00] =	vst v63  }
0x196: {  	s17 =	sadd.s32 $0x80, s1  }
0x197: {  	[tilespmem:s21], [sflag:$0x1] =	stream.strided.gather [hbm4b:s17+s19], $0x1400, s20, s19, $0x38;
	[tilespmem:$0x19F00] =	vst v63  }
0x198: {  	_ =	swait.ge @!p4 [sflag:s14], $0x1400  }
0x199: {  	[sflag:s14] =	ssyncset.done @!p4 $0x0  }
0x19a: {  	[sflag:s14] =	ssyncadd.s32 @!p4 $0xFFFFEC00  }
0x19b: {  	[tilespmem:s22], [sflag:$0x1] =	stream.linear.gather [hbm4b:s18+s4], $0x28, $0x38;
	[tilespmem:$0x19F00] =	vst v63  }
0x19c: {  	s18 =	sadd.s32 $0x580, s1  }
0x19d: {  	[tilespmem:s23], [sflag:$0x1] =	stream.strided.gather [hbm4b:s18+s19], $0x1400, s20, s19, $0x38;
	[tilespmem:$0x19F00] =	vst v63  }
0x19e: {  	_ =	swait.ge @!p4 [sflag:s14], $0x1400  }
0x19f: {  	[sflag:s14] =	ssyncset.done @!p4 $0x0  }
0x1a0: {  	[sflag:s14] =	ssyncadd.s32 @!p4 $0xFFFFEC00  }
0x1a1: {  	[tilespmem:s24], [sflag:$0x1] =	stream.linear.gather [hbm4b:s6+s4], $0x28, $0x38;
	[tilespmem:$0x19F00] =	vst v63  }
0x1a2: {  	s13 =	sadd.s32 $0xA80, s1  }
0x1a3: {  	[tilespmem:s25], [sflag:$0x1] =	stream.strided.gather [hbm4b:s13+s19], $0x1400, s20, s19, $0x38;
	[tilespmem:$0x19F00] =	vst v63  }
0x1a4: {  	_ =	swait.ge @!p4 [sflag:s14], $0x1400  }
0x1a5: {  	[sflag:s14] =	ssyncset.done @!p4 $0x0  }
0x1a6: {  	[sflag:s14] =	ssyncadd.s32 @!p4 $0xFFFFEC00  }
0x1a7: {  	[tilespmem:s26], [sflag:$0x1] =	stream.linear.gather [hbm4b:s11+s4], $0x28, $0x38;
	[tilespmem:$0x19F00] =	vst v63  }
0x1a8: {  	s15 =	sadd.s32 $0xF80, s1  }
0x1a9: {  	[tilespmem:s28], [sflag:$0x1] =	stream.strided.gather [hbm4b:s15+s19], $0x1400, s20, s19, $0x38;
	[tilespmem:$0x19F00] =	vst v63  }
0x1aa: {  	_ =	swait.ge @!p4 [sflag:s14], $0x1400  }
0x1ab: {  	[sflag:s14] =	ssyncset.done @!p4 $0x0  }
0x1ac: {  	[sflag:s14] =	ssyncadd.s32 @!p4 $0xFFFFEC00  }
0x1ad: {  	[tilespmem:s29], [sflag:$0x1] =	stream.linear.gather [hbm4b:s10+s4], $0x28, $0x38;
	[tilespmem:$0x19F00] =	vst v63  }
0x1ae: {  	s1 =	sadd.s32 $0x1480, s1  }
0x1af: {  	[tilespmem:s30], [sflag:$0x1] =	stream.strided.gather [hbm4b:s1+s19], $0x1400, s20, s19, $0x38;
	[tilespmem:$0x19F00] =	vst v63  }
0x1b0: {  	_ =	swait.ge [sflag:s31], $0x28  }
0x1b1: {  	[sflag:s31] =	ssyncset.done $0x0  }
0x1b2: {  	[sflag:s31] =	ssyncadd.s32 $0xFFFFFFD8  }
0x1b3: {  	_ =	swait.ge [sflag:s31], $0x1400  }
0x1b4: {  	[sflag:s31] =	ssyncset.done $0x0  }
0x1b5: {  	[sflag:s31] =	ssyncadd.s32 $0xFFFFEC00  }
0x1b6: {  	[spmem:s2] =	stream.indirect.scatter.add.f32 [tilespmem:s21], [sflag:$0x2], $0x80, s4, s0, $0xb8;
	[tilespmem:$0x19F00] =	vst v63  }
0x1b7: {  	_ =	swait.ge [sflag:s31], $0x28  }
0x1b8: {  	[sflag:s31] =	ssyncset.done $0x0  }
0x1b9: {  	[sflag:s31] =	ssyncadd.s32 $0xFFFFFFD8  }
0x1ba: {  	_ =	swait.ge [sflag:s31], $0x1400  }
0x1bb: {  	[sflag:s31] =	ssyncset.done $0x0  }
0x1bc: {  	[sflag:s31] =	ssyncadd.s32 $0xFFFFEC00  }
0x1bd: {  	[spmem:s2] =	stream.indirect.scatter.add.f32 [tilespmem:s23], [sflag:$0x2], $0x80, s22, s0, $0xb8;
	[tilespmem:$0x19F00] =	vst v63  }
0x1be: {  	_ =	swait.ge [sflag:s31], $0x28  }
0x1bf: {  	[sflag:s31] =	ssyncset.done $0x0  }
0x1c0: {  	[sflag:s31] =	ssyncadd.s32 $0xFFFFFFD8  }
0x1c1: {  	_ =	swait.ge [sflag:s31], $0x1400  }
0x1c2: {  	[sflag:s31] =	ssyncset.done $0x0  }
0x1c3: {  	[sflag:s31] =	ssyncadd.s32 $0xFFFFEC00  }
0x1c4: {  	[spmem:s2] =	stream.indirect.scatter.add.f32 [tilespmem:s25], [sflag:$0x2], $0x80, s24, s0, $0xb8;
	[tilespmem:$0x19F00] =	vst v63  }
0x1c5: {  	_ =	swait.ge [sflag:s31], $0x28  }
0x1c6: {  	[sflag:s31] =	ssyncset.done $0x0  }
0x1c7: {  	[sflag:s31] =	ssyncadd.s32 $0xFFFFFFD8  }
0x1c8: {  	_ =	swait.ge [sflag:s31], $0x1400  }
0x1c9: {  	[sflag:s31] =	ssyncset.done $0x0  }
0x1ca: {  	[sflag:s31] =	ssyncadd.s32 $0xFFFFEC00  }
0x1cb: {  	[spmem:s2] =	stream.indirect.scatter.add.f32 [tilespmem:s28], [sflag:$0x2], $0x80, s26, s0, $0xb8;
	[tilespmem:$0x19F00] =	vst v63  }
0x1cc: {  	_ =	swait.ge [sflag:s31], $0x28  }
0x1cd: {  	[sflag:s31] =	ssyncset.done $0x0  }
0x1ce: {  	[sflag:s31] =	ssyncadd.s32 $0xFFFFFFD8  }
0x1cf: {  	_ =	swait.ge [sflag:s31], $0x1400  }
0x1d0: {  	[sflag:s31] =	ssyncset.done $0x0  }
0x1d1: {  	[sflag:s31] =	ssyncadd.s32 $0xFFFFEC00  }
0x1d2: {  	[spmem:s2] =	stream.indirect.scatter.add.f32 [tilespmem:s30], [sflag:$0x2], $0x80, s29, s0, $0xb8;
	[tilespmem:$0x19F00] =	vst v63  }
0x1d3: {  	_ =	swait.ge [sflag:s3], $0x1400  }
0x1d4: {  	[sflag:s3] =	ssyncset.done $0x0  }
0x1d5: {  	[sflag:s3] =	ssyncadd.s32 $0xFFFFEC00  }
0x1d6: {  	_ =	swait.ge [sflag:s3], $0x1400  }
0x1d7: {  	[sflag:s3] =	ssyncset.done $0x0  }
0x1d8: {  	[sflag:s3] =	ssyncadd.s32 $0xFFFFEC00  }
0x1d9: {  	_ =	swait.ge [sflag:s3], $0x1400  }
0x1da: {  	[sflag:s3] =	ssyncset.done $0x0  }
0x1db: {  	[sflag:s3] =	ssyncadd.s32 $0xFFFFEC00  }
0x1dc: {  	_ =	swait.ge [sflag:s3], $0x1400  }
0x1dd: {  	[sflag:s3] =	ssyncset.done $0x0  }
0x1de: {  	[sflag:s3] =	ssyncadd.s32 $0xFFFFEC00  }
0x1df: {  	_ =	swait.ge [sflag:s3], $0x1400  }
0x1e0: {  	[sflag:s3] =	ssyncset.done $0x0  }
0x1e1: {  	[sflag:s3] =	ssyncadd.s32 $0xFFFFEC00  }
0x1e2: {  	[bflag:$0x0] =	sbarrier.arrive $0xFFFF  }
0x1e3: {  	s17 =	simm.s32 $0x3;
	s16 =	rddreg [dreg:$0x9]  }
0x1e4: {  	[hbm:s16], [sflag:s7] =	dma.local [spmem:s8], $0x2700  }
0x1e5: {  	_ =	swait.ge [sflag:s17], $0x2700  }
0x1e6: {  	[sflag:s17] =	ssyncset.done $0x0  }
0x1e7: {  	s1 =	rddreg [dreg:$0xa];
	[sflag:s17] =	ssyncadd.s32 $0xFFFFD900  }
0x1e8: {  	[hbm:s1], [sflag:s7] =	dma.local @!p1 [spmem:s9], $0x100  }
0x1e9: {  	s1 =	simm.s32 @!p1 $0x3  }
0x1ea: {  	_ =	swait.ge @!p1 [sflag:s1], $0x100  }
0x1eb: {  	s5 =	sadd.s32 $0x1, s5;
	s18 =	rddreg [dreg:$0xb]  }
0x1ec: {  	[sflag:s1] =	ssyncset.done @!p1 $0x0;
	p3 =	sne.s32 s5, s18  }
.Ltmp2:
0x1ed: {  	[sflag:s1] =	ssyncadd.s32 @!p1 $0xFFFFFF00;
	(pc) =	sbr.rel @p3 .LBB2_1-.Ltmp2, $4  }
0x1ee: {  	[bflag:$0x0] =	sbarrier.arrive $0xFFFF  }
0x1ef: {  	s15 =	rddreg [dreg:$0x2]  }
0x1f0: {  	s16 =	rddreg [dreg:$0xc]  }
0x1f1: {  	s17 =	rddreg [dreg:$0xd]  }
0x1f2: {  	_ =	sfence.sel $0x180000  }
0x1f3: {  	[bflag:$0x0] =	sbarrier.arrive $0xFFFF  }
0x1f4: {  	_ =	strace $0x9000004A  }
0x1f5: {  	[bflag:$0x2] =	sbarrier.arrive $0xFFFF  }
0x1f6: {  	s0 =	rddreg [dreg:$0x4]  }
0x1f7: {  	s0 =	sadd.s32 @!p0 $0x100000, s0  }
0x1f8: {  	[sflag:s0] =	ssyncadd.tile.s32 @!p0 $0x1;
	_ =	shalt  }
.Lfunc_end2:
_tile_overlayer_lowered:
.L_overlay_start_2:
0x1f9: {  	(tag) =	ssettag $0x2  }
0x1fa: {  	s0 =	rddreg [dreg:$0x0];
	s2 =	stileid.u32  }
0x1fb: {  	s1 =	rddreg [dreg:$0x1];
	p0 =	sne.s32 s2, $0x0  }
0x1fc: {  	s3 =	rddreg [dreg:$0x2];
	[bflag:$0x3] =	sbarrier.arrive $0xFFFF;
	s2 =	simm.s32 @!p0 $0x1C03  }
0x1fd: {  	[timem:s3], [sflag:s2] =	dma.local @!p0 [hbm:s0], s1  }
0x1fe: {  	s0 =	simm.s32 @!p0 $0x3  }
0x1ff: {  	_ =	swait.ge @!p0 [sflag:s0], s1  }
0x200: {  	s1 =	ssub.s32 @!p0 $0x0, s1;
	[sflag:s0] =	ssyncset.done @!p0 $0x0  }
0x201: {  	[sflag:s0] =	ssyncadd.s32 @!p0 s1  }
0x202: {  	[bflag:$0x3] =	sbarrier.arrive $0xFFFF  }
0x203: {  	_ =	shalt  }

// kernel: kernel.7.cloned.1.call-start
scs
__scs_entry_jumppad:
0x0: {  	(pc) =	sbr.rel $0x88, $3  }
0x1: {  	(tag) =	ssettag $0x0;
	lr =	simm.s32 $0x1  }
0x2: {  	[smem:$0x3F95] =	sst lr;
	_ =	strace $0xD0000000  }
0x3: {  	_ = 	snop  }
0x4: {  	_ = 	snop  }
0x5: {  	_ = 	snop  }
0x6: {  	_ = 	snop  }
0x7: {  	_ = 	snop  }
__scs_overlays_trampoline_lowered:
0x8: {  	[smem:$0x3FA4] =	sst s0  }
0x9: {  	[smem:$0x3FA5] =	sst s1  }
0xa: {  	[smem:$0x3FA6] =	sst s2  }
0xb: {  	[smem:$0x3FA7] =	sst s3  }
0xc: {  	[smem:$0x3FA8] =	sst s4  }
0xd: {  	[smem:$0x3FA9] =	sst s5  }
0xe: {  	[smem:$0x3FAA] =	sst s6  }
0xf: {  	[smem:$0x3FAB] =	sst s7  }
0x10: {  	[smem:$0x3FAC] =	sst s8  }
0x11: {  	[smem:$0x3FAD] =	sst s9;
	s0 =	simm.s32 @!p0 $0x0  }
0x12: {  	s1 =	sld [smem:$0x3F93];
	s0 =	simm.s32 @p0 $0x1  }
0x13: {  	[smem:$0x3FAE] =	sst s0;
	s0 =	simm.s32 @!p1 $0x0  }
0x14: {  	s2 =	sld [smem:$0x3F92];
	s0 =	simm.s32 @p1 $0x1  }
0x15: {  	[smem:$0x3FAF] =	sst s0;
	s0 =	simm.s32 @!p2 $0x0  }
0x16: {  	s3 =	sld [smem:$0x3FDB];
	s0 =	simm.s32 @p2 $0x1  }
0x17: {  	s4 =	simm.s32 $0x1BF5;
	[smem:$0x3FB1] =	sst s0  }
0x18: {  	s0 =	sld [smem:$0x3F94];
	_ =	swait.ge [sflag:s4], $0x0  }
0x19: {  	s7 =	sld [smem:$0x3F95]  }
0x1a: {  	s8 =	sadd.s32 $0xFFFFE003, lr  }
0x1b: {  	s9 =	sadd.s32 $0xFFFFFEF7, lr;
	s5 =	simm.s32 $0xFFFFFFFF;
	p2 =	slt.u32 s8, $0xFFFFF086  }
0x1c: {  	p1 =	slt.u32 s9, $0xF7A;
	s5 =	simm.s32 @!p2 $0x0  }
0x1d: {  	s5 =	simm.s32 @p1 $0x1;
	p0 =	seq.s32 s7, s2  }
0x1e: {  	s7 =	smul.u32 @!p0 $0xF7A, s2;
	p2 =	seq.s32 @!p0 s5, $0x0  }
0x1f: {  	s9 =	smul.u32 $0xF7A, s1;
	s8 =	simm.s32 @!p0 $0x1BF5;
	p2 =	por !p2, p0  }
0x20: {  	[sflag:s8] =	ssyncset.s32 @!p0 $0xFFFFF086;
	s6 =	sadd.s32 @!p0 s3, s7;
	s7 =	simm.s32 @!p0 $0x108  }
0x21: {  	s3 =	sadd.s32 s3, s9;
	s6 =	sadd.s32 @!p0 $0x88, s6;
	s7 =	simm.s32 @p2 $0x1082  }
0x22: {  	[simem:s7], [sflag:s8] =	dma.local @!p0 [hbm:s6], $0xF7A  }
0x23: {  	s9 =	sor.u32 $0xD0000000, s2;
	s6 =	simm.s32 $0x108;
	_ =	swait.ge @!p0 [sflag:s8], $0x0  }
0x24: {  	s3 =	sadd.s32 $0x88, s3;
	s6 =	simm.s32 @!p1 $0x1082;
	[sflag:s4] =	ssyncset.s32 $0xFFFFF086  }
0x25: {  	[simem:s6], [sflag:s4] =	dma.local [hbm:s3], $0xF7A  }
0x26: {  	[smem:$0x3F95] =	sst s1;
	(tag) =	ssettag s2;
	_ =	strace s9  }
0x27: {  	s1 =	sld [smem:$0x3FA5]  }
0x28: {  	s2 =	sld [smem:$0x3FA6]  }
0x29: {  	s4 =	sld [smem:$0x3FA8]  }
0x2a: {  	p0 =	seq.s32 s5, $0x0;
	s5 =	sld [smem:$0x3FA9]  }
0x2b: {  	s6 =	sld [smem:$0x3FAA]  }
0x2c: {  	s7 =	sld [smem:$0x3FAB]  }
0x2d: {  	s3 =	simm.s32 $0x108;
	s8 =	sld [smem:$0x3FAC]  }
0x2e: {  	s3 =	simm.s32 @!p0 $0x1082;
	s9 =	sld [smem:$0x3FAD]  }
0x2f: {  	lr =	sadd.s32 s0, s3;
	s0 =	sld [smem:$0x3FA4]  }
0x30: {  	s3 =	sld [smem:$0x3FA7]  }
0x31: {  	[smem:$0x3FB0] =	sst s10  }
0x32: {  	s10 =	sld [smem:$0x3FAE];
	_ =	sdelay $0x3  }
0x33: {  	p0 =	seq.s32 s10, $0x1;
	s10 =	sld [smem:$0x3FB0];
	_ =	sdelay $0x3  }
0x34: {  	[smem:$0x3FB0] =	sst s10  }
0x35: {  	s10 =	sld [smem:$0x3FAF];
	_ =	sdelay $0x3  }
0x36: {  	p1 =	seq.s32 s10, $0x1;
	s10 =	sld [smem:$0x3FB0];
	_ =	sdelay $0x3  }
0x37: {  	[smem:$0x3FB0] =	sst s10  }
0x38: {  	s10 =	sld [smem:$0x3FB1]  }
0x39: {  	_ = 	snop;
	(pc) =	sbr.ind lr, $3  }
0x3a: {  	_ = 	snop  }
0x3b: {  	_ = 	snop  }
0x3c: {  	p2 =	seq.s32 s10, $0x1;
	s10 =	sld [smem:$0x3FB0]  }
0x3d: {  	_ =	shalt  }
0x3e: {  	_ =	shalt  }
0x3f: {  	_ =	shalt  }
0x40: {  	_ =	shalt  }
0x41: {  	_ =	shalt  }
0x42: {  	_ =	shalt  }
0x43: {  	_ =	shalt  }
0x44: {  	_ =	shalt  }
0x45: {  	_ =	shalt  }
0x46: {  	_ =	shalt  }
0x47: {  	_ =	shalt  }
0x48: {  	_ =	shalt  }
0x49: {  	_ =	shalt  }
0x4a: {  	_ =	shalt  }
0x4b: {  	_ =	shalt  }
0x4c: {  	_ =	shalt  }
0x4d: {  	_ =	shalt  }
0x4e: {  	_ =	shalt  }
0x4f: {  	_ =	shalt  }
0x50: {  	_ =	shalt  }
0x51: {  	_ =	shalt  }
0x52: {  	_ =	shalt  }
0x53: {  	_ =	shalt  }
0x54: {  	_ =	shalt  }
0x55: {  	_ =	shalt  }
0x56: {  	_ =	shalt  }
0x57: {  	_ =	shalt  }
0x58: {  	_ =	shalt  }
0x59: {  	_ =	shalt  }
0x5a: {  	_ =	shalt  }
0x5b: {  	_ =	shalt  }
0x5c: {  	_ =	shalt  }
0x5d: {  	_ =	shalt  }
0x5e: {  	_ =	shalt  }
0x5f: {  	_ =	shalt  }
0x60: {  	_ =	shalt  }
0x61: {  	_ =	shalt  }
0x62: {  	_ =	shalt  }
0x63: {  	_ =	shalt  }
0x64: {  	_ =	shalt  }
0x65: {  	_ =	shalt  }
0x66: {  	_ =	shalt  }
0x67: {  	_ =	shalt  }
0x68: {  	_ =	shalt  }
0x69: {  	_ =	shalt  }
0x6a: {  	_ =	shalt  }
0x6b: {  	_ =	shalt  }
0x6c: {  	_ =	shalt  }
0x6d: {  	_ =	shalt  }
0x6e: {  	_ =	shalt  }
0x6f: {  	_ =	shalt  }
0x70: {  	_ =	shalt  }
0x71: {  	_ =	shalt  }
0x72: {  	_ =	shalt  }
0x73: {  	_ =	shalt  }
0x74: {  	_ =	shalt  }
0x75: {  	_ =	shalt  }
0x76: {  	_ =	shalt  }
0x77: {  	_ =	shalt  }
0x78: {  	_ =	shalt  }
0x79: {  	_ =	shalt  }
0x7a: {  	_ =	shalt  }
0x7b: {  	_ =	shalt  }
0x7c: {  	_ =	shalt  }
0x7d: {  	_ =	shalt  }
0x7e: {  	_ =	shalt  }
0x7f: {  	_ =	shalt  }
0x80: {  	_ =	shalt  }
0x81: {  	_ =	shalt  }
0x82: {  	_ =	shalt  }
0x83: {  	_ =	shalt  }
0x84: {  	_ =	shalt  }
0x85: {  	_ =	shalt  }
0x86: {  	_ =	shalt  }
0x87: {  	_ =	shalt  }
.Lfunc_end0:
.L_simem_size_0:
called_computation_lowered:
.L_overlay_start_0:
0x88: {  	s2 =	sld [smem:$0x3FD9]  }
0x89: {  	s3 =	sld [smem:$0x3FFE];
	_ =	sdelay $0x1  }
0x8a: {  	s1 =	srdreg.scid  }
0x8b: {  	s0 =	sand.u32 $0x1, s1  }
0x8c: {  	s17 =	sshll.u32 s0, $0xA;
	s2 =	sadd.s32 s3, s2  }
0x8d: {  	s2 =	sadd.s32 s2, s17  }
0x8e: {  	[smem:$0x3FBC] =	sst s2  }
0x8f: {  	_ = 	snop  }
0x90: {  	s2 =	sld [smem:$0x3FC7]  }
0x91: {  	s18 =	sld [smem:$0x3FC6]  }
0x92: {  	s4 =	sld [smem:$0x3FD0];
	(tm) =	ssettm $0x1  }
0x93: {  	s5 =	sld [smem:$0x3FFB];
	_ =	sdelay $0x3  }
0x94: {  	_ =	strace s5  }
0x95: {  	s5 =	sld [smem:$0x3FFC];
	_ =	sdelay $0x3  }
0x96: {  	_ =	strace s5  }
0x97: {  	s5 =	sld [smem:$0x3FFD];
	_ =	sdelay $0x3  }
0x98: {  	_ =	strace s5  }
0x99: {  	_ =	strace $0x8FFFFFFF  }
0x9a: {  	s19 =	sld [smem:$0x3FDB];
	_ =	sdelay $0x1  }
0x9b: {  	s6 =	simm.s32 $_scs_section_size  }
0x9c: {  	s7 =	simm.s32 $_size__tile_overlayer_lowered;
	s8 =	simm.s32 $_tile_overlayer_lowered  }
0x9d: {  	s22 =	simm.s32 $0x1BFF;
	s21 =	sshll.u32 s8, $0x1;
	s5 =	sadd.s32 s6, s19  }
0x9e: {  	s9 =	simm.s32 $0x0;
	s20 =	sshll.u32 s7, $0x1;
	s7 =	sadd.s32 s21, s5  }
0x9f: {  	[timem:s9], [sflag:s22] =	dma.local [hbm:s7], s20  }
0xa0: {  	_ =	swait.ge [sflag:s22], s20  }
0xa1: {  	s6 =	ssub.s32 $0x0, s20;
	[sflag:s22] =	ssyncset.done $0x0  }
0xa2: {  	[sflag:s22] =	ssyncadd.s32 s6;
	_ =	sdelay $0x1  }
0xa3: {  	s23 =	simm.s32 $0x1B8B  }
0xa4: {  	_ =	swait.ge [sflag:s23], $0x1  }
0xa5: {  	[sflag:s23] =	ssyncset.done $0x0  }
0xa6: {  	s25 =	simm.s32 $0x1B8E;
	s24 =	sld [smem:$0x3FFE];
	[sflag:s23] =	ssyncadd.s32 $0xFFFFFFFF  }
0xa7: {  	s26 =	simm.s32 $execute0_lowered;
	[smem:$0x3FD2] =	sst s25  }
0xa8: {  	s7 =	sshll.u32 s26, $0x1;
	_ =	strace $0x80000046;
	[dreg:$0x1] =	wrdreg $0xFFFFFFFF  }
0xa9: {  	s28 =	simm.s32 $_size_execute0_lowered;
	s5 =	sadd.s32 s5, s7;
	[dreg:$0x0] =	wrdreg $0x0  }
0xaa: {  	s7 =	sshll.u32 s28, $0x1;
	[dreg:$0x2] =	wrdreg s5  }
0xab: {  	[dreg:$0x3] =	wrdreg s7  }
0xac: {  	[dreg:$0x4] =	wrdreg $0xC0  }
0xad: {  	_ =	task [dreg:s9], $0x5FFFF  }
0xae: {  	[dreg:$0x1] =	wrdreg $0xFFFFFFFF  }
0xaf: {  	[dreg:$0x0] =	wrdreg $0x60  }
0xb0: {  	[dreg:$0x2] =	wrdreg s4  }
0xb1: {  	[dreg:$0x3] =	wrdreg s24  }
0xb2: {  	[dreg:$0x4] =	wrdreg s2  }
0xb3: {  	[dreg:$0x5] =	wrdreg s18  }
0xb4: {  	[dreg:$0x6] =	wrdreg $0x9  }
0xb5: {  	_ =	task.clear_ibuf [dreg:s9], $0x7FFFF;
	_ =	strace $0x90000046  }
0xb6: {  	s29 =	simm.s32 $0x9;
	_ =	strace $0x80000048  }
0xb7: {  	_ =	swait.ge [sflag:s29], $0x1  }
0xb8: {  	[sflag:s29] =	ssyncadd.s32 $0xFFFFFFFF  }
0xb9: {  	_ =	strace $0x90000048  }
0xba: {  	_ =	sfence  }
0xbb: {  	s30 =	sld [smem:$0x0];
	_ =	sdelay $0x2  }
0xbc: {  	s31 =	sshll.u32 s1, $0xD;
	s1 =	sshrl.u32 s1, $0x2  }
0xbd: {  	s3 =	sand.u32 $0x4000, s31;
	s1 =	sadd.s32 s1, s30  }
0xbe: {  	s0 =	sor.u32 s3, s0;
	s1 =	sshll.u32 s1, $0x11  }
0xbf: {  	s0 =	sor.u32 s1, s0  }
0xc0: {  	s0 =	sadd.s32 $0x8F2B, s0  }
0xc1: {  	[sflag:s0] =	ssyncadd.remote.s32 $0x1  }
0xc2: {  	_ =	sfence.sel $0xFFFF  }
0xc3: {  	[dreg:$0x0] =	wrdreg $0xFFFFFFFF;
	(pc) =	sbr.abs _section_cstart, $3  }
0xc4: {  	[dreg:$0x1] =	wrdreg $0xFFFFFFFF  }
0xc5: {  	_ =	task.clear_ibuf [dreg:s9], $0x2FFFF;
	_ =	strace $0x9FFFFFFF  }
0xc6: {  	(tm) =	ssettm $0x7FFFFFFF  }
0xc7: {  	_ =	shalt  }
tec
execute0_lowered:
.L_overlay_start_1:
0x0: {  	(tag) =	ssettag $0x1  }
0x1: {  	s1 =	rddreg [dreg:$0x0]  }
0x2: {  	s5 =	rddreg [dreg:$0x1]  }
0x3: {  	s6 =	rddreg [dreg:$0x2]  }
0x4: {  	s7 =	rddreg [dreg:$0x3];
	s3 =	simm.s32 $0x0  }
0x5: {  	s13 =	simm.s32 $0xBB00;
	[smem:$0x7FF] =	sst s3  }
0x6: {  	s20 =	simm.s32 $0xC300;
	_ =	strace $0x80000047;
	[dreg:$0x5] =	wrdreg s13  }
0x7: {  	s22 =	simm.s32 $0xCB00;
	[dreg:$0x6] =	wrdreg s20  }
0x8: {  	s0 =	stileid.u32;
	s23 =	simm.s32 $0xD300;
	[dreg:$0x7] =	wrdreg s22  }
0x9: {  	s4 =	srdreg.scid;
	s24 =	simm.s32 $0xE300;
	[dreg:$0x8] =	wrdreg s23  }
0xa: {  	s25 =	simm.s32 $0xEB00;
	s26 =	simm.s32 $0xF300;
	[dreg:$0x9] =	wrdreg s24  }
0xb: {  	s28 =	simm.s32 $0xFB00;
	s29 =	simm.s32 $0x10B00;
	[dreg:$0xa] =	wrdreg s25  }
0xc: {  	s30 =	simm.s32 $0x11300;
	s31 =	simm.s32 $0x11B00;
	[dreg:$0xb] =	wrdreg s26  }
0xd: {  	s14 =	simm.s32 $0x12300;
	s15 =	simm.s32 $0x13300;
	[dreg:$0xc] =	wrdreg s28  }
0xe: {  	s16 =	simm.s32 $0x13B00;
	s8 =	smul.u32 $0x4E200, s0;
	[dreg:$0xd] =	wrdreg s29  }
0xf: {  	s9 =	sand.u32 $0x1, s4;
	s17 =	sshll.u32 s0, $0x1;
	[dreg:$0xe] =	wrdreg s30  }
0x10: {  	s10 =	smul.u32 $0x9C400, s0;
	s4 =	sor.u32 s9, s17;
	[dreg:$0xf] =	wrdreg s31  }
0x11: {  	s18 =	ssub.s32 $0x2, s9;
	s21 =	smul.u32 $0x4E200, s9;
	[dreg:$0x10] =	wrdreg s14  }
0x12: {  	s9 =	smul.u32 $0x27100, s9;
	s13 =	simm.s32 $0x4F00;
	[dreg:$0x11] =	wrdreg s15  }
0x13: {  	s14 =	simm.s32 $0xB300;
	s15 =	simm.s32 $0x6300;
	[dreg:$0x12] =	wrdreg s16  }
0x14: {  	s17 =	simm.s32 $0x14300;
	s16 =	simm.s32 $0xDB00;
	s20 =	simm.s32 $0x16300  }
0x15: {  	s23 =	simm.s32 $0x17300;
	s22 =	simm.s32 $0x15300;
	s24 =	simm.s32 $0x2  }
0x16: {  	s25 =	simm.s32 $0x0;
	s11 =	smul.u32 $0x2710, s4;
	s4 =	sadd.s32 $0x1E00, s5  }
0x17: {  	s12 =	sadd.s32 s8, s5;
	s10 =	sadd.s32 s10, s5;
	[dreg:$0x13] =	wrdreg s17  }
0x18: {  	s19 =	sshrl.u32 s18, $0x1;
	s17 =	simm.s32 $0x7700;
	[dreg:$0x16] =	wrdreg s20  }
0x19: {  	s20 =	simm.s32 $0x12B00;
	[dreg:$0x18] =	wrdreg s23;
	s23 =	simm.s32 $0x1  }
0x1a: {  	s8 =	ssub.s32 s18, s19;
	s10 =	sadd.s32 s21, s10;
	s9 =	sadd.s32 s9, s12  }
0x1b: {  	s12 =	simm.s32 $0x28;
	s18 =	simm.s32 $0x14B00;
	s19 =	simm.s32 $0x15B00  }
0x1c: {  	s21 =	simm.s32 $0x16B00;
	s11 =	sshrl.u32 s11, $0x3;
	[dreg:$0x14] =	wrdreg s18  }
0x1d: {  	s9 =	sadd.s32 $0x50A00, s9;
	s18 =	simm.s32 $0x10300;
	[dreg:$0x15] =	wrdreg s19  }
0x1e: {  	v2 =	vlaneseq.u32;
	s19 =	simm.s32 $0x8B00;
	[dreg:$0x17] =	wrdreg s21;
	s21 =	simm.s32 $0x9F00  }
0x1f: {  	vm0 =	vmmov $0xffff;
	v1 =	vshrl.u32 v2, $0x3;
	s5 =	sadd.s32 s6, s11;
	s6 =	sadd.s32 s7, s11;
	s7 =	smax.u32 s8, $0x1  }
0x20: {  	v0 =	vand.u32 $0x7, v2;
	v2 =	vor.u32 $0x8, v2;
	v1 =	vmul.u32 $0x8, v1;
	s8 =	sadd.s32 $0x533400, s10;
	s10 =	simm.s32 $0x3;
	s11 =	simm.s32 $0x2780  }
.LBB2_1:
0x21: {  	[tilespmem:s3], [sflag:$0x3] =	stream.linear.gather [hbm4b:s5+s3], $0x2710, $0x38;
	[tilespmem:$0x17B00] =	vst v63  }
0x22: {  	_ =	swait.ge [sflag:s10], $0x2710  }
0x23: {  	[sflag:s10] =	ssyncset.done $0x0  }
0x24: {  	[sflag:s10] =	ssyncadd.s32 $0xFFFFD8F0  }
0x25: {  	[tilespmem:s11], [sflag:$0x3] =	stream.linear.gather [hbm4b:s6+s3], $0x2710, $0x38;
	[tilespmem:$0x17B00] =	vst v63  }
0x26: {  	_ =	swait.ge [sflag:s10], $0x2710  }
0x27: {  	s26 =	smov.u32 s9;
	[sflag:s10] =	ssyncset.done $0x0  }
0x28: {  	s28 =	smov.u32 s8;
	s29 =	simm.s32 $0x0;
	[sflag:s10] =	ssyncadd.s32 $0xFFFFD8F0  }
.LBB2_2:
0x29: {  	p0 =	seq.s32 s29, $0x0  }
0x2a: {  	s31 =	simm.s32 @!p0 $0x2  }
0x2b: {  	_ =	swait.ge @!p0 [sflag:s31], $0x1400  }
0x2c: {  	[sflag:s31] =	ssyncset.done @!p0 $0x0  }
0x2d: {  	[sflag:s31] =	ssyncadd.s32 @!p0 $0xFFFFEC00  }
0x2e: {  	_ =	swait.ge @!p0 [sflag:s31], $0x2800  }
0x2f: {  	[sflag:s31] =	ssyncset.done @!p0 $0x0  }
0x30: {  	s30 =	sshra.s32 s29, $0x2;
	[sflag:s31] =	ssyncadd.s32 @!p0 $0xFFFFD800  }
0x31: {  	[tilespmem:s13], [sflag:$0x1] =	stream.indirect.gather [hbm4b:s1+s12], $0x80, s30, s12, $0xb8;
	[tilespmem:$0x17B00] =	vst v63  }
0x32: {  	v3 =	vld [tilespmem:s30+$0x2780];
	_ =	sdelay $0x4  }
0x33: {  	v4 =	vshll.u32 v3, $0x1  }
0x34: {  	v3 =	vand.u32 $0x7, v3;
	v4 =	vand.u32 $0xFFFFFFF0, v4  }
0x35: {  	v3 =	vor.u32 v3, v4  }
0x36: {  	v4 =	vperm.xlane v3, v0;
	_ =	sdelay $0x1  }
0x37: {  	v3 =	vperm.xlane v3, v2;
	v4 =	vadd.s32 v1, v4;
	_ =	sdelay $0x1  }
0x38: {  	v3 =	vadd.s32 v1, v3;
	_ =	sdelay $0x2  }
0x39: {  	[tilespmem:s14], [sflag:$0x1] =	stream.indirect_vreg.gather [hbm4b:s4+s3], $0x80, v4, vm0, $0xb8;
	[tilespmem:$0x17B00] =	vst v63  }
0x3a: {  	s0 =	rddreg [dreg:$0x5]  }
0x3b: {  	[tilespmem:s0], [sflag:$0x1] =	stream.indirect_vreg.gather [hbm4b:s4+s3], $0x80, v3, vm0, $0xb8;
	[tilespmem:$0x17B00] =	vst v63  }
0x3c: {  	v3 =	vld [tilespmem:s30+$0x2790];
	_ =	sdelay $0x4  }
0x3d: {  	v50 =	vshll.u32 v3, $0x1  }
0x3e: {  	v3 =	vand.u32 $0x7, v3;
	v4 =	vand.u32 $0xFFFFFFF0, v50  }
0x3f: {  	v3 =	vor.u32 v3, v4  }
0x40: {  	v4 =	vperm.xlane v3, v0;
	_ =	sdelay $0x1  }
0x41: {  	v3 =	vperm.xlane v3, v2;
	v4 =	vadd.s32 v1, v4;
	_ =	sdelay $0x1  }
0x42: {  	v3 =	vadd.s32 v1, v3;
	_ =	sdelay $0x1  }
0x43: {  	s0 =	rddreg [dreg:$0x6]  }
0x44: {  	[tilespmem:s0], [sflag:$0x1] =	stream.indirect_vreg.gather [hbm4b:s4+s3], $0x80, v4, vm0, $0xb8;
	[tilespmem:$0x17B00] =	vst v63  }
0x45: {  	s2 =	rddreg [dreg:$0x7]  }
0x46: {  	[tilespmem:s2], [sflag:$0x1] =	stream.indirect_vreg.gather [hbm4b:s4+s3], $0x80, v3, vm0, $0xb8;
	[tilespmem:$0x17B00] =	vst v63  }
0x47: {  	v3 =	vld.msk [tilespmem:s30+$0x27A0], $0xff;
	_ =	sdelay $0x4  }
0x48: {  	v51 =	vshll.u32 v3, $0x1  }
0x49: {  	v3 =	vand.u32 $0x7, v3;
	v4 =	vand.u32 $0xFFFFFFF0, v51  }
0x4a: {  	v3 =	vor.u32 v3, v4  }
0x4b: {  	v3 =	vperm.xlane v3, v0;
	_ =	sdelay $0x1  }
0x4c: {  	v3 =	vadd.s32 v1, v3;
	_ =	sdelay $0x3  }
0x4d: {  	s2 =	rddreg [dreg:$0x8]  }
0x4e: {  	[tilespmem:s2], [sflag:$0x1] =	stream.indirect_vreg.gather [hbm4b:s4+s3], $0x80, v3, vm0, $0xb8;
	[tilespmem:$0x17B00] =	vst v63  }
0x4f: {  	_ =	swait.ge @!p0 [sflag:s31], $0x1400  }
0x50: {  	[sflag:s31] =	ssyncset.done @!p0 $0x0  }
0x51: {  	[sflag:s31] =	ssyncadd.s32 @!p0 $0xFFFFEC00  }
0x52: {  	_ =	swait.ge @!p0 [sflag:s31], $0x2800  }
0x53: {  	[sflag:s31] =	ssyncset.done @!p0 $0x0  }
0x54: {  	s2 =	sadd.s32 $0x28, s30;
	[sflag:s31] =	ssyncadd.s32 @!p0 $0xFFFFD800  }
0x55: {  	[tilespmem:s15], [sflag:$0x1] =	stream.indirect.gather [hbm4b:s1+s12], $0x80, s2, s12, $0xb8;
	[tilespmem:$0x17B00] =	vst v63  }
0x56: {  	v3 =	vld [tilespmem:s30+$0x27A8];
	_ =	sdelay $0x4  }
0x57: {  	v52 =	vshll.u32 v3, $0x1  }
0x58: {  	v3 =	vand.u32 $0x7, v3;
	v4 =	vand.u32 $0xFFFFFFF0, v52  }
0x59: {  	v3 =	vor.u32 v3, v4  }
0x5a: {  	v4 =	vperm.xlane v3, v0;
	_ =	sdelay $0x1  }
0x5b: {  	v3 =	vperm.xlane v3, v2;
	v4 =	vadd.s32 v1, v4;
	_ =	sdelay $0x1  }
0x5c: {  	v3 =	vadd.s32 v1, v3;
	_ =	sdelay $0x2  }
0x5d: {  	[tilespmem:s16], [sflag:$0x1] =	stream.indirect_vreg.gather [hbm4b:s4+s3], $0x80, v4, vm0, $0xb8;
	[tilespmem:$0x17B00] =	vst v63  }
0x5e: {  	s2 =	rddreg [dreg:$0x9]  }
0x5f: {  	[tilespmem:s2], [sflag:$0x1] =	stream.indirect_vreg.gather [hbm4b:s4+s3], $0x80, v3, vm0, $0xb8;
	[tilespmem:$0x17B00] =	vst v63  }
0x60: {  	v3 =	vld [tilespmem:s30+$0x27B8];
	_ =	sdelay $0x4  }
0x61: {  	v53 =	vshll.u32 v3, $0x1  }
0x62: {  	v3 =	vand.u32 $0x7, v3;
	v4 =	vand.u32 $0xFFFFFFF0, v53  }
0x63: {  	v3 =	vor.u32 v3, v4  }
0x64: {  	v4 =	vperm.xlane v3, v0;
	_ =	sdelay $0x1  }
0x65: {  	v3 =	vperm.xlane v3, v2;
	v4 =	vadd.s32 v1, v4;
	_ =	sdelay $0x1  }
0x66: {  	v3 =	vadd.s32 v1, v3;
	_ =	sdelay $0x1  }
0x67: {  	s0 =	rddreg [dreg:$0xa]  }
0x68: {  	[tilespmem:s0], [sflag:$0x1] =	stream.indirect_vreg.gather [hbm4b:s4+s3], $0x80, v4, vm0, $0xb8;
	[tilespmem:$0x17B00] =	vst v63  }
0x69: {  	s2 =	rddreg [dreg:$0xb]  }
0x6a: {  	[tilespmem:s2], [sflag:$0x1] =	stream.indirect_vreg.gather [hbm4b:s4+s3], $0x80, v3, vm0, $0xb8;
	[tilespmem:$0x17B00] =	vst v63  }
0x6b: {  	v3 =	vld.msk [tilespmem:s30+$0x27C8], $0xff;
	_ =	sdelay $0x4  }
0x6c: {  	v54 =	vshll.u32 v3, $0x1  }
0x6d: {  	v3 =	vand.u32 $0x7, v3;
	v4 =	vand.u32 $0xFFFFFFF0, v54  }
0x6e: {  	v3 =	vor.u32 v3, v4  }
0x6f: {  	v3 =	vperm.xlane v3, v0;
	_ =	sdelay $0x1  }
0x70: {  	v3 =	vadd.s32 v1, v3;
	_ =	sdelay $0x3  }
0x71: {  	s2 =	rddreg [dreg:$0xc]  }
0x72: {  	[tilespmem:s2], [sflag:$0x1] =	stream.indirect_vreg.gather [hbm4b:s4+s3], $0x80, v3, vm0, $0xb8;
	[tilespmem:$0x17B00] =	vst v63  }
0x73: {  	_ =	swait.ge @!p0 [sflag:s31], $0x1400  }
0x74: {  	[sflag:s31] =	ssyncset.done @!p0 $0x0  }
0x75: {  	[sflag:s31] =	ssyncadd.s32 @!p0 $0xFFFFEC00  }
0x76: {  	_ =	swait.ge @!p0 [sflag:s31], $0x2800  }
0x77: {  	[sflag:s31] =	ssyncset.done @!p0 $0x0  }
0x78: {  	s2 =	sadd.s32 $0x50, s30;
	[sflag:s31] =	ssyncadd.s32 @!p0 $0xFFFFD800  }
0x79: {  	[tilespmem:s17], [sflag:$0x1] =	stream.indirect.gather [hbm4b:s1+s12], $0x80, s2, s12, $0xb8;
	[tilespmem:$0x17B00] =	vst v63  }
0x7a: {  	v3 =	vld [tilespmem:s30+$0x27D0];
	_ =	sdelay $0x4  }
0x7b: {  	v55 =	vshll.u32 v3, $0x1  }
0x7c: {  	v3 =	vand.u32 $0x7, v3;
	v4 =	vand.u32 $0xFFFFFFF0, v55  }
0x7d: {  	v3 =	vor.u32 v3, v4  }
0x7e: {  	v4 =	vperm.xlane v3, v0;
	_ =	sdelay $0x1  }
0x7f: {  	v3 =	vperm.xlane v3, v2;
	v4 =	vadd.s32 v1, v4;
	_ =	sdelay $0x1  }
0x80: {  	v3 =	vadd.s32 v1, v3;
	_ =	sdelay $0x2  }
0x81: {  	[tilespmem:s18], [sflag:$0x1] =	stream.indirect_vreg.gather [hbm4b:s4+s3], $0x80, v4, vm0, $0xb8;
	[tilespmem:$0x17B00] =	vst v63  }
0x82: {  	s2 =	rddreg [dreg:$0xd]  }
0x83: {  	[tilespmem:s2], [sflag:$0x1] =	stream.indirect_vreg.gather [hbm4b:s4+s3], $0x80, v3, vm0, $0xb8;
	[tilespmem:$0x17B00] =	vst v63  }
0x84: {  	v3 =	vld [tilespmem:s30+$0x27E0];
	_ =	sdelay $0x4  }
0x85: {  	v56 =	vshll.u32 v3, $0x1  }
0x86: {  	v3 =	vand.u32 $0x7, v3;
	v4 =	vand.u32 $0xFFFFFFF0, v56  }
0x87: {  	v3 =	vor.u32 v3, v4  }
0x88: {  	v4 =	vperm.xlane v3, v0;
	_ =	sdelay $0x1  }
0x89: {  	v3 =	vperm.xlane v3, v2;
	v4 =	vadd.s32 v1, v4;
	_ =	sdelay $0x1  }
0x8a: {  	v3 =	vadd.s32 v1, v3;
	_ =	sdelay $0x1  }
0x8b: {  	s0 =	rddreg [dreg:$0xe]  }
0x8c: {  	[tilespmem:s0], [sflag:$0x1] =	stream.indirect_vreg.gather [hbm4b:s4+s3], $0x80, v4, vm0, $0xb8;
	[tilespmem:$0x17B00] =	vst v63  }
0x8d: {  	s2 =	rddreg [dreg:$0xf]  }
0x8e: {  	[tilespmem:s2], [sflag:$0x1] =	stream.indirect_vreg.gather [hbm4b:s4+s3], $0x80, v3, vm0, $0xb8;
	[tilespmem:$0x17B00] =	vst v63  }
0x8f: {  	v3 =	vld.msk [tilespmem:s30+$0x27F0], $0xff;
	_ =	sdelay $0x4  }
0x90: {  	v57 =	vshll.u32 v3, $0x1  }
0x91: {  	v3 =	vand.u32 $0x7, v3;
	v4 =	vand.u32 $0xFFFFFFF0, v57  }
0x92: {  	v3 =	vor.u32 v3, v4  }
0x93: {  	v3 =	vperm.xlane v3, v0;
	_ =	sdelay $0x1  }
0x94: {  	v3 =	vadd.s32 v1, v3;
	_ =	sdelay $0x3  }
0x95: {  	s2 =	rddreg [dreg:$0x10]  }
0x96: {  	[tilespmem:s2], [sflag:$0x1] =	stream.indirect_vreg.gather [hbm4b:s4+s3], $0x80, v3, vm0, $0xb8;
	[tilespmem:$0x17B00] =	vst v63  }
0x97: {  	_ =	swait.ge @!p0 [sflag:s31], $0x1400  }
0x98: {  	[sflag:s31] =	ssyncset.done @!p0 $0x0  }
0x99: {  	[sflag:s31] =	ssyncadd.s32 @!p0 $0xFFFFEC00  }
0x9a: {  	_ =	swait.ge @!p0 [sflag:s31], $0x2800  }
0x9b: {  	[sflag:s31] =	ssyncset.done @!p0 $0x0  }
0x9c: {  	s2 =	sadd.s32 $0x78, s30;
	[sflag:s31] =	ssyncadd.s32 @!p0 $0xFFFFD800  }
0x9d: {  	[tilespmem:s19], [sflag:$0x1] =	stream.indirect.gather [hbm4b:s1+s12], $0x80, s2, s12, $0xb8;
	[tilespmem:$0x17B00] =	vst v63  }
0x9e: {  	v3 =	vld [tilespmem:s30+$0x27F8];
	_ =	sdelay $0x4  }
0x9f: {  	v58 =	vshll.u32 v3, $0x1  }
0xa0: {  	v3 =	vand.u32 $0x7, v3;
	v4 =	vand.u32 $0xFFFFFFF0, v58  }
0xa1: {  	v3 =	vor.u32 v3, v4  }
0xa2: {  	v4 =	vperm.xlane v3, v0;
	_ =	sdelay $0x1  }
0xa3: {  	v3 =	vperm.xlane v3, v2;
	v4 =	vadd.s32 v1, v4;
	_ =	sdelay $0x1  }
0xa4: {  	v3 =	vadd.s32 v1, v3;
	_ =	sdelay $0x2  }
0xa5: {  	[tilespmem:s20], [sflag:$0x1] =	stream.indirect_vreg.gather [hbm4b:s4+s3], $0x80, v4, vm0, $0xb8;
	[tilespmem:$0x17B00] =	vst v63  }
0xa6: {  	s2 =	rddreg [dreg:$0x11]  }
0xa7: {  	[tilespmem:s2], [sflag:$0x1] =	stream.indirect_vreg.gather [hbm4b:s4+s3], $0x80, v3, vm0, $0xb8;
	[tilespmem:$0x17B00] =	vst v63  }
0xa8: {  	v3 =	vld [tilespmem:s30+$0x2808];
	_ =	sdelay $0x4  }
0xa9: {  	v59 =	vshll.u32 v3, $0x1  }
0xaa: {  	v3 =	vand.u32 $0x7, v3;
	v4 =	vand.u32 $0xFFFFFFF0, v59  }
0xab: {  	v3 =	vor.u32 v3, v4  }
0xac: {  	v4 =	vperm.xlane v3, v0;
	_ =	sdelay $0x1  }
0xad: {  	v3 =	vperm.xlane v3, v2;
	v4 =	vadd.s32 v1, v4;
	_ =	sdelay $0x1  }
0xae: {  	v3 =	vadd.s32 v1, v3;
	_ =	sdelay $0x1  }
0xaf: {  	s0 =	rddreg [dreg:$0x12]  }
0xb0: {  	[tilespmem:s0], [sflag:$0x1] =	stream.indirect_vreg.gather [hbm4b:s4+s3], $0x80, v4, vm0, $0xb8;
	[tilespmem:$0x17B00] =	vst v63  }
0xb1: {  	s2 =	rddreg [dreg:$0x13]  }
0xb2: {  	[tilespmem:s2], [sflag:$0x1] =	stream.indirect_vreg.gather [hbm4b:s4+s3], $0x80, v3, vm0, $0xb8;
	[tilespmem:$0x17B00] =	vst v63  }
0xb3: {  	v3 =	vld.msk [tilespmem:s30+$0x2818], $0xff;
	_ =	sdelay $0x4  }
0xb4: {  	v60 =	vshll.u32 v3, $0x1  }
0xb5: {  	v3 =	vand.u32 $0x7, v3;
	v4 =	vand.u32 $0xFFFFFFF0, v60  }
0xb6: {  	v3 =	vor.u32 v3, v4  }
0xb7: {  	v3 =	vperm.xlane v3, v0;
	_ =	sdelay $0x1  }
0xb8: {  	v3 =	vadd.s32 v1, v3;
	_ =	sdelay $0x3  }
0xb9: {  	s2 =	rddreg [dreg:$0x14]  }
0xba: {  	[tilespmem:s2], [sflag:$0x1] =	stream.indirect_vreg.gather [hbm4b:s4+s3], $0x80, v3, vm0, $0xb8;
	[tilespmem:$0x17B00] =	vst v63  }
0xbb: {  	_ =	swait.ge @!p0 [sflag:s31], $0x1400  }
0xbc: {  	[sflag:s31] =	ssyncset.done @!p0 $0x0  }
0xbd: {  	[sflag:s31] =	ssyncadd.s32 @!p0 $0xFFFFEC00  }
0xbe: {  	_ =	swait.ge @!p0 [sflag:s31], $0x2800  }
0xbf: {  	[sflag:s31] =	ssyncset.done @!p0 $0x0  }
0xc0: {  	s2 =	sadd.s32 $0xA0, s30;
	[sflag:s31] =	ssyncadd.s32 @!p0 $0xFFFFD800  }
0xc1: {  	[tilespmem:s21], [sflag:$0x1] =	stream.indirect.gather [hbm4b:s1+s12], $0x80, s2, s12, $0xb8;
	[tilespmem:$0x17B00] =	vst v63  }
0xc2: {  	v3 =	vld [tilespmem:s30+$0x2820];
	_ =	sdelay $0x4  }
0xc3: {  	v61 =	vshll.u32 v3, $0x1  }
0xc4: {  	v3 =	vand.u32 $0x7, v3;
	v4 =	vand.u32 $0xFFFFFFF0, v61  }
0xc5: {  	v3 =	vor.u32 v3, v4  }
0xc6: {  	v4 =	vperm.xlane v3, v0;
	_ =	sdelay $0x1  }
0xc7: {  	v3 =	vperm.xlane v3, v2;
	v4 =	vadd.s32 v1, v4;
	_ =	sdelay $0x1  }
0xc8: {  	v3 =	vadd.s32 v1, v3;
	_ =	sdelay $0x2  }
0xc9: {  	[tilespmem:s22], [sflag:$0x1] =	stream.indirect_vreg.gather [hbm4b:s4+s3], $0x80, v4, vm0, $0xb8;
	[tilespmem:$0x17B00] =	vst v63  }
0xca: {  	s31 =	rddreg [dreg:$0x15]  }
0xcb: {  	[tilespmem:s31], [sflag:$0x1] =	stream.indirect_vreg.gather [hbm4b:s4+s3], $0x80, v3, vm0, $0xb8;
	[tilespmem:$0x17B00] =	vst v63  }
0xcc: {  	v3 =	vld [tilespmem:s30+$0x2830];
	_ =	sdelay $0x4  }
0xcd: {  	v62 =	vshll.u32 v3, $0x1  }
0xce: {  	v3 =	vand.u32 $0x7, v3;
	v4 =	vand.u32 $0xFFFFFFF0, v62  }
0xcf: {  	v3 =	vor.u32 v3, v4  }
0xd0: {  	v4 =	vperm.xlane v3, v0;
	_ =	sdelay $0x1  }
0xd1: {  	v3 =	vperm.xlane v3, v2;
	v4 =	vadd.s32 v1, v4;
	_ =	sdelay $0x1  }
0xd2: {  	v3 =	vadd.s32 v1, v3;
	_ =	sdelay $0x1  }
0xd3: {  	s2 =	rddreg [dreg:$0x16]  }
0xd4: {  	[tilespmem:s2], [sflag:$0x1] =	stream.indirect_vreg.gather [hbm4b:s4+s3], $0x80, v4, vm0, $0xb8;
	[tilespmem:$0x17B00] =	vst v63  }
0xd5: {  	s31 =	rddreg [dreg:$0x17]  }
0xd6: {  	[tilespmem:s31], [sflag:$0x1] =	stream.indirect_vreg.gather [hbm4b:s4+s3], $0x80, v3, vm0, $0xb8;
	[tilespmem:$0x17B00] =	vst v63  }
0xd7: {  	v3 =	vld.msk [tilespmem:s30+$0x2840], $0xff;
	_ =	sdelay $0x4  }
0xd8: {  	v63 =	vshll.u32 v3, $0x1  }
0xd9: {  	v3 =	vand.u32 $0x7, v3;
	v4 =	vand.u32 $0xFFFFFFF0, v63  }
0xda: {  	v3 =	vor.u32 v3, v4  }
0xdb: {  	v3 =	vperm.xlane v3, v0;
	_ =	sdelay $0x1  }
0xdc: {  	v3 =	vadd.s32 v1, v3;
	_ =	sdelay $0x3  }
0xdd: {  	s2 =	rddreg [dreg:$0x18]  }
0xde: {  	[tilespmem:s2], [sflag:$0x1] =	stream.indirect_vreg.gather [hbm4b:s4+s3], $0x80, v3, vm0, $0xb8;
	[tilespmem:$0x17B00] =	vst v63  }
0xdf: {  	_ =	swait.ge [sflag:s23], $0x1400  }
0xe0: {  	[sflag:s23] =	ssyncset.done $0x0  }
0xe1: {  	[sflag:s23] =	ssyncadd.s32 $0xFFFFEC00  }
0xe2: {  	_ =	swait.ge [sflag:s23], $0x2800  }
0xe3: {  	[sflag:s23] =	ssyncset.done $0x0  }
0xe4: {  	s30 =	sadd.s32 $0xFFFFF600, s26;
	[sflag:s23] =	ssyncadd.s32 $0xFFFFD800  }
0xe5: {  	[hbm4b:s30+s3] =	stream.linear.scatter [tilespmem:s13], [sflag:$0x2], $0x1400, $0x38;
	[tilespmem:$0x17B00] =	vst v63  }
0xe6: {  	s31 =	sadd.s32 $0xFFFFEC00, s28  }
0xe7: {  	[hbm4b:s31+s3] =	stream.linear.scatter [tilespmem:s14], [sflag:$0x2], $0x2800, $0x38;
	[tilespmem:$0x17B00] =	vst v63  }
0xe8: {  	_ =	swait.ge [sflag:s23], $0x1400  }
0xe9: {  	[sflag:s23] =	ssyncset.done $0x0  }
0xea: {  	[sflag:s23] =	ssyncadd.s32 $0xFFFFEC00  }
0xeb: {  	_ =	swait.ge [sflag:s23], $0x2800  }
0xec: {  	[sflag:s23] =	ssyncset.done $0x0  }
0xed: {  	s2 =	sadd.s32 $0xFFFFF880, s26;
	[sflag:s23] =	ssyncadd.s32 $0xFFFFD800  }
0xee: {  	[hbm4b:s2+s3] =	stream.linear.scatter [tilespmem:s15], [sflag:$0x2], $0x1400, $0x38;
	[tilespmem:$0x17B00] =	vst v63  }
0xef: {  	s30 =	sadd.s32 $0xFFFFF100, s28  }
0xf0: {  	[hbm4b:s30+s3] =	stream.linear.scatter [tilespmem:s16], [sflag:$0x2], $0x2800, $0x38;
	[tilespmem:$0x17B00] =	vst v63  }
0xf1: {  	_ =	swait.ge [sflag:s23], $0x1400  }
0xf2: {  	[sflag:s23] =	ssyncset.done $0x0  }
0xf3: {  	[sflag:s23] =	ssyncadd.s32 $0xFFFFEC00  }
0xf4: {  	_ =	swait.ge [sflag:s23], $0x2800  }
0xf5: {  	[sflag:s23] =	ssyncset.done $0x0  }
0xf6: {  	s31 =	sadd.s32 $0xFFFFFB00, s26;
	[sflag:s23] =	ssyncadd.s32 $0xFFFFD800  }
0xf7: {  	[hbm4b:s31+s3] =	stream.linear.scatter [tilespmem:s17], [sflag:$0x2], $0x1400, $0x38;
	[tilespmem:$0x17B00] =	vst v63  }
0xf8: {  	s2 =	sadd.s32 $0xFFFFF600, s28  }
0xf9: {  	[hbm4b:s2+s3] =	stream.linear.scatter [tilespmem:s18], [sflag:$0x2], $0x2800, $0x38;
	[tilespmem:$0x17B00] =	vst v63  }
0xfa: {  	_ =	swait.ge [sflag:s23], $0x1400  }
0xfb: {  	[sflag:s23] =	ssyncset.done $0x0  }
0xfc: {  	[sflag:s23] =	ssyncadd.s32 $0xFFFFEC00  }
0xfd: {  	_ =	swait.ge [sflag:s23], $0x2800  }
0xfe: {  	[sflag:s23] =	ssyncset.done $0x0  }
0xff: {  	s30 =	sadd.s32 $0xFFFFFD80, s26;
	[sflag:s23] =	ssyncadd.s32 $0xFFFFD800  }
0x100: {  	[hbm4b:s30+s3] =	stream.linear.scatter [tilespmem:s19], [sflag:$0x2], $0x1400, $0x38;
	[tilespmem:$0x17B00] =	vst v63  }
0x101: {  	s31 =	sadd.s32 $0xFFFFFB00, s28  }
0x102: {  	[hbm4b:s31+s3] =	stream.linear.scatter [tilespmem:s20], [sflag:$0x2], $0x2800, $0x38;
	[tilespmem:$0x17B00] =	vst v63  }
0x103: {  	_ =	swait.ge [sflag:s23], $0x1400  }
0x104: {  	[sflag:s23] =	ssyncset.done $0x0  }
0x105: {  	[sflag:s23] =	ssyncadd.s32 $0xFFFFEC00  }
0x106: {  	s29 =	sadd.s32 $0x320, s29;
	_ =	swait.ge [sflag:s23], $0x2800  }
0x107: {  	p0 =	sne.s32 s29, $0x9C40;
	[sflag:s23] =	ssyncset.done $0x0  }
.Ltmp0:
0x108: {  	[sflag:s23] =	ssyncadd.s32 $0xFFFFD800;
	(pc) =	sbr.rel @p0 .LBB2_2-.Ltmp0, $4  }
0x109: {  	[hbm4b:s26+s3] =	stream.linear.scatter [tilespmem:s21], [sflag:$0x2], $0x1400, $0x38;
	[tilespmem:$0x17B00] =	vst v63  }
0x10a: {  	_ = 	snop  }
0x10b: {  	[hbm4b:s28+s3] =	stream.linear.scatter [tilespmem:s22], [sflag:$0x2], $0x2800, $0x38;
	[tilespmem:$0x17B00] =	vst v63  }
0x10c: {  	s26 =	sadd.s32 $0xC80, s26;
	s28 =	sadd.s32 $0x1900, s28  }
0x10d: {  	_ =	swait.ge [sflag:s24], $0x1400  }
0x10e: {  	[sflag:s24] =	ssyncset.done $0x0  }
0x10f: {  	[sflag:s24] =	ssyncadd.s32 $0xFFFFEC00  }
0x110: {  	_ =	swait.ge [sflag:s24], $0x2800  }
0x111: {  	[sflag:s24] =	ssyncset.done $0x0  }
0x112: {  	[sflag:s24] =	ssyncadd.s32 $0xFFFFD800  }
0x113: {  	_ =	swait.ge [sflag:s24], $0x1400  }
0x114: {  	[sflag:s24] =	ssyncset.done $0x0  }
0x115: {  	[sflag:s24] =	ssyncadd.s32 $0xFFFFEC00  }
0x116: {  	_ =	swait.ge [sflag:s24], $0x2800  }
0x117: {  	[sflag:s24] =	ssyncset.done $0x0  }
0x118: {  	[sflag:s24] =	ssyncadd.s32 $0xFFFFD800  }
0x119: {  	_ =	swait.ge [sflag:s24], $0x1400  }
0x11a: {  	[sflag:s24] =	ssyncset.done $0x0  }
0x11b: {  	[sflag:s24] =	ssyncadd.s32 $0xFFFFEC00  }
0x11c: {  	_ =	swait.ge [sflag:s24], $0x2800  }
0x11d: {  	[sflag:s24] =	ssyncset.done $0x0  }
0x11e: {  	[sflag:s24] =	ssyncadd.s32 $0xFFFFD800  }
0x11f: {  	_ =	swait.ge [sflag:s24], $0x1400  }
0x120: {  	[sflag:s24] =	ssyncset.done $0x0  }
0x121: {  	[sflag:s24] =	ssyncadd.s32 $0xFFFFEC00  }
0x122: {  	_ =	swait.ge [sflag:s24], $0x2800  }
0x123: {  	[sflag:s24] =	ssyncset.done $0x0  }
0x124: {  	s25 =	sadd.s32 $0x1, s25;
	[sflag:s24] =	ssyncadd.s32 $0xFFFFD800  }
0x125: {  	p0 =	sne.s32 s25, s7;
	_ =	swait.ge [sflag:s24], $0x1400  }
.Ltmp1:
0x126: {  	[sflag:s24] =	ssyncset.done $0x0;
	(pc) =	sbr.rel @p0 .LBB2_1-.Ltmp1, $4  }
0x127: {  	[sflag:s24] =	ssyncadd.s32 $0xFFFFEC00  }
0x128: {  	_ =	swait.ge [sflag:s24], $0x2800  }
0x129: {  	[sflag:s24] =	ssyncset.done $0x0  }
0x12a: {  	[sflag:s24] =	ssyncadd.s32 $0xFFFFD800  }
0x12b: {  	_ =	sfence.sel $0x180000  }
0x12c: {  	[bflag:$0x0] =	sbarrier.arrive $0xFFFF  }
0x12d: {  	_ =	strace $0x90000047  }
0x12e: {  	s0 =	stileid.u32;
	[bflag:$0x2] =	sbarrier.arrive $0xFFFF  }
0x12f: {  	p0 =	sne.s32 s0, $0x0;
	s0 =	rddreg [dreg:$0x4]  }
0x130: {  	s0 =	sadd.s32 @!p0 $0x100000, s0  }
0x131: {  	[sflag:s0] =	ssyncadd.tile.s32 @!p0 $0x1;
	_ =	shalt  }
.Lfunc_end2:
_tile_overlayer_lowered:
.L_overlay_start_2:
0x132: {  	(tag) =	ssettag $0x2  }
0x133: {  	s0 =	rddreg [dreg:$0x0];
	s2 =	stileid.u32  }
0x134: {  	s1 =	rddreg [dreg:$0x1];
	p0 =	sne.s32 s2, $0x0  }
0x135: {  	s3 =	rddreg [dreg:$0x2];
	[bflag:$0x3] =	sbarrier.arrive $0xFFFF;
	s2 =	simm.s32 @!p0 $0x1C03  }
0x136: {  	[timem:s3], [sflag:s2] =	dma.local @!p0 [hbm:s0], s1  }
0x137: {  	s0 =	simm.s32 @!p0 $0x3  }
0x138: {  	_ =	swait.ge @!p0 [sflag:s0], s1  }
0x139: {  	s1 =	ssub.s32 @!p0 $0x0, s1;
	[sflag:s0] =	ssyncset.done @!p0 $0x0  }
0x13a: {  	[sflag:s0] =	ssyncadd.s32 @!p0 s1  }
0x13b: {  	[bflag:$0x3] =	sbarrier.arrive $0xFFFF  }
0x13c: {  	_ =	shalt  }

</sc_bundles>
